<compile_context>
chip_gen: v7x
topology: tpu7x:2x2x1
jax: 0.10.2.dev20260603
libtpu: 0.0.44.dev20260713+nightly
codegen_flags: <defaults>
</compile_context>

<pallas_src>
import functools

import jax
import jax.numpy as jnp
from jax import lax
from jax.experimental import pallas as pl
from jax.experimental.pallas import tpu as pltpu
from jax.experimental.pallas import tpu_sc as plsc

D_EMB = 64
D_MODEL = 128
VOCAB = 8
B = 16384
L = 200
N = B * L

NC = 2
NS = 16
NW = NC * NS
PER_W = N // NW
CHUNK = 400
NCHUNK = PER_W // CHUNK
GROUPS = CHUNK // 16
OCHUNK = CHUNK * D_MODEL


def _table_body(emb_ref, w_ref, b_ref, t_ref):
    t_ref[...] = (
        jnp.dot(emb_ref[...], w_ref[...], preferred_element_type=jnp.float32)
        + b_ref[...]
    )


def _fused_table(emb_table, W, b):
    return pl.pallas_call(
        _table_body,
        out_shape=jax.ShapeDtypeStruct((VOCAB, D_MODEL), jnp.float32),
    )(emb_table, W, b.reshape(1, D_MODEL))


_sc_mesh = plsc.VectorSubcoreMesh(core_axis_name="c", subcore_axis_name="s")


@functools.partial(
    pl.kernel,
    mesh=_sc_mesh,
    out_type=jax.ShapeDtypeStruct((N * D_MODEL,), jnp.float32),
    compiler_params=pltpu.CompilerParams(needs_layout_passes=False),
    scratch_types=[
        pltpu.VMEM((VOCAB * D_MODEL,), jnp.float32),
        pltpu.VMEM((CHUNK,), jnp.int32),
        pltpu.VMEM((CHUNK,), jnp.int32),
        pltpu.VMEM((OCHUNK,), jnp.float32),
        pltpu.VMEM((OCHUNK,), jnp.float32),
        pltpu.SemaphoreType.DMA,
        pltpu.SemaphoreType.DMA,
        pltpu.SemaphoreType.DMA,
        pltpu.SemaphoreType.DMA,
        pltpu.SemaphoreType.DMA,
    ],
)
def _sc_gather(tbl_hbm, idx_hbm, out_hbm,
               tbl_v, ib0, ib1, ob0, ob1, tsem, is0, is1, os0, os1):
    wid = lax.axis_index("s") * NC + lax.axis_index("c")
    base = wid * PER_W
    obase = base * D_MODEL

    pltpu.async_copy(tbl_hbm, tbl_v, tsem).wait()
    pltpu.async_copy(idx_hbm.at[pl.ds(base, CHUNK)], ib0, is0)
    pltpu.async_copy(idx_hbm.at[pl.ds(base + CHUNK, CHUNK)], ib1, is1)

    lanes = lax.iota(jnp.int32, 16)
    coloffs = [lanes + 16 * c8 for c8 in range(8)]
    ones = jnp.full((16,), 1, jnp.int32)

    def half_step(i, g, ibuf, isem, obuf, osem):
        pltpu.make_async_copy(
            idx_hbm.at[pl.ds(base + g * CHUNK, CHUNK)], ibuf, isem).wait()

        @pl.when(i >= 1)
        def _():
            pltpu.make_async_copy(
                obuf, out_hbm.at[pl.ds(obase, OCHUNK)], osem).wait()

        def group(k, carry):
            rvec0 = jnp.broadcast_to(k * 16, (16,)).astype(jnp.int32)
            kbase = k * (16 * D_MODEL)
            rbases = []
            rvec = rvec0
            for u in range(16):
                bvec = plsc.load_gather(ibuf, [rvec])
                rbases.append(bvec * D_MODEL)
                rvec = rvec + ones
            DEPTH = 8
            items = [(u, c8) for u in range(16) for c8 in range(8)]
            vals = []
            for t, (u, c8) in enumerate(items):
                vals.append(plsc.load_gather(tbl_v, [rbases[u] + coloffs[c8]]))
                if t >= DEPTH:
                    su, sc8 = items[t - DEPTH]
                    obuf[pl.ds(kbase + su * D_MODEL + 16 * sc8, 16)] = (
                        vals[t - DEPTH])
            for t in range(len(items) - DEPTH, len(items)):
                su, sc8 = items[t]
                obuf[pl.ds(kbase + su * D_MODEL + 16 * sc8, 16)] = vals[t]
            return carry

        lax.fori_loop(0, GROUPS, group, 0)

        pltpu.async_copy(
            obuf, out_hbm.at[pl.ds(obase + g * OCHUNK, OCHUNK)], osem)

        @pl.when(g < NCHUNK - 2)
        def _():
            pltpu.async_copy(
                idx_hbm.at[pl.ds(base + (g + 2) * CHUNK, CHUNK)], ibuf, isem)

    def loop_body(i, carry):
        half_step(i, 2 * i, ib0, is0, ob0, os0)
        half_step(i, 2 * i + 1, ib1, is1, ob1, os1)
        return carry

    lax.fori_loop(0, NCHUNK // 2, loop_body, 0)

    pltpu.make_async_copy(
        ob0.at[pl.ds(0, OCHUNK)], out_hbm.at[pl.ds(obase, OCHUNK)], os0).wait()
    pltpu.make_async_copy(
        ob1.at[pl.ds(0, OCHUNK)], out_hbm.at[pl.ds(obase, OCHUNK)], os1).wait()


def kernel(x, emb_table, W, b):
    table = _fused_table(emb_table, W, b)
    idx = x.reshape(N).astype(jnp.int32)
    out = _sc_gather(table.reshape(VOCAB * D_MODEL), idx)
    return out.reshape(B, L, D_MODEL)

# --- scband reference (transcript-rebuilt; emitter-appended) ---
"""Pipeline reference for scband-weekday-embedding-19069654794832 (READ-ONLY COPY).

The authoritative reference and input builder live on the scoring server;
editing this copy changes nothing except your own understanding.
"""

import jax, jax.numpy as jnp
import numpy as np

D_EMB = 64
D_MODEL = 128
VOCAB = 8
B = 16384
L = 200

def setup_inputs(seed: int = 0) -> dict:
    key = jax.random.key(seed)
    k1, k2, k3, k4 = jax.random.split(key, 4)
    x = jax.random.randint(k1, (B, L), 0, VOCAB, dtype=jnp.int64)
    emb_table = jax.random.normal(k2, (VOCAB, D_EMB), dtype=jnp.float32)
    W = jax.random.normal(k3, (D_EMB, D_MODEL), dtype=jnp.float32) * (1.0 / np.sqrt(D_EMB))
    b = jax.random.normal(k4, (D_MODEL,), dtype=jnp.float32) * 0.01
    return {"x": x, "emb_table": emb_table, "W": W, "b": b}

def reference(x, emb_table, W, b):
    # nn.Embedding(8, d_embedding) lookup
    e = jnp.take(emb_table, x, axis=0)  # [B, L, D_EMB]
    # nn.Linear(d_embedding, d_model)
    weekday = jnp.dot(e, W) + b  # [B, L, D_MODEL]
    return weekday

if __name__ == "__main__":
    import jax
    _d = setup_inputs()
    print(jax.jit(kernel)(*tuple(_d.values())))

</pallas_src>

<mosaic_0001>
#map = affine_map<(d0, d1) -> (0)>
module attributes {stable_mosaic.version = 14 : i64} {
  func.func @_sc_gather(%arg0: i32, %arg1: i32, %arg2: memref<1024xf32, #tpu.memory_space<hbm>>, %arg3: memref<3276800xi32, #tpu.memory_space<hbm>>, %arg4: memref<419430400xf32, #tpu.memory_space<hbm>>, %arg5: memref<1024xf32, #tpu.memory_space<vmem>>, %arg6: memref<400xi32, #tpu.memory_space<vmem>>, %arg7: memref<400xi32, #tpu.memory_space<vmem>>, %arg8: memref<51200xf32, #tpu.memory_space<vmem>>, %arg9: memref<51200xf32, #tpu.memory_space<vmem>>, %arg10: memref<!tpu.dma_semaphore, #tpu.memory_space<semaphore_mem>>, %arg11: memref<!tpu.dma_semaphore, #tpu.memory_space<semaphore_mem>>, %arg12: memref<!tpu.dma_semaphore, #tpu.memory_space<semaphore_mem>>, %arg13: memref<!tpu.dma_semaphore, #tpu.memory_space<semaphore_mem>>, %arg14: memref<!tpu.dma_semaphore, #tpu.memory_space<semaphore_mem>>) attributes {dimension_semantics = [#tpu.dimension_semantics<core_parallel>, #tpu.dimension_semantics<subcore_parallel>], iteration_bounds = array<i64: 2, 16>, scalar_prefetch = 0 : i64, scratch_operands = 10 : i64, tpu.core_type = #tpu.core_type<sc_vector_subcore>, window_params = [{transform_indices = #map}, {transform_indices = #map}, {transform_indices = #map}]} {
    %mul3A = arith.constant 2 : i32
    %mul3A_0 = arith.muli %arg1, %mul3A : i32
    %add3A = arith.addi %mul3A_0, %arg0 : i32
    %mul3A_1 = arith.constant 102400 : i32
    %mul3A_2 = arith.muli %add3A, %mul3A_1 : i32
    %mul3A_3 = arith.constant 128 : i32
    %mul3A_4 = arith.muli %mul3A_2, %mul3A_3 : i32
    tpu.enqueue_dma source(%arg2 : memref<1024xf32, #tpu.memory_space<hbm>>) target(%arg5 : memref<1024xf32, #tpu.memory_space<vmem>>) target_semaphore(%arg10 : memref<!tpu.dma_semaphore, #tpu.memory_space<semaphore_mem>>)
    tpu.wait_dma2 semaphore(%arg10 : memref<!tpu.dma_semaphore, #tpu.memory_space<semaphore_mem>>) src(%arg2 : memref<1024xf32, #tpu.memory_space<hbm>>) dst(%arg5 : memref<1024xf32, #tpu.memory_space<vmem>>)
    %dma_start3A = tpu.memref_slice %arg3[%mul3A_2] : memref<3276800xi32, #tpu.memory_space<hbm>> -> memref<400xi32, #tpu.memory_space<hbm>>
    %dma_start3A_5 = tpu.memref_slice %arg3[%mul3A_2] : memref<3276800xi32, #tpu.memory_space<hbm>> -> memref<400xi32, #tpu.memory_space<hbm>>
    tpu.enqueue_dma source(%dma_start3A_5 : memref<400xi32, #tpu.memory_space<hbm>>) target(%arg6 : memref<400xi32, #tpu.memory_space<vmem>>) target_semaphore(%arg11 : memref<!tpu.dma_semaphore, #tpu.memory_space<semaphore_mem>>)
    %add3A_6 = arith.constant 400 : i32
    %add3A_7 = arith.addi %mul3A_2, %add3A_6 : i32
    %dma_start3A_8 = tpu.memref_slice %arg3[%add3A_7] : memref<3276800xi32, #tpu.memory_space<hbm>> -> memref<400xi32, #tpu.memory_space<hbm>>
    %dma_start3A_9 = tpu.memref_slice %arg3[%add3A_7] : memref<3276800xi32, #tpu.memory_space<hbm>> -> memref<400xi32, #tpu.memory_space<hbm>>
    tpu.enqueue_dma source(%dma_start3A_9 : memref<400xi32, #tpu.memory_space<hbm>>) target(%arg7 : memref<400xi32, #tpu.memory_space<vmem>>) target_semaphore(%arg12 : memref<!tpu.dma_semaphore, #tpu.memory_space<semaphore_mem>>)
    %iota3A = tpu.iota {dimensions = array<i32: 0>} : vector<16xi32>
    %add3A_10 = arith.constant 0 : i32
    %add3A_11 = vector.broadcast %add3A_10 : i32 to vector<16xi32>
    %add3A_12 = arith.addi %iota3A, %add3A_11 : vector<16xi32>
    %add3A_13 = arith.constant 16 : i32
    %add3A_14 = vector.broadcast %add3A_13 : i32 to vector<16xi32>
    %add3A_15 = arith.addi %iota3A, %add3A_14 : vector<16xi32>
    %add3A_16 = arith.constant 32 : i32
    %add3A_17 = vector.broadcast %add3A_16 : i32 to vector<16xi32>
    %add3A_18 = arith.addi %iota3A, %add3A_17 : vector<16xi32>
    %add3A_19 = arith.constant 48 : i32
    %add3A_20 = vector.broadcast %add3A_19 : i32 to vector<16xi32>
    %add3A_21 = arith.addi %iota3A, %add3A_20 : vector<16xi32>
    %add3A_22 = arith.constant 64 : i32
    %add3A_23 = vector.broadcast %add3A_22 : i32 to vector<16xi32>
    %add3A_24 = arith.addi %iota3A, %add3A_23 : vector<16xi32>
    %add3A_25 = arith.constant 80 : i32
    %add3A_26 = vector.broadcast %add3A_25 : i32 to vector<16xi32>
    %add3A_27 = arith.addi %iota3A, %add3A_26 : vector<16xi32>
    %add3A_28 = arith.constant 96 : i32
    %add3A_29 = vector.broadcast %add3A_28 : i32 to vector<16xi32>
    %add3A_30 = arith.addi %iota3A, %add3A_29 : vector<16xi32>
    %add3A_31 = arith.constant 112 : i32
    %add3A_32 = vector.broadcast %add3A_31 : i32 to vector<16xi32>
    %add3A_33 = arith.addi %iota3A, %add3A_32 : vector<16xi32>
    %broadcast_in_dim3A = arith.constant 1 : i32
    %broadcast_in_dim3A_34 = vector.broadcast %broadcast_in_dim3A : i32 to vector<16xi32>
    %scan3A = arith.constant 0 : i32
    %scan3A_35 = arith.constant 0 : i32
    %scan3A_36 = arith.constant 128 : i32
    %scan3A_37 = arith.addi %scan3A_35, %scan3A_36 : i32
    %scan3A_38 = arith.constant 1 : i32
    scf.for %scan3A_51 = %scan3A_35 to %scan3A_37 step %scan3A_38  : i32 {
      %mul3A_52 = arith.constant 2 : i32
      %mul3A_53 = arith.muli %mul3A_52, %scan3A_51 : i32
      %mul3A_54 = arith.constant 400 : i32
      %mul3A_55 = arith.muli %mul3A_53, %mul3A_54 : i32
      %add3A_56 = arith.addi %mul3A_2, %mul3A_55 : i32
      %dma_wait3A_57 = tpu.memref_slice %arg3[%add3A_56] : memref<3276800xi32, #tpu.memory_space<hbm>> -> memref<400xi32, #tpu.memory_space<hbm>>
      %dma_wait3A_58 = tpu.memref_slice %arg3[%add3A_56] : memref<3276800xi32, #tpu.memory_space<hbm>> -> memref<400xi32, #tpu.memory_space<hbm>>
      tpu.wait_dma2 semaphore(%arg11 : memref<!tpu.dma_semaphore, #tpu.memory_space<semaphore_mem>>) src(%dma_wait3A_58 : memref<400xi32, #tpu.memory_space<hbm>>) dst(%arg6 : memref<400xi32, #tpu.memory_space<vmem>>)
      %ge3A = arith.constant 1 : i32
      %ge3A_59 = arith.cmpi sge, %scan3A_51, %ge3A : i32
      %convert_element_type3A = arith.extui %ge3A_59 : i1 to i32
      %cond3A = arith.constant 0 : i32
      %cond3A_60 = arith.cmpi ne, %convert_element_type3A, %cond3A : i32
      scf.if %cond3A_60 {
        %dma_wait3A_106 = tpu.memref_slice %arg4[%mul3A_4] : memref<419430400xf32, #tpu.memory_space<hbm>> -> memref<51200xf32, #tpu.memory_space<hbm>>
        %dma_wait3A_107 = tpu.memref_slice %arg4[%mul3A_4] : memref<419430400xf32, #tpu.memory_space<hbm>> -> memref<51200xf32, #tpu.memory_space<hbm>>
        tpu.wait_dma2 semaphore(%arg13 : memref<!tpu.dma_semaphore, #tpu.memory_space<semaphore_mem>>) src(%arg8 : memref<51200xf32, #tpu.memory_space<vmem>>) dst(%dma_wait3A_107 : memref<51200xf32, #tpu.memory_space<hbm>>)
      } else {
      }
      %scan3A_61 = arith.constant 0 : i32
      %scan3A_62 = arith.constant 0 : i32
      %scan3A_63 = arith.constant 25 : i32
      %scan3A_64 = arith.addi %scan3A_62, %scan3A_63 : i32
      %scan3A_65 = arith.constant 1 : i32
      scf.for %scan3A_106 = %scan3A_62 to %scan3A_64 step %scan3A_65  : i32 {
        %mul3A_107 = arith.constant 16 : i32
        %mul3A_108 = arith.muli %scan3A_106, %mul3A_107 : i32
        %broadcast_in_dim3A_109 = vector.broadcast %mul3A_108 : i32 to vector<16xi32>
        %mul3A_110 = arith.constant 2048 : i32
        %mul3A_111 = arith.muli %scan3A_106, %mul3A_110 : i32
        %gather3A = tpu.vector_load_idx %arg6[%broadcast_in_dim3A_109] : memref<400xi32, #tpu.memory_space<vmem>>[vector<16xi32>], vector<16xi32>,
        %mul3A_112 = arith.constant 128 : i32
        %mul3A_113 = vector.broadcast %mul3A_112 : i32 to vector<16xi32>
        %mul3A_114 = arith.muli %gather3A, %mul3A_113 : vector<16xi32>
        %add3A_115 = arith.addi %broadcast_in_dim3A_109, %broadcast_in_dim3A_34 : vector<16xi32>
        %gather3A_116 = tpu.vector_load_idx %arg6[%add3A_115] : memref<400xi32, #tpu.memory_space<vmem>>[vector<16xi32>], vector<16xi32>,
        %mul3A_117 = arith.constant 128 : i32
        %mul3A_118 = vector.broadcast %mul3A_117 : i32 to vector<16xi32>
        %mul3A_119 = arith.muli %gather3A_116, %mul3A_118 : vector<16xi32>
        %add3A_120 = arith.addi %add3A_115, %broadcast_in_dim3A_34 : vector<16xi32>
        %gather3A_121 = tpu.vector_load_idx %arg6[%add3A_120] : memref<400xi32, #tpu.memory_space<vmem>>[vector<16xi32>], vector<16xi32>,
        %mul3A_122 = arith.constant 128 : i32
        %mul3A_123 = vector.broadcast %mul3A_122 : i32 to vector<16xi32>
        %mul3A_124 = arith.muli %gather3A_121, %mul3A_123 : vector<16xi32>
        %add3A_125 = arith.addi %add3A_120, %broadcast_in_dim3A_34 : vector<16xi32>
        %gather3A_126 = tpu.vector_load_idx %arg6[%add3A_125] : memref<400xi32, #tpu.memory_space<vmem>>[vector<16xi32>], vector<16xi32>,
        %mul3A_127 = arith.constant 128 : i32
        %mul3A_128 = vector.broadcast %mul3A_127 : i32 to vector<16xi32>
        %mul3A_129 = arith.muli %gather3A_126, %mul3A_128 : vector<16xi32>
        %add3A_130 = arith.addi %add3A_125, %broadcast_in_dim3A_34 : vector<16xi32>
        %gather3A_131 = tpu.vector_load_idx %arg6[%add3A_130] : memref<400xi32, #tpu.memory_space<vmem>>[vector<16xi32>], vector<16xi32>,
        %mul3A_132 = arith.constant 128 : i32
        %mul3A_133 = vector.broadcast %mul3A_132 : i32 to vector<16xi32>
        %mul3A_134 = arith.muli %gather3A_131, %mul3A_133 : vector<16xi32>
        %add3A_135 = arith.addi %add3A_130, %broadcast_in_dim3A_34 : vector<16xi32>
        %gather3A_136 = tpu.vector_load_idx %arg6[%add3A_135] : memref<400xi32, #tpu.memory_space<vmem>>[vector<16xi32>], vector<16xi32>,
        %mul3A_137 = arith.constant 128 : i32
        %mul3A_138 = vector.broadcast %mul3A_137 : i32 to vector<16xi32>
        %mul3A_139 = arith.muli %gather3A_136, %mul3A_138 : vector<16xi32>
        %add3A_140 = arith.addi %add3A_135, %broadcast_in_dim3A_34 : vector<16xi32>
        %gather3A_141 = tpu.vector_load_idx %arg6[%add3A_140] : memref<400xi32, #tpu.memory_space<vmem>>[vector<16xi32>], vector<16xi32>,
        %mul3A_142 = arith.constant 128 : i32
        %mul3A_143 = vector.broadcast %mul3A_142 : i32 to vector<16xi32>
        %mul3A_144 = arith.muli %gather3A_141, %mul3A_143 : vector<16xi32>
        %add3A_145 = arith.addi %add3A_140, %broadcast_in_dim3A_34 : vector<16xi32>
        %gather3A_146 = tpu.vector_load_idx %arg6[%add3A_145] : memref<400xi32, #tpu.memory_space<vmem>>[vector<16xi32>], vector<16xi32>,
        %mul3A_147 = arith.constant 128 : i32
        %mul3A_148 = vector.broadcast %mul3A_147 : i32 to vector<16xi32>
        %mul3A_149 = arith.muli %gather3A_146, %mul3A_148 : vector<16xi32>
        %add3A_150 = arith.addi %add3A_145, %broadcast_in_dim3A_34 : vector<16xi32>
        %gather3A_151 = tpu.vector_load_idx %arg6[%add3A_150] : memref<400xi32, #tpu.memory_space<vmem>>[vector<16xi32>], vector<16xi32>,
        %mul3A_152 = arith.constant 128 : i32
        %mul3A_153 = vector.broadcast %mul3A_152 : i32 to vector<16xi32>
        %mul3A_154 = arith.muli %gather3A_151, %mul3A_153 : vector<16xi32>
        %add3A_155 = arith.addi %add3A_150, %broadcast_in_dim3A_34 : vector<16xi32>
        %gather3A_156 = tpu.vector_load_idx %arg6[%add3A_155] : memref<400xi32, #tpu.memory_space<vmem>>[vector<16xi32>], vector<16xi32>,
        %mul3A_157 = arith.constant 128 : i32
        %mul3A_158 = vector.broadcast %mul3A_157 : i32 to vector<16xi32>
        %mul3A_159 = arith.muli %gather3A_156, %mul3A_158 : vector<16xi32>
        %add3A_160 = arith.addi %add3A_155, %broadcast_in_dim3A_34 : vector<16xi32>
        %gather3A_161 = tpu.vector_load_idx %arg6[%add3A_160] : memref<400xi32, #tpu.memory_space<vmem>>[vector<16xi32>], vector<16xi32>,
        %mul3A_162 = arith.constant 128 : i32
        %mul3A_163 = vector.broadcast %mul3A_162 : i32 to vector<16xi32>
        %mul3A_164 = arith.muli %gather3A_161, %mul3A_163 : vector<16xi32>
        %add3A_165 = arith.addi %add3A_160, %broadcast_in_dim3A_34 : vector<16xi32>
        %gather3A_166 = tpu.vector_load_idx %arg6[%add3A_165] : memref<400xi32, #tpu.memory_space<vmem>>[vector<16xi32>], vector<16xi32>,
        %mul3A_167 = arith.constant 128 : i32
        %mul3A_168 = vector.broadcast %mul3A_167 : i32 to vector<16xi32>
        %mul3A_169 = arith.muli %gather3A_166, %mul3A_168 : vector<16xi32>
        %add3A_170 = arith.addi %add3A_165, %broadcast_in_dim3A_34 : vector<16xi32>
        %gather3A_171 = tpu.vector_load_idx %arg6[%add3A_170] : memref<400xi32, #tpu.memory_space<vmem>>[vector<16xi32>], vector<16xi32>,
        %mul3A_172 = arith.constant 128 : i32
        %mul3A_173 = vector.broadcast %mul3A_172 : i32 to vector<16xi32>
        %mul3A_174 = arith.muli %gather3A_171, %mul3A_173 : vector<16xi32>
        %add3A_175 = arith.addi %add3A_170, %broadcast_in_dim3A_34 : vector<16xi32>
        %gather3A_176 = tpu.vector_load_idx %arg6[%add3A_175] : memref<400xi32, #tpu.memory_space<vmem>>[vector<16xi32>], vector<16xi32>,
        %mul3A_177 = arith.constant 128 : i32
        %mul3A_178 = vector.broadcast %mul3A_177 : i32 to vector<16xi32>
        %mul3A_179 = arith.muli %gather3A_176, %mul3A_178 : vector<16xi32>
        %add3A_180 = arith.addi %add3A_175, %broadcast_in_dim3A_34 : vector<16xi32>
        %gather3A_181 = tpu.vector_load_idx %arg6[%add3A_180] : memref<400xi32, #tpu.memory_space<vmem>>[vector<16xi32>], vector<16xi32>,
        %mul3A_182 = arith.constant 128 : i32
        %mul3A_183 = vector.broadcast %mul3A_182 : i32 to vector<16xi32>
        %mul3A_184 = arith.muli %gather3A_181, %mul3A_183 : vector<16xi32>
        %add3A_185 = arith.addi %add3A_180, %broadcast_in_dim3A_34 : vector<16xi32>
        %gather3A_186 = tpu.vector_load_idx %arg6[%add3A_185] : memref<400xi32, #tpu.memory_space<vmem>>[vector<16xi32>], vector<16xi32>,
        %mul3A_187 = arith.constant 128 : i32
        %mul3A_188 = vector.broadcast %mul3A_187 : i32 to vector<16xi32>
        %mul3A_189 = arith.muli %gather3A_186, %mul3A_188 : vector<16xi32>
        %add3A_190 = arith.addi %add3A_185, %broadcast_in_dim3A_34 : vector<16xi32>
        %add3A_191 = arith.addi %mul3A_114, %add3A_12 : vector<16xi32>
        %gather3A_192 = tpu.vector_load_idx %arg5[%add3A_191] : memref<1024xf32, #tpu.memory_space<vmem>>[vector<16xi32>], vector<16xf32>,
        %add3A_193 = arith.addi %mul3A_114, %add3A_15 : vector<16xi32>
        %gather3A_194 = tpu.vector_load_idx %arg5[%add3A_193] : memref<1024xf32, #tpu.memory_space<vmem>>[vector<16xi32>], vector<16xf32>,
        %add3A_195 = arith.addi %mul3A_114, %add3A_18 : vector<16xi32>
        %gather3A_196 = tpu.vector_load_idx %arg5[%add3A_195] : memref<1024xf32, #tpu.memory_space<vmem>>[vector<16xi32>], vector<16xf32>,
        %add3A_197 = arith.addi %mul3A_114, %add3A_21 : vector<16xi32>
        %gather3A_198 = tpu.vector_load_idx %arg5[%add3A_197] : memref<1024xf32, #tpu.memory_space<vmem>>[vector<16xi32>], vector<16xf32>,
        %add3A_199 = arith.addi %mul3A_114, %add3A_24 : vector<16xi32>
        %gather3A_200 = tpu.vector_load_idx %arg5[%add3A_199] : memref<1024xf32, #tpu.memory_space<vmem>>[vector<16xi32>], vector<16xf32>,
        %add3A_201 = arith.addi %mul3A_114, %add3A_27 : vector<16xi32>
        %gather3A_202 = tpu.vector_load_idx %arg5[%add3A_201] : memref<1024xf32, #tpu.memory_space<vmem>>[vector<16xi32>], vector<16xf32>,
        %add3A_203 = arith.addi %mul3A_114, %add3A_30 : vector<16xi32>
        %gather3A_204 = tpu.vector_load_idx %arg5[%add3A_203] : memref<1024xf32, #tpu.memory_space<vmem>>[vector<16xi32>], vector<16xf32>,
        %add3A_205 = arith.addi %mul3A_114, %add3A_33 : vector<16xi32>
        %gather3A_206 = tpu.vector_load_idx %arg5[%add3A_205] : memref<1024xf32, #tpu.memory_space<vmem>>[vector<16xi32>], vector<16xf32>,
        %add3A_207 = arith.addi %mul3A_119, %add3A_12 : vector<16xi32>
        %gather3A_208 = tpu.vector_load_idx %arg5[%add3A_207] : memref<1024xf32, #tpu.memory_space<vmem>>[vector<16xi32>], vector<16xf32>,
        %add3A_209 = arith.constant 0 : i32
        %add3A_210 = arith.addi %mul3A_111, %add3A_209 : i32
        %add3A_211 = arith.constant 0 : i32
        %add3A_212 = arith.addi %add3A_210, %add3A_211 : i32
        %swap3A = arith.index_cast %add3A_212 : i32 to index
        %swap3A_213 = tpu.vector_load %arg8[%swap3A] {strides = array<i32>} : memref<51200xf32, #tpu.memory_space<vmem>>, vector<16xf32>,
        tpu.vector_store %arg8[%swap3A], %gather3A_192 {strides = array<i32>} : memref<51200xf32, #tpu.memory_space<vmem>>, vector<16xf32>,
        %add3A_214 = arith.addi %mul3A_119, %add3A_15 : vector<16xi32>
        %gather3A_215 = tpu.vector_load_idx %arg5[%add3A_214] : memref<1024xf32, #tpu.memory_space<vmem>>[vector<16xi32>], vector<16xf32>,
        %add3A_216 = arith.constant 0 : i32
        %add3A_217 = arith.addi %mul3A_111, %add3A_216 : i32
        %add3A_218 = arith.constant 16 : i32
        %add3A_219 = arith.addi %add3A_217, %add3A_218 : i32
        %swap3A_220 = arith.index_cast %add3A_219 : i32 to index
        %swap3A_221 = tpu.vector_load %arg8[%swap3A_220] {strides = array<i32>} : memref<51200xf32, #tpu.memory_space<vmem>>, vector<16xf32>,
        tpu.vector_store %arg8[%swap3A_220], %gather3A_194 {strides = array<i32>} : memref<51200xf32, #tpu.memory_space<vmem>>, vector<16xf32>,
        %add3A_222 = arith.addi %mul3A_119, %add3A_18 : vector<16xi32>
        %gather3A_223 = tpu.vector_load_idx %arg5[%add3A_222] : memref<1024xf32, #tpu.memory_space<vmem>>[vector<16xi32>], vector<16xf32>,
        %add3A_224 = arith.constant 0 : i32
        %add3A_225 = arith.addi %mul3A_111, %add3A_224 : i32
        %add3A_226 = arith.constant 32 : i32
        %add3A_227 = arith.addi %add3A_225, %add3A_226 : i32
        %swap3A_228 = arith.index_cast %add3A_227 : i32 to index
        %swap3A_229 = tpu.vector_load %arg8[%swap3A_228] {strides = array<i32>} : memref<51200xf32, #tpu.memory_space<vmem>>, vector<16xf32>,
        tpu.vector_store %arg8[%swap3A_228], %gather3A_196 {strides = array<i32>} : memref<51200xf32, #tpu.memory_space<vmem>>, vector<16xf32>,
        %add3A_230 = arith.addi %mul3A_119, %add3A_21 : vector<16xi32>
        %gather3A_231 = tpu.vector_load_idx %arg5[%add3A_230] : memref<1024xf32, #tpu.memory_space<vmem>>[vector<16xi32>], vector<16xf32>,
        %add3A_232 = arith.constant 0 : i32
        %add3A_233 = arith.addi %mul3A_111, %add3A_232 : i32
        %add3A_234 = arith.constant 48 : i32
        %add3A_235 = arith.addi %add3A_233, %add3A_234 : i32
        %swap3A_236 = arith.index_cast %add3A_235 : i32 to index
        %swap3A_237 = tpu.vector_load %arg8[%swap3A_236] {strides = array<i32>} : memref<51200xf32, #tpu.memory_space<vmem>>, vector<16xf32>,
        tpu.vector_store %arg8[%swap3A_236], %gather3A_198 {strides = array<i32>} : memref<51200xf32, #tpu.memory_space<vmem>>, vector<16xf32>,
        %add3A_238 = arith.addi %mul3A_119, %add3A_24 : vector<16xi32>
        %gather3A_239 = tpu.vector_load_idx %arg5[%add3A_238] : memref<1024xf32, #tpu.memory_space<vmem>>[vector<16xi32>], vector<16xf32>,
        %add3A_240 = arith.constant 0 : i32
        %add3A_241 = arith.addi %mul3A_111, %add3A_240 : i32
        %add3A_242 = arith.constant 64 : i32
        %add3A_243 = arith.addi %add3A_241, %add3A_242 : i32
        %swap3A_244 = arith.index_cast %add3A_243 : i32 to index
        %swap3A_245 = tpu.vector_load %arg8[%swap3A_244] {strides = array<i32>} : memref<51200xf32, #tpu.memory_space<vmem>>, vector<16xf32>,
        tpu.vector_store %arg8[%swap3A_244], %gather3A_200 {strides = array<i32>} : memref<51200xf32, #tpu.memory_space<vmem>>, vector<16xf32>,
        %add3A_246 = arith.addi %mul3A_119, %add3A_27 : vector<16xi32>
        %gather3A_247 = tpu.vector_load_idx %arg5[%add3A_246] : memref<1024xf32, #tpu.memory_space<vmem>>[vector<16xi32>], vector<16xf32>,
        %add3A_248 = arith.constant 0 : i32
        %add3A_249 = arith.addi %mul3A_111, %add3A_248 : i32
        %add3A_250 = arith.constant 80 : i32
        %add3A_251 = arith.addi %add3A_249, %add3A_250 : i32
        %swap3A_252 = arith.index_cast %add3A_251 : i32 to index
        %swap3A_253 = tpu.vector_load %arg8[%swap3A_252] {strides = array<i32>} : memref<51200xf32, #tpu.memory_space<vmem>>, vector<16xf32>,
        tpu.vector_store %arg8[%swap3A_252], %gather3A_202 {strides = array<i32>} : memref<51200xf32, #tpu.memory_space<vmem>>, vector<16xf32>,
        %add3A_254 = arith.addi %mul3A_119, %add3A_30 : vector<16xi32>
        %gather3A_255 = tpu.vector_load_idx %arg5[%add3A_254] : memref<1024xf32, #tpu.memory_space<vmem>>[vector<16xi32>], vector<16xf32>,
        %add3A_256 = arith.constant 0 : i32
        %add3A_257 = arith.addi %mul3A_111, %add3A_256 : i32
        %add3A_258 = arith.constant 96 : i32
        %add3A_259 = arith.addi %add3A_257, %add3A_258 : i32
        %swap3A_260 = arith.index_cast %add3A_259 : i32 to index
        %swap3A_261 = tpu.vector_load %arg8[%swap3A_260] {strides = array<i32>} : memref<51200xf32, #tpu.memory_space<vmem>>, vector<16xf32>,
        tpu.vector_store %arg8[%swap3A_260], %gather3A_204 {strides = array<i32>} : memref<51200xf32, #tpu.memory_space<vmem>>, vector<16xf32>,
        %add3A_262 = arith.addi %mul3A_119, %add3A_33 : vector<16xi32>
        %gather3A_263 = tpu.vector_load_idx %arg5[%add3A_262] : memref<1024xf32, #tpu.memory_space<vmem>>[vector<16xi32>], vector<16xf32>,
        %add3A_264 = arith.constant 0 : i32
        %add3A_265 = arith.addi %mul3A_111, %add3A_264 : i32
        %add3A_266 = arith.constant 112 : i32
        %add3A_267 = arith.addi %add3A_265, %add3A_266 : i32
        %swap3A_268 = arith.index_cast %add3A_267 : i32 to index
        %swap3A_269 = tpu.vector_load %arg8[%swap3A_268] {strides = array<i32>} : memref<51200xf32, #tpu.memory_space<vmem>>, vector<16xf32>,
        tpu.vector_store %arg8[%swap3A_268], %gather3A_206 {strides = array<i32>} : memref<51200xf32, #tpu.memory_space<vmem>>, vector<16xf32>,
        %add3A_270 = arith.addi %mul3A_124, %add3A_12 : vector<16xi32>
        %gather3A_271 = tpu.vector_load_idx %arg5[%add3A_270] : memref<1024xf32, #tpu.memory_space<vmem>>[vector<16xi32>], vector<16xf32>,
        %add3A_272 = arith.constant 128 : i32
        %add3A_273 = arith.addi %mul3A_111, %add3A_272 : i32
        %add3A_274 = arith.constant 0 : i32
        %add3A_275 = arith.addi %add3A_273, %add3A_274 : i32
        %swap3A_276 = arith.index_cast %add3A_275 : i32 to index
        %swap3A_277 = tpu.vector_load %arg8[%swap3A_276] {strides = array<i32>} : memref<51200xf32, #tpu.memory_space<vmem>>, vector<16xf32>,
        tpu.vector_store %arg8[%swap3A_276], %gather3A_208 {strides = array<i32>} : memref<51200xf32, #tpu.memory_space<vmem>>, vector<16xf32>,
        %add3A_278 = arith.addi %mul3A_124, %add3A_15 : vector<16xi32>
        %gather3A_279 = tpu.vector_load_idx %arg5[%add3A_278] : memref<1024xf32, #tpu.memory_space<vmem>>[vector<16xi32>], vector<16xf32>,
        %add3A_280 = arith.constant 128 : i32
        %add3A_281 = arith.addi %mul3A_111, %add3A_280 : i32
        %add3A_282 = arith.constant 16 : i32
        %add3A_283 = arith.addi %add3A_281, %add3A_282 : i32
        %swap3A_284 = arith.index_cast %add3A_283 : i32 to index
        %swap3A_285 = tpu.vector_load %arg8[%swap3A_284] {strides = array<i32>} : memref<51200xf32, #tpu.memory_space<vmem>>, vector<16xf32>,
        tpu.vector_store %arg8[%swap3A_284], %gather3A_215 {strides = array<i32>} : memref<51200xf32, #tpu.memory_space<vmem>>, vector<16xf32>,
        %add3A_286 = arith.addi %mul3A_124, %add3A_18 : vector<16xi32>
        %gather3A_287 = tpu.vector_load_idx %arg5[%add3A_286] : memref<1024xf32, #tpu.memory_space<vmem>>[vector<16xi32>], vector<16xf32>,
        %add3A_288 = arith.constant 128 : i32
        %add3A_289 = arith.addi %mul3A_111, %add3A_288 : i32
        %add3A_290 = arith.constant 32 : i32
        %add3A_291 = arith.addi %add3A_289, %add3A_290 : i32
        %swap3A_292 = arith.index_cast %add3A_291 : i32 to index
        %swap3A_293 = tpu.vector_load %arg8[%swap3A_292] {strides = array<i32>} : memref<51200xf32, #tpu.memory_space<vmem>>, vector<16xf32>,
        tpu.vector_store %arg8[%swap3A_292], %gather3A_223 {strides = array<i32>} : memref<51200xf32, #tpu.memory_space<vmem>>, vector<16xf32>,
        %add3A_294 = arith.addi %mul3A_124, %add3A_21 : vector<16xi32>
        %gather3A_295 = tpu.vector_load_idx %arg5[%add3A_294] : memref<1024xf32, #tpu.memory_space<vmem>>[vector<16xi32>], vector<16xf32>,
        %add3A_296 = arith.constant 128 : i32
        %add3A_297 = arith.addi %mul3A_111, %add3A_296 : i32
        %add3A_298 = arith.constant 48 : i32
        %add3A_299 = arith.addi %add3A_297, %add3A_298 : i32
        %swap3A_300 = arith.index_cast %add3A_299 : i32 to index
        %swap3A_301 = tpu.vector_load %arg8[%swap3A_300] {strides = array<i32>} : memref<51200xf32, #tpu.memory_space<vmem>>, vector<16xf32>,
        tpu.vector_store %arg8[%swap3A_300], %gather3A_231 {strides = array<i32>} : memref<51200xf32, #tpu.memory_space<vmem>>, vector<16xf32>,
        %add3A_302 = arith.addi %mul3A_124, %add3A_24 : vector<16xi32>
        %gather3A_303 = tpu.vector_load_idx %arg5[%add3A_302] : memref<1024xf32, #tpu.memory_space<vmem>>[vector<16xi32>], vector<16xf32>,
        %add3A_304 = arith.constant 128 : i32
        %add3A_305 = arith.addi %mul3A_111, %add3A_304 : i32
        %add3A_306 = arith.constant 64 : i32
        %add3A_307 = arith.addi %add3A_305, %add3A_306 : i32
        %swap3A_308 = arith.index_cast %add3A_307 : i32 to index
        %swap3A_309 = tpu.vector_load %arg8[%swap3A_308] {strides = array<i32>} : memref<51200xf32, #tpu.memory_space<vmem>>, vector<16xf32>,
        tpu.vector_store %arg8[%swap3A_308], %gather3A_239 {strides = array<i32>} : memref<51200xf32, #tpu.memory_space<vmem>>, vector<16xf32>,
        %add3A_310 = arith.addi %mul3A_124, %add3A_27 : vector<16xi32>
        %gather3A_311 = tpu.vector_load_idx %arg5[%add3A_310] : memref<1024xf32, #tpu.memory_space<vmem>>[vector<16xi32>], vector<16xf32>,
        %add3A_312 = arith.constant 128 : i32
        %add3A_313 = arith.addi %mul3A_111, %add3A_312 : i32
        %add3A_314 = arith.constant 80 : i32
        %add3A_315 = arith.addi %add3A_313, %add3A_314 : i32
        %swap3A_316 = arith.index_cast %add3A_315 : i32 to index
        %swap3A_317 = tpu.vector_load %arg8[%swap3A_316] {strides = array<i32>} : memref<51200xf32, #tpu.memory_space<vmem>>, vector<16xf32>,
        tpu.vector_store %arg8[%swap3A_316], %gather3A_247 {strides = array<i32>} : memref<51200xf32, #tpu.memory_space<vmem>>, vector<16xf32>,
        %add3A_318 = arith.addi %mul3A_124, %add3A_30 : vector<16xi32>
        %gather3A_319 = tpu.vector_load_idx %arg5[%add3A_318] : memref<1024xf32, #tpu.memory_space<vmem>>[vector<16xi32>], vector<16xf32>,
        %add3A_320 = arith.constant 128 : i32
        %add3A_321 = arith.addi %mul3A_111, %add3A_320 : i32
        %add3A_322 = arith.constant 96 : i32
        %add3A_323 = arith.addi %add3A_321, %add3A_322 : i32
        %swap3A_324 = arith.index_cast %add3A_323 : i32 to index
        %swap3A_325 = tpu.vector_load %arg8[%swap3A_324] {strides = array<i32>} : memref<51200xf32, #tpu.memory_space<vmem>>, vector<16xf32>,
        tpu.vector_store %arg8[%swap3A_324], %gather3A_255 {strides = array<i32>} : memref<51200xf32, #tpu.memory_space<vmem>>, vector<16xf32>,
        %add3A_326 = arith.addi %mul3A_124, %add3A_33 : vector<16xi32>
        %gather3A_327 = tpu.vector_load_idx %arg5[%add3A_326] : memref<1024xf32, #tpu.memory_space<vmem>>[vector<16xi32>], vector<16xf32>,
        %add3A_328 = arith.constant 128 : i32
        %add3A_329 = arith.addi %mul3A_111, %add3A_328 : i32
        %add3A_330 = arith.constant 112 : i32
        %add3A_331 = arith.addi %add3A_329, %add3A_330 : i32
        %swap3A_332 = arith.index_cast %add3A_331 : i32 to index
        %swap3A_333 = tpu.vector_load %arg8[%swap3A_332] {strides = array<i32>} : memref<51200xf32, #tpu.memory_space<vmem>>, vector<16xf32>,
        tpu.vector_store %arg8[%swap3A_332], %gather3A_263 {strides = array<i32>} : memref<51200xf32, #tpu.memory_space<vmem>>, vector<16xf32>,
        %add3A_334 = arith.addi %mul3A_129, %add3A_12 : vector<16xi32>
        %gather3A_335 = tpu.vector_load_idx %arg5[%add3A_334] : memref<1024xf32, #tpu.memory_space<vmem>>[vector<16xi32>], vector<16xf32>,
        %add3A_336 = arith.constant 256 : i32
        %add3A_337 = arith.addi %mul3A_111, %add3A_336 : i32
        %add3A_338 = arith.constant 0 : i32
        %add3A_339 = arith.addi %add3A_337, %add3A_338 : i32
        %swap3A_340 = arith.index_cast %add3A_339 : i32 to index
        %swap3A_341 = tpu.vector_load %arg8[%swap3A_340] {strides = array<i32>} : memref<51200xf32, #tpu.memory_space<vmem>>, vector<16xf32>,
        tpu.vector_store %arg8[%swap3A_340], %gather3A_271 {strides = array<i32>} : memref<51200xf32, #tpu.memory_space<vmem>>, vector<16xf32>,
        %add3A_342 = arith.addi %mul3A_129, %add3A_15 : vector<16xi32>
        %gather3A_343 = tpu.vector_load_idx %arg5[%add3A_342] : memref<1024xf32, #tpu.memory_space<vmem>>[vector<16xi32>], vector<16xf32>,
        %add3A_344 = arith.constant 256 : i32
        %add3A_345 = arith.addi %mul3A_111, %add3A_344 : i32
        %add3A_346 = arith.constant 16 : i32
        %add3A_347 = arith.addi %add3A_345, %add3A_346 : i32
        %swap3A_348 = arith.index_cast %add3A_347 : i32 to index
        %swap3A_349 = tpu.vector_load %arg8[%swap3A_348] {strides = array<i32>} : memref<51200xf32, #tpu.memory_space<vmem>>, vector<16xf32>,
        tpu.vector_store %arg8[%swap3A_348], %gather3A_279 {strides = array<i32>} : memref<51200xf32, #tpu.memory_space<vmem>>, vector<16xf32>,
        %add3A_350 = arith.addi %mul3A_129, %add3A_18 : vector<16xi32>
        %gather3A_351 = tpu.vector_load_idx %arg5[%add3A_350] : memref<1024xf32, #tpu.memory_space<vmem>>[vector<16xi32>], vector<16xf32>,
        %add3A_352 = arith.constant 256 : i32
        %add3A_353 = arith.addi %mul3A_111, %add3A_352 : i32
        %add3A_354 = arith.constant 32 : i32
        %add3A_355 = arith.addi %add3A_353, %add3A_354 : i32
        %swap3A_356 = arith.index_cast %add3A_355 : i32 to index
        %swap3A_357 = tpu.vector_load %arg8[%swap3A_356] {strides = array<i32>} : memref<51200xf32, #tpu.memory_space<vmem>>, vector<16xf32>,
        tpu.vector_store %arg8[%swap3A_356], %gather3A_287 {strides = array<i32>} : memref<51200xf32, #tpu.memory_space<vmem>>, vector<16xf32>,
        %add3A_358 = arith.addi %mul3A_129, %add3A_21 : vector<16xi32>
        %gather3A_359 = tpu.vector_load_idx %arg5[%add3A_358] : memref<1024xf32, #tpu.memory_space<vmem>>[vector<16xi32>], vector<16xf32>,
        %add3A_360 = arith.constant 256 : i32
        %add3A_361 = arith.addi %mul3A_111, %add3A_360 : i32
        %add3A_362 = arith.constant 48 : i32
        %add3A_363 = arith.addi %add3A_361, %add3A_362 : i32
        %swap3A_364 = arith.index_cast %add3A_363 : i32 to index
        %swap3A_365 = tpu.vector_load %arg8[%swap3A_364] {strides = array<i32>} : memref<51200xf32, #tpu.memory_space<vmem>>, vector<16xf32>,
        tpu.vector_store %arg8[%swap3A_364], %gather3A_295 {strides = array<i32>} : memref<51200xf32, #tpu.memory_space<vmem>>, vector<16xf32>,
        %add3A_366 = arith.addi %mul3A_129, %add3A_24 : vector<16xi32>
        %gather3A_367 = tpu.vector_load_idx %arg5[%add3A_366] : memref<1024xf32, #tpu.memory_space<vmem>>[vector<16xi32>], vector<16xf32>,
        %add3A_368 = arith.constant 256 : i32
        %add3A_369 = arith.addi %mul3A_111, %add3A_368 : i32
        %add3A_370 = arith.constant 64 : i32
        %add3A_371 = arith.addi %add3A_369, %add3A_370 : i32
        %swap3A_372 = arith.index_cast %add3A_371 : i32 to index
        %swap3A_373 = tpu.vector_load %arg8[%swap3A_372] {strides = array<i32>} : memref<51200xf32, #tpu.memory_space<vmem>>, vector<16xf32>,
        tpu.vector_store %arg8[%swap3A_372], %gather3A_303 {strides = array<i32>} : memref<51200xf32, #tpu.memory_space<vmem>>, vector<16xf32>,
        %add3A_374 = arith.addi %mul3A_129, %add3A_27 : vector<16xi32>
        %gather3A_375 = tpu.vector_load_idx %arg5[%add3A_374] : memref<1024xf32, #tpu.memory_space<vmem>>[vector<16xi32>], vector<16xf32>,
        %add3A_376 = arith.constant 256 : i32
        %add3A_377 = arith.addi %mul3A_111, %add3A_376 : i32
        %add3A_378 = arith.constant 80 : i32
        %add3A_379 = arith.addi %add3A_377, %add3A_378 : i32
        %swap3A_380 = arith.index_cast %add3A_379 : i32 to index
        %swap3A_381 = tpu.vector_load %arg8[%swap3A_380] {strides = array<i32>} : memref<51200xf32, #tpu.memory_space<vmem>>, vector<16xf32>,
        tpu.vector_store %arg8[%swap3A_380], %gather3A_311 {strides = array<i32>} : memref<51200xf32, #tpu.memory_space<vmem>>, vector<16xf32>,
        %add3A_382 = arith.addi %mul3A_129, %add3A_30 : vector<16xi32>
        %gather3A_383 = tpu.vector_load_idx %arg5[%add3A_382] : memref<1024xf32, #tpu.memory_space<vmem>>[vector<16xi32>], vector<16xf32>,
        %add3A_384 = arith.constant 256 : i32
        %add3A_385 = arith.addi %mul3A_111, %add3A_384 : i32
        %add3A_386 = arith.constant 96 : i32
        %add3A_387 = arith.addi %add3A_385, %add3A_386 : i32
        %swap3A_388 = arith.index_cast %add3A_387 : i32 to index
        %swap3A_389 = tpu.vector_load %arg8[%swap3A_388] {strides = array<i32>} : memref<51200xf32, #tpu.memory_space<vmem>>, vector<16xf32>,
        tpu.vector_store %arg8[%swap3A_388], %gather3A_319 {strides = array<i32>} : memref<51200xf32, #tpu.memory_space<vmem>>, vector<16xf32>,
        %add3A_390 = arith.addi %mul3A_129, %add3A_33 : vector<16xi32>
        %gather3A_391 = tpu.vector_load_idx %arg5[%add3A_390] : memref<1024xf32, #tpu.memory_space<vmem>>[vector<16xi32>], vector<16xf32>,
        %add3A_392 = arith.constant 256 : i32
        %add3A_393 = arith.addi %mul3A_111, %add3A_392 : i32
        %add3A_394 = arith.constant 112 : i32
        %add3A_395 = arith.addi %add3A_393, %add3A_394 : i32
        %swap3A_396 = arith.index_cast %add3A_395 : i32 to index
        %swap3A_397 = tpu.vector_load %arg8[%swap3A_396] {strides = array<i32>} : memref<51200xf32, #tpu.memory_space<vmem>>, vector<16xf32>,
        tpu.vector_store %arg8[%swap3A_396], %gather3A_327 {strides = array<i32>} : memref<51200xf32, #tpu.memory_space<vmem>>, vector<16xf32>,
        %add3A_398 = arith.addi %mul3A_134, %add3A_12 : vector<16xi32>
        %gather3A_399 = tpu.vector_load_idx %arg5[%add3A_398] : memref<1024xf32, #tpu.memory_space<vmem>>[vector<16xi32>], vector<16xf32>,
        %add3A_400 = arith.constant 384 : i32
        %add3A_401 = arith.addi %mul3A_111, %add3A_400 : i32
        %add3A_402 = arith.constant 0 : i32
        %add3A_403 = arith.addi %add3A_401, %add3A_402 : i32
        %swap3A_404 = arith.index_cast %add3A_403 : i32 to index
        %swap3A_405 = tpu.vector_load %arg8[%swap3A_404] {strides = array<i32>} : memref<51200xf32, #tpu.memory_space<vmem>>, vector<16xf32>,
        tpu.vector_store %arg8[%swap3A_404], %gather3A_335 {strides = array<i32>} : memref<51200xf32, #tpu.memory_space<vmem>>, vector<16xf32>,
        %add3A_406 = arith.addi %mul3A_134, %add3A_15 : vector<16xi32>
        %gather3A_407 = tpu.vector_load_idx %arg5[%add3A_406] : memref<1024xf32, #tpu.memory_space<vmem>>[vector<16xi32>], vector<16xf32>,
        %add3A_408 = arith.constant 384 : i32
        %add3A_409 = arith.addi %mul3A_111, %add3A_408 : i32
        %add3A_410 = arith.constant 16 : i32
        %add3A_411 = arith.addi %add3A_409, %add3A_410 : i32
        %swap3A_412 = arith.index_cast %add3A_411 : i32 to index
        %swap3A_413 = tpu.vector_load %arg8[%swap3A_412] {strides = array<i32>} : memref<51200xf32, #tpu.memory_space<vmem>>, vector<16xf32>,
        tpu.vector_store %arg8[%swap3A_412], %gather3A_343 {strides = array<i32>} : memref<51200xf32, #tpu.memory_space<vmem>>, vector<16xf32>,
        %add3A_414 = arith.addi %mul3A_134, %add3A_18 : vector<16xi32>
        %gather3A_415 = tpu.vector_load_idx %arg5[%add3A_414] : memref<1024xf32, #tpu.memory_space<vmem>>[vector<16xi32>], vector<16xf32>,
        %add3A_416 = arith.constant 384 : i32
        %add3A_417 = arith.addi %mul3A_111, %add3A_416 : i32
        %add3A_418 = arith.constant 32 : i32
        %add3A_419 = arith.addi %add3A_417, %add3A_418 : i32
        %swap3A_420 = arith.index_cast %add3A_419 : i32 to index
        %swap3A_421 = tpu.vector_load %arg8[%swap3A_420] {strides = array<i32>} : memref<51200xf32, #tpu.memory_space<vmem>>, vector<16xf32>,
        tpu.vector_store %arg8[%swap3A_420], %gather3A_351 {strides = array<i32>} : memref<51200xf32, #tpu.memory_space<vmem>>, vector<16xf32>,
        %add3A_422 = arith.addi %mul3A_134, %add3A_21 : vector<16xi32>
        %gather3A_423 = tpu.vector_load_idx %arg5[%add3A_422] : memref<1024xf32, #tpu.memory_space<vmem>>[vector<16xi32>], vector<16xf32>,
        %add3A_424 = arith.constant 384 : i32
        %add3A_425 = arith.addi %mul3A_111, %add3A_424 : i32
        %add3A_426 = arith.constant 48 : i32
        %add3A_427 = arith.addi %add3A_425, %add3A_426 : i32
        %swap3A_428 = arith.index_cast %add3A_427 : i32 to index
        %swap3A_429 = tpu.vector_load %arg8[%swap3A_428] {strides = array<i32>} : memref<51200xf32, #tpu.memory_space<vmem>>, vector<16xf32>,
        tpu.vector_store %arg8[%swap3A_428], %gather3A_359 {strides = array<i32>} : memref<51200xf32, #tpu.memory_space<vmem>>, vector<16xf32>,
        %add3A_430 = arith.addi %mul3A_134, %add3A_24 : vector<16xi32>
        %gather3A_431 = tpu.vector_load_idx %arg5[%add3A_430] : memref<1024xf32, #tpu.memory_space<vmem>>[vector<16xi32>], vector<16xf32>,
        %add3A_432 = arith.constant 384 : i32
        %add3A_433 = arith.addi %mul3A_111, %add3A_432 : i32
        %add3A_434 = arith.constant 64 : i32
        %add3A_435 = arith.addi %add3A_433, %add3A_434 : i32
        %swap3A_436 = arith.index_cast %add3A_435 : i32 to index
        %swap3A_437 = tpu.vector_load %arg8[%swap3A_436] {strides = array<i32>} : memref<51200xf32, #tpu.memory_space<vmem>>, vector<16xf32>,
        tpu.vector_store %arg8[%swap3A_436], %gather3A_367 {strides = array<i32>} : memref<51200xf32, #tpu.memory_space<vmem>>, vector<16xf32>,
        %add3A_438 = arith.addi %mul3A_134, %add3A_27 : vector<16xi32>
        %gather3A_439 = tpu.vector_load_idx %arg5[%add3A_438] : memref<1024xf32, #tpu.memory_space<vmem>>[vector<16xi32>], vector<16xf32>,
        %add3A_440 = arith.constant 384 : i32
        %add3A_441 = arith.addi %mul3A_111, %add3A_440 : i32
        %add3A_442 = arith.constant 80 : i32
        %add3A_443 = arith.addi %add3A_441, %add3A_442 : i32
        %swap3A_444 = arith.index_cast %add3A_443 : i32 to index
        %swap3A_445 = tpu.vector_load %arg8[%swap3A_444] {strides = array<i32>} : memref<51200xf32, #tpu.memory_space<vmem>>, vector<16xf32>,
        tpu.vector_store %arg8[%swap3A_444], %gather3A_375 {strides = array<i32>} : memref<51200xf32, #tpu.memory_space<vmem>>, vector<16xf32>,
        %add3A_446 = arith.addi %mul3A_134, %add3A_30 : vector<16xi32>
        %gather3A_447 = tpu.vector_load_idx %arg5[%add3A_446] : memref<1024xf32, #tpu.memory_space<vmem>>[vector<16xi32>], vector<16xf32>,
        %add3A_448 = arith.constant 384 : i32
        %add3A_449 = arith.addi %mul3A_111, %add3A_448 : i32
        %add3A_450 = arith.constant 96 : i32
        %add3A_451 = arith.addi %add3A_449, %add3A_450 : i32
        %swap3A_452 = arith.index_cast %add3A_451 : i32 to index
        %swap3A_453 = tpu.vector_load %arg8[%swap3A_452] {strides = array<i32>} : memref<51200xf32, #tpu.memory_space<vmem>>, vector<16xf32>,
        tpu.vector_store %arg8[%swap3A_452], %gather3A_383 {strides = array<i32>} : memref<51200xf32, #tpu.memory_space<vmem>>, vector<16xf32>,
        %add3A_454 = arith.addi %mul3A_134, %add3A_33 : vector<16xi32>
        %gather3A_455 = tpu.vector_load_idx %arg5[%add3A_454] : memref<1024xf32, #tpu.memory_space<vmem>>[vector<16xi32>], vector<16xf32>,
        %add3A_456 = arith.constant 384 : i32
        %add3A_457 = arith.addi %mul3A_111, %add3A_456 : i32
        %add3A_458 = arith.constant 112 : i32
        %add3A_459 = arith.addi %add3A_457, %add3A_458 : i32
        %swap3A_460 = arith.index_cast %add3A_459 : i32 to index
        %swap3A_461 = tpu.vector_load %arg8[%swap3A_460] {strides = array<i32>} : memref<51200xf32, #tpu.memory_space<vmem>>, vector<16xf32>,
        tpu.vector_store %arg8[%swap3A_460], %gather3A_391 {strides = array<i32>} : memref<51200xf32, #tpu.memory_space<vmem>>, vector<16xf32>,
        %add3A_462 = arith.addi %mul3A_139, %add3A_12 : vector<16xi32>
        %gather3A_463 = tpu.vector_load_idx %arg5[%add3A_462] : memref<1024xf32, #tpu.memory_space<vmem>>[vector<16xi32>], vector<16xf32>,
        %add3A_464 = arith.constant 512 : i32
        %add3A_465 = arith.addi %mul3A_111, %add3A_464 : i32
        %add3A_466 = arith.constant 0 : i32
        %add3A_467 = arith.addi %add3A_465, %add3A_466 : i32
        %swap3A_468 = arith.index_cast %add3A_467 : i32 to index
        %swap3A_469 = tpu.vector_load %arg8[%swap3A_468] {strides = array<i32>} : memref<51200xf32, #tpu.memory_space<vmem>>, vector<16xf32>,
        tpu.vector_store %arg8[%swap3A_468], %gather3A_399 {strides = array<i32>} : memref<51200xf32, #tpu.memory_space<vmem>>, vector<16xf32>,
        %add3A_470 = arith.addi %mul3A_139, %add3A_15 : vector<16xi32>
        %gather3A_471 = tpu.vector_load_idx %arg5[%add3A_470] : memref<1024xf32, #tpu.memory_space<vmem>>[vector<16xi32>], vector<16xf32>,
        %add3A_472 = arith.constant 512 : i32
        %add3A_473 = arith.addi %mul3A_111, %add3A_472 : i32
        %add3A_474 = arith.constant 16 : i32
        %add3A_475 = arith.addi %add3A_473, %add3A_474 : i32
        %swap3A_476 = arith.index_cast %add3A_475 : i32 to index
        %swap3A_477 = tpu.vector_load %arg8[%swap3A_476] {strides = array<i32>} : memref<51200xf32, #tpu.memory_space<vmem>>, vector<16xf32>,
        tpu.vector_store %arg8[%swap3A_476], %gather3A_407 {strides = array<i32>} : memref<51200xf32, #tpu.memory_space<vmem>>, vector<16xf32>,
        %add3A_478 = arith.addi %mul3A_139, %add3A_18 : vector<16xi32>
        %gather3A_479 = tpu.vector_load_idx %arg5[%add3A_478] : memref<1024xf32, #tpu.memory_space<vmem>>[vector<16xi32>], vector<16xf32>,
        %add3A_480 = arith.constant 512 : i32
        %add3A_481 = arith.addi %mul3A_111, %add3A_480 : i32
        %add3A_482 = arith.constant 32 : i32
        %add3A_483 = arith.addi %add3A_481, %add3A_482 : i32
        %swap3A_484 = arith.index_cast %add3A_483 : i32 to index
        %swap3A_485 = tpu.vector_load %arg8[%swap3A_484] {strides = array<i32>} : memref<51200xf32, #tpu.memory_space<vmem>>, vector<16xf32>,
        tpu.vector_store %arg8[%swap3A_484], %gather3A_415 {strides = array<i32>} : memref<51200xf32, #tpu.memory_space<vmem>>, vector<16xf32>,
        %add3A_486 = arith.addi %mul3A_139, %add3A_21 : vector<16xi32>
        %gather3A_487 = tpu.vector_load_idx %arg5[%add3A_486] : memref<1024xf32, #tpu.memory_space<vmem>>[vector<16xi32>], vector<16xf32>,
        %add3A_488 = arith.constant 512 : i32
        %add3A_489 = arith.addi %mul3A_111, %add3A_488 : i32
        %add3A_490 = arith.constant 48 : i32
        %add3A_491 = arith.addi %add3A_489, %add3A_490 : i32
        %swap3A_492 = arith.index_cast %add3A_491 : i32 to index
        %swap3A_493 = tpu.vector_load %arg8[%swap3A_492] {strides = array<i32>} : memref<51200xf32, #tpu.memory_space<vmem>>, vector<16xf32>,
        tpu.vector_store %arg8[%swap3A_492], %gather3A_423 {strides = array<i32>} : memref<51200xf32, #tpu.memory_space<vmem>>, vector<16xf32>,
        %add3A_494 = arith.addi %mul3A_139, %add3A_24 : vector<16xi32>
        %gather3A_495 = tpu.vector_load_idx %arg5[%add3A_494] : memref<1024xf32, #tpu.memory_space<vmem>>[vector<16xi32>], vector<16xf32>,
        %add3A_496 = arith.constant 512 : i32
        %add3A_497 = arith.addi %mul3A_111, %add3A_496 : i32
        %add3A_498 = arith.constant 64 : i32
        %add3A_499 = arith.addi %add3A_497, %add3A_498 : i32
        %swap3A_500 = arith.index_cast %add3A_499 : i32 to index
        %swap3A_501 = tpu.vector_load %arg8[%swap3A_500] {strides = array<i32>} : memref<51200xf32, #tpu.memory_space<vmem>>, vector<16xf32>,
        tpu.vector_store %arg8[%swap3A_500], %gather3A_431 {strides = array<i32>} : memref<51200xf32, #tpu.memory_space<vmem>>, vector<16xf32>,
        %add3A_502 = arith.addi %mul3A_139, %add3A_27 : vector<16xi32>
        %gather3A_503 = tpu.vector_load_idx %arg5[%add3A_502] : memref<1024xf32, #tpu.memory_space<vmem>>[vector<16xi32>], vector<16xf32>,
        %add3A_504 = arith.constant 512 : i32
        %add3A_505 = arith.addi %mul3A_111, %add3A_504 : i32
        %add3A_506 = arith.constant 80 : i32
        %add3A_507 = arith.addi %add3A_505, %add3A_506 : i32
        %swap3A_508 = arith.index_cast %add3A_507 : i32 to index
        %swap3A_509 = tpu.vector_load %arg8[%swap3A_508] {strides = array<i32>} : memref<51200xf32, #tpu.memory_space<vmem>>, vector<16xf32>,
        tpu.vector_store %arg8[%swap3A_508], %gather3A_439 {strides = array<i32>} : memref<51200xf32, #tpu.memory_space<vmem>>, vector<16xf32>,
        %add3A_510 = arith.addi %mul3A_139, %add3A_30 : vector<16xi32>
        %gather3A_511 = tpu.vector_load_idx %arg5[%add3A_510] : memref<1024xf32, #tpu.memory_space<vmem>>[vector<16xi32>], vector<16xf32>,
        %add3A_512 = arith.constant 512 : i32
        %add3A_513 = arith.addi %mul3A_111, %add3A_512 : i32
        %add3A_514 = arith.constant 96 : i32
        %add3A_515 = arith.addi %add3A_513, %add3A_514 : i32
        %swap3A_516 = arith.index_cast %add3A_515 : i32 to index
        %swap3A_517 = tpu.vector_load %arg8[%swap3A_516] {strides = array<i32>} : memref<51200xf32, #tpu.memory_space<vmem>>, vector<16xf32>,
        tpu.vector_store %arg8[%swap3A_516], %gather3A_447 {strides = array<i32>} : memref<51200xf32, #tpu.memory_space<vmem>>, vector<16xf32>,
        %add3A_518 = arith.addi %mul3A_139, %add3A_33 : vector<16xi32>
        %gather3A_519 = tpu.vector_load_idx %arg5[%add3A_518] : memref<1024xf32, #tpu.memory_space<vmem>>[vector<16xi32>], vector<16xf32>,
        %add3A_520 = arith.constant 512 : i32
        %add3A_521 = arith.addi %mul3A_111, %add3A_520 : i32
        %add3A_522 = arith.constant 112 : i32
        %add3A_523 = arith.addi %add3A_521, %add3A_522 : i32
        %swap3A_524 = arith.index_cast %add3A_523 : i32 to index
        %swap3A_525 = tpu.vector_load %arg8[%swap3A_524] {strides = array<i32>} : memref<51200xf32, #tpu.memory_space<vmem>>, vector<16xf32>,
        tpu.vector_store %arg8[%swap3A_524], %gather3A_455 {strides = array<i32>} : memref<51200xf32, #tpu.memory_space<vmem>>, vector<16xf32>,
        %add3A_526 = arith.addi %mul3A_144, %add3A_12 : vector<16xi32>
        %gather3A_527 = tpu.vector_load_idx %arg5[%add3A_526] : memref<1024xf32, #tpu.memory_space<vmem>>[vector<16xi32>], vector<16xf32>,
        %add3A_528 = arith.constant 640 : i32
        %add3A_529 = arith.addi %mul3A_111, %add3A_528 : i32
        %add3A_530 = arith.constant 0 : i32
        %add3A_531 = arith.addi %add3A_529, %add3A_530 : i32
        %swap3A_532 = arith.index_cast %add3A_531 : i32 to index
        %swap3A_533 = tpu.vector_load %arg8[%swap3A_532] {strides = array<i32>} : memref<51200xf32, #tpu.memory_space<vmem>>, vector<16xf32>,
        tpu.vector_store %arg8[%swap3A_532], %gather3A_463 {strides = array<i32>} : memref<51200xf32, #tpu.memory_space<vmem>>, vector<16xf32>,
        %add3A_534 = arith.addi %mul3A_144, %add3A_15 : vector<16xi32>
        %gather3A_535 = tpu.vector_load_idx %arg5[%add3A_534] : memref<1024xf32, #tpu.memory_space<vmem>>[vector<16xi32>], vector<16xf32>,
        %add3A_536 = arith.constant 640 : i32
        %add3A_537 = arith.addi %mul3A_111, %add3A_536 : i32
        %add3A_538 = arith.constant 16 : i32
        %add3A_539 = arith.addi %add3A_537, %add3A_538 : i32
        %swap3A_540 = arith.index_cast %add3A_539 : i32 to index
        %swap3A_541 = tpu.vector_load %arg8[%swap3A_540] {strides = array<i32>} : memref<51200xf32, #tpu.memory_space<vmem>>, vector<16xf32>,
        tpu.vector_store %arg8[%swap3A_540], %gather3A_471 {strides = array<i32>} : memref<51200xf32, #tpu.memory_space<vmem>>, vector<16xf32>,
        %add3A_542 = arith.addi %mul3A_144, %add3A_18 : vector<16xi32>
        %gather3A_543 = tpu.vector_load_idx %arg5[%add3A_542] : memref<1024xf32, #tpu.memory_space<vmem>>[vector<16xi32>], vector<16xf32>,
        %add3A_544 = arith.constant 640 : i32
        %add3A_545 = arith.addi %mul3A_111, %add3A_544 : i32
        %add3A_546 = arith.constant 32 : i32
        %add3A_547 = arith.addi %add3A_545, %add3A_546 : i32
        %swap3A_548 = arith.index_cast %add3A_547 : i32 to index
        %swap3A_549 = tpu.vector_load %arg8[%swap3A_548] {strides = array<i32>} : memref<51200xf32, #tpu.memory_space<vmem>>, vector<16xf32>,
        tpu.vector_store %arg8[%swap3A_548], %gather3A_479 {strides = array<i32>} : memref<51200xf32, #tpu.memory_space<vmem>>, vector<16xf32>,
        %add3A_550 = arith.addi %mul3A_144, %add3A_21 : vector<16xi32>
        %gather3A_551 = tpu.vector_load_idx %arg5[%add3A_550] : memref<1024xf32, #tpu.memory_space<vmem>>[vector<16xi32>], vector<16xf32>,
        %add3A_552 = arith.constant 640 : i32
        %add3A_553 = arith.addi %mul3A_111, %add3A_552 : i32
        %add3A_554 = arith.constant 48 : i32
        %add3A_555 = arith.addi %add3A_553, %add3A_554 : i32
        %swap3A_556 = arith.index_cast %add3A_555 : i32 to index
        %swap3A_557 = tpu.vector_load %arg8[%swap3A_556] {strides = array<i32>} : memref<51200xf32, #tpu.memory_space<vmem>>, vector<16xf32>,
        tpu.vector_store %arg8[%swap3A_556], %gather3A_487 {strides = array<i32>} : memref<51200xf32, #tpu.memory_space<vmem>>, vector<16xf32>,
        %add3A_558 = arith.addi %mul3A_144, %add3A_24 : vector<16xi32>
        %gather3A_559 = tpu.vector_load_idx %arg5[%add3A_558] : memref<1024xf32, #tpu.memory_space<vmem>>[vector<16xi32>], vector<16xf32>,
        %add3A_560 = arith.constant 640 : i32
        %add3A_561 = arith.addi %mul3A_111, %add3A_560 : i32
        %add3A_562 = arith.constant 64 : i32
        %add3A_563 = arith.addi %add3A_561, %add3A_562 : i32
        %swap3A_564 = arith.index_cast %add3A_563 : i32 to index
        %swap3A_565 = tpu.vector_load %arg8[%swap3A_564] {strides = array<i32>} : memref<51200xf32, #tpu.memory_space<vmem>>, vector<16xf32>,
        tpu.vector_store %arg8[%swap3A_564], %gather3A_495 {strides = array<i32>} : memref<51200xf32, #tpu.memory_space<vmem>>, vector<16xf32>,
        %add3A_566 = arith.addi %mul3A_144, %add3A_27 : vector<16xi32>
        %gather3A_567 = tpu.vector_load_idx %arg5[%add3A_566] : memref<1024xf32, #tpu.memory_space<vmem>>[vector<16xi32>], vector<16xf32>,
        %add3A_568 = arith.constant 640 : i32
        %add3A_569 = arith.addi %mul3A_111, %add3A_568 : i32
        %add3A_570 = arith.constant 80 : i32
        %add3A_571 = arith.addi %add3A_569, %add3A_570 : i32
        %swap3A_572 = arith.index_cast %add3A_571 : i32 to index
        %swap3A_573 = tpu.vector_load %arg8[%swap3A_572] {strides = array<i32>} : memref<51200xf32, #tpu.memory_space<vmem>>, vector<16xf32>,
        tpu.vector_store %arg8[%swap3A_572], %gather3A_503 {strides = array<i32>} : memref<51200xf32, #tpu.memory_space<vmem>>, vector<16xf32>,
        %add3A_574 = arith.addi %mul3A_144, %add3A_30 : vector<16xi32>
        %gather3A_575 = tpu.vector_load_idx %arg5[%add3A_574] : memref<1024xf32, #tpu.memory_space<vmem>>[vector<16xi32>], vector<16xf32>,
        %add3A_576 = arith.constant 640 : i32
        %add3A_577 = arith.addi %mul3A_111, %add3A_576 : i32
        %add3A_578 = arith.constant 96 : i32
        %add3A_579 = arith.addi %add3A_577, %add3A_578 : i32
        %swap3A_580 = arith.index_cast %add3A_579 : i32 to index
        %swap3A_581 = tpu.vector_load %arg8[%swap3A_580] {strides = array<i32>} : memref<51200xf32, #tpu.memory_space<vmem>>, vector<16xf32>,
        tpu.vector_store %arg8[%swap3A_580], %gather3A_511 {strides = array<i32>} : memref<51200xf32, #tpu.memory_space<vmem>>, vector<16xf32>,
        %add3A_582 = arith.addi %mul3A_144, %add3A_33 : vector<16xi32>
        %gather3A_583 = tpu.vector_load_idx %arg5[%add3A_582] : memref<1024xf32, #tpu.memory_space<vmem>>[vector<16xi32>], vector<16xf32>,
        %add3A_584 = arith.constant 640 : i32
        %add3A_585 = arith.addi %mul3A_111, %add3A_584 : i32
        %add3A_586 = arith.constant 112 : i32
        %add3A_587 = arith.addi %add3A_585, %add3A_586 : i32
        %swap3A_588 = arith.index_cast %add3A_587 : i32 to index
        %swap3A_589 = tpu.vector_load %arg8[%swap3A_588] {strides = array<i32>} : memref<51200xf32, #tpu.memory_space<vmem>>, vector<16xf32>,
        tpu.vector_store %arg8[%swap3A_588], %gather3A_519 {strides = array<i32>} : memref<51200xf32, #tpu.memory_space<vmem>>, vector<16xf32>,
        %add3A_590 = arith.addi %mul3A_149, %add3A_12 : vector<16xi32>
        %gather3A_591 = tpu.vector_load_idx %arg5[%add3A_590] : memref<1024xf32, #tpu.memory_space<vmem>>[vector<16xi32>], vector<16xf32>,
        %add3A_592 = arith.constant 768 : i32
        %add3A_593 = arith.addi %mul3A_111, %add3A_592 : i32
        %add3A_594 = arith.constant 0 : i32
        %add3A_595 = arith.addi %add3A_593, %add3A_594 : i32
        %swap3A_596 = arith.index_cast %add3A_595 : i32 to index
        %swap3A_597 = tpu.vector_load %arg8[%swap3A_596] {strides = array<i32>} : memref<51200xf32, #tpu.memory_space<vmem>>, vector<16xf32>,
        tpu.vector_store %arg8[%swap3A_596], %gather3A_527 {strides = array<i32>} : memref<51200xf32, #tpu.memory_space<vmem>>, vector<16xf32>,
        %add3A_598 = arith.addi %mul3A_149, %add3A_15 : vector<16xi32>
        %gather3A_599 = tpu.vector_load_idx %arg5[%add3A_598] : memref<1024xf32, #tpu.memory_space<vmem>>[vector<16xi32>], vector<16xf32>,
        %add3A_600 = arith.constant 768 : i32
        %add3A_601 = arith.addi %mul3A_111, %add3A_600 : i32
        %add3A_602 = arith.constant 16 : i32
        %add3A_603 = arith.addi %add3A_601, %add3A_602 : i32
        %swap3A_604 = arith.index_cast %add3A_603 : i32 to index
        %swap3A_605 = tpu.vector_load %arg8[%swap3A_604] {strides = array<i32>} : memref<51200xf32, #tpu.memory_space<vmem>>, vector<16xf32>,
        tpu.vector_store %arg8[%swap3A_604], %gather3A_535 {strides = array<i32>} : memref<51200xf32, #tpu.memory_space<vmem>>, vector<16xf32>,
        %add3A_606 = arith.addi %mul3A_149, %add3A_18 : vector<16xi32>
        %gather3A_607 = tpu.vector_load_idx %arg5[%add3A_606] : memref<1024xf32, #tpu.memory_space<vmem>>[vector<16xi32>], vector<16xf32>,
        %add3A_608 = arith.constant 768 : i32
        %add3A_609 = arith.addi %mul3A_111, %add3A_608 : i32
        %add3A_610 = arith.constant 32 : i32
        %add3A_611 = arith.addi %add3A_609, %add3A_610 : i32
        %swap3A_612 = arith.index_cast %add3A_611 : i32 to index
        %swap3A_613 = tpu.vector_load %arg8[%swap3A_612] {strides = array<i32>} : memref<51200xf32, #tpu.memory_space<vmem>>, vector<16xf32>,
        tpu.vector_store %arg8[%swap3A_612], %gather3A_543 {strides = array<i32>} : memref<51200xf32, #tpu.memory_space<vmem>>, vector<16xf32>,
        %add3A_614 = arith.addi %mul3A_149, %add3A_21 : vector<16xi32>
        %gather3A_615 = tpu.vector_load_idx %arg5[%add3A_614] : memref<1024xf32, #tpu.memory_space<vmem>>[vector<16xi32>], vector<16xf32>,
        %add3A_616 = arith.constant 768 : i32
        %add3A_617 = arith.addi %mul3A_111, %add3A_616 : i32
        %add3A_618 = arith.constant 48 : i32
        %add3A_619 = arith.addi %add3A_617, %add3A_618 : i32
        %swap3A_620 = arith.index_cast %add3A_619 : i32 to index
        %swap3A_621 = tpu.vector_load %arg8[%swap3A_620] {strides = array<i32>} : memref<51200xf32, #tpu.memory_space<vmem>>, vector<16xf32>,
        tpu.vector_store %arg8[%swap3A_620], %gather3A_551 {strides = array<i32>} : memref<51200xf32, #tpu.memory_space<vmem>>, vector<16xf32>,
        %add3A_622 = arith.addi %mul3A_149, %add3A_24 : vector<16xi32>
        %gather3A_623 = tpu.vector_load_idx %arg5[%add3A_622] : memref<1024xf32, #tpu.memory_space<vmem>>[vector<16xi32>], vector<16xf32>,
        %add3A_624 = arith.constant 768 : i32
        %add3A_625 = arith.addi %mul3A_111, %add3A_624 : i32
        %add3A_626 = arith.constant 64 : i32
        %add3A_627 = arith.addi %add3A_625, %add3A_626 : i32
        %swap3A_628 = arith.index_cast %add3A_627 : i32 to index
        %swap3A_629 = tpu.vector_load %arg8[%swap3A_628] {strides = array<i32>} : memref<51200xf32, #tpu.memory_space<vmem>>, vector<16xf32>,
        tpu.vector_store %arg8[%swap3A_628], %gather3A_559 {strides = array<i32>} : memref<51200xf32, #tpu.memory_space<vmem>>, vector<16xf32>,
        %add3A_630 = arith.addi %mul3A_149, %add3A_27 : vector<16xi32>
        %gather3A_631 = tpu.vector_load_idx %arg5[%add3A_630] : memref<1024xf32, #tpu.memory_space<vmem>>[vector<16xi32>], vector<16xf32>,
        %add3A_632 = arith.constant 768 : i32
        %add3A_633 = arith.addi %mul3A_111, %add3A_632 : i32
        %add3A_634 = arith.constant 80 : i32
        %add3A_635 = arith.addi %add3A_633, %add3A_634 : i32
        %swap3A_636 = arith.index_cast %add3A_635 : i32 to index
        %swap3A_637 = tpu.vector_load %arg8[%swap3A_636] {strides = array<i32>} : memref<51200xf32, #tpu.memory_space<vmem>>, vector<16xf32>,
        tpu.vector_store %arg8[%swap3A_636], %gather3A_567 {strides = array<i32>} : memref<51200xf32, #tpu.memory_space<vmem>>, vector<16xf32>,
        %add3A_638 = arith.addi %mul3A_149, %add3A_30 : vector<16xi32>
        %gather3A_639 = tpu.vector_load_idx %arg5[%add3A_638] : memref<1024xf32, #tpu.memory_space<vmem>>[vector<16xi32>], vector<16xf32>,
        %add3A_640 = arith.constant 768 : i32
        %add3A_641 = arith.addi %mul3A_111, %add3A_640 : i32
        %add3A_642 = arith.constant 96 : i32
        %add3A_643 = arith.addi %add3A_641, %add3A_642 : i32
        %swap3A_644 = arith.index_cast %add3A_643 : i32 to index
        %swap3A_645 = tpu.vector_load %arg8[%swap3A_644] {strides = array<i32>} : memref<51200xf32, #tpu.memory_space<vmem>>, vector<16xf32>,
        tpu.vector_store %arg8[%swap3A_644], %gather3A_575 {strides = array<i32>} : memref<51200xf32, #tpu.memory_space<vmem>>, vector<16xf32>,
        %add3A_646 = arith.addi %mul3A_149, %add3A_33 : vector<16xi32>
        %gather3A_647 = tpu.vector_load_idx %arg5[%add3A_646] : memref<1024xf32, #tpu.memory_space<vmem>>[vector<16xi32>], vector<16xf32>,
        %add3A_648 = arith.constant 768 : i32
        %add3A_649 = arith.addi %mul3A_111, %add3A_648 : i32
        %add3A_650 = arith.constant 112 : i32
        %add3A_651 = arith.addi %add3A_649, %add3A_650 : i32
        %swap3A_652 = arith.index_cast %add3A_651 : i32 to index
        %swap3A_653 = tpu.vector_load %arg8[%swap3A_652] {strides = array<i32>} : memref<51200xf32, #tpu.memory_space<vmem>>, vector<16xf32>,
        tpu.vector_store %arg8[%swap3A_652], %gather3A_583 {strides = array<i32>} : memref<51200xf32, #tpu.memory_space<vmem>>, vector<16xf32>,
        %add3A_654 = arith.addi %mul3A_154, %add3A_12 : vector<16xi32>
        %gather3A_655 = tpu.vector_load_idx %arg5[%add3A_654] : memref<1024xf32, #tpu.memory_space<vmem>>[vector<16xi32>], vector<16xf32>,
        %add3A_656 = arith.constant 896 : i32
        %add3A_657 = arith.addi %mul3A_111, %add3A_656 : i32
        %add3A_658 = arith.constant 0 : i32
        %add3A_659 = arith.addi %add3A_657, %add3A_658 : i32
        %swap3A_660 = arith.index_cast %add3A_659 : i32 to index
        %swap3A_661 = tpu.vector_load %arg8[%swap3A_660] {strides = array<i32>} : memref<51200xf32, #tpu.memory_space<vmem>>, vector<16xf32>,
        tpu.vector_store %arg8[%swap3A_660], %gather3A_591 {strides = array<i32>} : memref<51200xf32, #tpu.memory_space<vmem>>, vector<16xf32>,
        %add3A_662 = arith.addi %mul3A_154, %add3A_15 : vector<16xi32>
        %gather3A_663 = tpu.vector_load_idx %arg5[%add3A_662] : memref<1024xf32, #tpu.memory_space<vmem>>[vector<16xi32>], vector<16xf32>,
        %add3A_664 = arith.constant 896 : i32
        %add3A_665 = arith.addi %mul3A_111, %add3A_664 : i32
        %add3A_666 = arith.constant 16 : i32
        %add3A_667 = arith.addi %add3A_665, %add3A_666 : i32
        %swap3A_668 = arith.index_cast %add3A_667 : i32 to index
        %swap3A_669 = tpu.vector_load %arg8[%swap3A_668] {strides = array<i32>} : memref<51200xf32, #tpu.memory_space<vmem>>, vector<16xf32>,
        tpu.vector_store %arg8[%swap3A_668], %gather3A_599 {strides = array<i32>} : memref<51200xf32, #tpu.memory_space<vmem>>, vector<16xf32>,
        %add3A_670 = arith.addi %mul3A_154, %add3A_18 : vector<16xi32>
        %gather3A_671 = tpu.vector_load_idx %arg5[%add3A_670] : memref<1024xf32, #tpu.memory_space<vmem>>[vector<16xi32>], vector<16xf32>,
        %add3A_672 = arith.constant 896 : i32
        %add3A_673 = arith.addi %mul3A_111, %add3A_672 : i32
        %add3A_674 = arith.constant 32 : i32
        %add3A_675 = arith.addi %add3A_673, %add3A_674 : i32
        %swap3A_676 = arith.index_cast %add3A_675 : i32 to index
        %swap3A_677 = tpu.vector_load %arg8[%swap3A_676] {strides = array<i32>} : memref<51200xf32, #tpu.memory_space<vmem>>, vector<16xf32>,
        tpu.vector_store %arg8[%swap3A_676], %gather3A_607 {strides = array<i32>} : memref<51200xf32, #tpu.memory_space<vmem>>, vector<16xf32>,
        %add3A_678 = arith.addi %mul3A_154, %add3A_21 : vector<16xi32>
        %gather3A_679 = tpu.vector_load_idx %arg5[%add3A_678] : memref<1024xf32, #tpu.memory_space<vmem>>[vector<16xi32>], vector<16xf32>,
        %add3A_680 = arith.constant 896 : i32
        %add3A_681 = arith.addi %mul3A_111, %add3A_680 : i32
        %add3A_682 = arith.constant 48 : i32
        %add3A_683 = arith.addi %add3A_681, %add3A_682 : i32
        %swap3A_684 = arith.index_cast %add3A_683 : i32 to index
        %swap3A_685 = tpu.vector_load %arg8[%swap3A_684] {strides = array<i32>} : memref<51200xf32, #tpu.memory_space<vmem>>, vector<16xf32>,
        tpu.vector_store %arg8[%swap3A_684], %gather3A_615 {strides = array<i32>} : memref<51200xf32, #tpu.memory_space<vmem>>, vector<16xf32>,
        %add3A_686 = arith.addi %mul3A_154, %add3A_24 : vector<16xi32>
        %gather3A_687 = tpu.vector_load_idx %arg5[%add3A_686] : memref<1024xf32, #tpu.memory_space<vmem>>[vector<16xi32>], vector<16xf32>,
        %add3A_688 = arith.constant 896 : i32
        %add3A_689 = arith.addi %mul3A_111, %add3A_688 : i32
        %add3A_690 = arith.constant 64 : i32
        %add3A_691 = arith.addi %add3A_689, %add3A_690 : i32
        %swap3A_692 = arith.index_cast %add3A_691 : i32 to index
        %swap3A_693 = tpu.vector_load %arg8[%swap3A_692] {strides = array<i32>} : memref<51200xf32, #tpu.memory_space<vmem>>, vector<16xf32>,
        tpu.vector_store %arg8[%swap3A_692], %gather3A_623 {strides = array<i32>} : memref<51200xf32, #tpu.memory_space<vmem>>, vector<16xf32>,
        %add3A_694 = arith.addi %mul3A_154, %add3A_27 : vector<16xi32>
        %gather3A_695 = tpu.vector_load_idx %arg5[%add3A_694] : memref<1024xf32, #tpu.memory_space<vmem>>[vector<16xi32>], vector<16xf32>,
        %add3A_696 = arith.constant 896 : i32
        %add3A_697 = arith.addi %mul3A_111, %add3A_696 : i32
        %add3A_698 = arith.constant 80 : i32
        %add3A_699 = arith.addi %add3A_697, %add3A_698 : i32
        %swap3A_700 = arith.index_cast %add3A_699 : i32 to index
        %swap3A_701 = tpu.vector_load %arg8[%swap3A_700] {strides = array<i32>} : memref<51200xf32, #tpu.memory_space<vmem>>, vector<16xf32>,
        tpu.vector_store %arg8[%swap3A_700], %gather3A_631 {strides = array<i32>} : memref<51200xf32, #tpu.memory_space<vmem>>, vector<16xf32>,
        %add3A_702 = arith.addi %mul3A_154, %add3A_30 : vector<16xi32>
        %gather3A_703 = tpu.vector_load_idx %arg5[%add3A_702] : memref<1024xf32, #tpu.memory_space<vmem>>[vector<16xi32>], vector<16xf32>,
        %add3A_704 = arith.constant 896 : i32
        %add3A_705 = arith.addi %mul3A_111, %add3A_704 : i32
        %add3A_706 = arith.constant 96 : i32
        %add3A_707 = arith.addi %add3A_705, %add3A_706 : i32
        %swap3A_708 = arith.index_cast %add3A_707 : i32 to index
        %swap3A_709 = tpu.vector_load %arg8[%swap3A_708] {strides = array<i32>} : memref<51200xf32, #tpu.memory_space<vmem>>, vector<16xf32>,
        tpu.vector_store %arg8[%swap3A_708], %gather3A_639 {strides = array<i32>} : memref<51200xf32, #tpu.memory_space<vmem>>, vector<16xf32>,
        %add3A_710 = arith.addi %mul3A_154, %add3A_33 : vector<16xi32>
        %gather3A_711 = tpu.vector_load_idx %arg5[%add3A_710] : memref<1024xf32, #tpu.memory_space<vmem>>[vector<16xi32>], vector<16xf32>,
        %add3A_712 = arith.constant 896 : i32
        %add3A_713 = arith.addi %mul3A_111, %add3A_712 : i32
        %add3A_714 = arith.constant 112 : i32
        %add3A_715 = arith.addi %add3A_713, %add3A_714 : i32
        %swap3A_716 = arith.index_cast %add3A_715 : i32 to index
        %swap3A_717 = tpu.vector_load %arg8[%swap3A_716] {strides = array<i32>} : memref<51200xf32, #tpu.memory_space<vmem>>, vector<16xf32>,
        tpu.vector_store %arg8[%swap3A_716], %gather3A_647 {strides = array<i32>} : memref<51200xf32, #tpu.memory_space<vmem>>, vector<16xf32>,
        %add3A_718 = arith.addi %mul3A_159, %add3A_12 : vector<16xi32>
        %gather3A_719 = tpu.vector_load_idx %arg5[%add3A_718] : memref<1024xf32, #tpu.memory_space<vmem>>[vector<16xi32>], vector<16xf32>,
        %add3A_720 = arith.constant 1024 : i32
        %add3A_721 = arith.addi %mul3A_111, %add3A_720 : i32
        %add3A_722 = arith.constant 0 : i32
        %add3A_723 = arith.addi %add3A_721, %add3A_722 : i32
        %swap3A_724 = arith.index_cast %add3A_723 : i32 to index
        %swap3A_725 = tpu.vector_load %arg8[%swap3A_724] {strides = array<i32>} : memref<51200xf32, #tpu.memory_space<vmem>>, vector<16xf32>,
        tpu.vector_store %arg8[%swap3A_724], %gather3A_655 {strides = array<i32>} : memref<51200xf32, #tpu.memory_space<vmem>>, vector<16xf32>,
        %add3A_726 = arith.addi %mul3A_159, %add3A_15 : vector<16xi32>
        %gather3A_727 = tpu.vector_load_idx %arg5[%add3A_726] : memref<1024xf32, #tpu.memory_space<vmem>>[vector<16xi32>], vector<16xf32>,
        %add3A_728 = arith.constant 1024 : i32
        %add3A_729 = arith.addi %mul3A_111, %add3A_728 : i32
        %add3A_730 = arith.constant 16 : i32
        %add3A_731 = arith.addi %add3A_729, %add3A_730 : i32
        %swap3A_732 = arith.index_cast %add3A_731 : i32 to index
        %swap3A_733 = tpu.vector_load %arg8[%swap3A_732] {strides = array<i32>} : memref<51200xf32, #tpu.memory_space<vmem>>, vector<16xf32>,
        tpu.vector_store %arg8[%swap3A_732], %gather3A_663 {strides = array<i32>} : memref<51200xf32, #tpu.memory_space<vmem>>, vector<16xf32>,
        %add3A_734 = arith.addi %mul3A_159, %add3A_18 : vector<16xi32>
        %gather3A_735 = tpu.vector_load_idx %arg5[%add3A_734] : memref<1024xf32, #tpu.memory_space<vmem>>[vector<16xi32>], vector<16xf32>,
        %add3A_736 = arith.constant 1024 : i32
        %add3A_737 = arith.addi %mul3A_111, %add3A_736 : i32
        %add3A_738 = arith.constant 32 : i32
        %add3A_739 = arith.addi %add3A_737, %add3A_738 : i32
        %swap3A_740 = arith.index_cast %add3A_739 : i32 to index
        %swap3A_741 = tpu.vector_load %arg8[%swap3A_740] {strides = array<i32>} : memref<51200xf32, #tpu.memory_space<vmem>>, vector<16xf32>,
        tpu.vector_store %arg8[%swap3A_740], %gather3A_671 {strides = array<i32>} : memref<51200xf32, #tpu.memory_space<vmem>>, vector<16xf32>,
        %add3A_742 = arith.addi %mul3A_159, %add3A_21 : vector<16xi32>
        %gather3A_743 = tpu.vector_load_idx %arg5[%add3A_742] : memref<1024xf32, #tpu.memory_space<vmem>>[vector<16xi32>], vector<16xf32>,
        %add3A_744 = arith.constant 1024 : i32
        %add3A_745 = arith.addi %mul3A_111, %add3A_744 : i32
        %add3A_746 = arith.constant 48 : i32
        %add3A_747 = arith.addi %add3A_745, %add3A_746 : i32
        %swap3A_748 = arith.index_cast %add3A_747 : i32 to index
        %swap3A_749 = tpu.vector_load %arg8[%swap3A_748] {strides = array<i32>} : memref<51200xf32, #tpu.memory_space<vmem>>, vector<16xf32>,
        tpu.vector_store %arg8[%swap3A_748], %gather3A_679 {strides = array<i32>} : memref<51200xf32, #tpu.memory_space<vmem>>, vector<16xf32>,
        %add3A_750 = arith.addi %mul3A_159, %add3A_24 : vector<16xi32>
        %gather3A_751 = tpu.vector_load_idx %arg5[%add3A_750] : memref<1024xf32, #tpu.memory_space<vmem>>[vector<16xi32>], vector<16xf32>,
        %add3A_752 = arith.constant 1024 : i32
        %add3A_753 = arith.addi %mul3A_111, %add3A_752 : i32
        %add3A_754 = arith.constant 64 : i32
        %add3A_755 = arith.addi %add3A_753, %add3A_754 : i32
        %swap3A_756 = arith.index_cast %add3A_755 : i32 to index
        %swap3A_757 = tpu.vector_load %arg8[%swap3A_756] {strides = array<i32>} : memref<51200xf32, #tpu.memory_space<vmem>>, vector<16xf32>,
        tpu.vector_store %arg8[%swap3A_756], %gather3A_687 {strides = array<i32>} : memref<51200xf32, #tpu.memory_space<vmem>>, vector<16xf32>,
        %add3A_758 = arith.addi %mul3A_159, %add3A_27 : vector<16xi32>
        %gather3A_759 = tpu.vector_load_idx %arg5[%add3A_758] : memref<1024xf32, #tpu.memory_space<vmem>>[vector<16xi32>], vector<16xf32>,
        %add3A_760 = arith.constant 1024 : i32
        %add3A_761 = arith.addi %mul3A_111, %add3A_760 : i32
        %add3A_762 = arith.constant 80 : i32
        %add3A_763 = arith.addi %add3A_761, %add3A_762 : i32
        %swap3A_764 = arith.index_cast %add3A_763 : i32 to index
        %swap3A_765 = tpu.vector_load %arg8[%swap3A_764] {strides = array<i32>} : memref<51200xf32, #tpu.memory_space<vmem>>, vector<16xf32>,
        tpu.vector_store %arg8[%swap3A_764], %gather3A_695 {strides = array<i32>} : memref<51200xf32, #tpu.memory_space<vmem>>, vector<16xf32>,
        %add3A_766 = arith.addi %mul3A_159, %add3A_30 : vector<16xi32>
        %gather3A_767 = tpu.vector_load_idx %arg5[%add3A_766] : memref<1024xf32, #tpu.memory_space<vmem>>[vector<16xi32>], vector<16xf32>,
        %add3A_768 = arith.constant 1024 : i32
        %add3A_769 = arith.addi %mul3A_111, %add3A_768 : i32
        %add3A_770 = arith.constant 96 : i32
        %add3A_771 = arith.addi %add3A_769, %add3A_770 : i32
        %swap3A_772 = arith.index_cast %add3A_771 : i32 to index
        %swap3A_773 = tpu.vector_load %arg8[%swap3A_772] {strides = array<i32>} : memref<51200xf32, #tpu.memory_space<vmem>>, vector<16xf32>,
        tpu.vector_store %arg8[%swap3A_772], %gather3A_703 {strides = array<i32>} : memref<51200xf32, #tpu.memory_space<vmem>>, vector<16xf32>,
        %add3A_774 = arith.addi %mul3A_159, %add3A_33 : vector<16xi32>
        %gather3A_775 = tpu.vector_load_idx %arg5[%add3A_774] : memref<1024xf32, #tpu.memory_space<vmem>>[vector<16xi32>], vector<16xf32>,
        %add3A_776 = arith.constant 1024 : i32
        %add3A_777 = arith.addi %mul3A_111, %add3A_776 : i32
        %add3A_778 = arith.constant 112 : i32
        %add3A_779 = arith.addi %add3A_777, %add3A_778 : i32
        %swap3A_780 = arith.index_cast %add3A_779 : i32 to index
        %swap3A_781 = tpu.vector_load %arg8[%swap3A_780] {strides = array<i32>} : memref<51200xf32, #tpu.memory_space<vmem>>, vector<16xf32>,
        tpu.vector_store %arg8[%swap3A_780], %gather3A_711 {strides = array<i32>} : memref<51200xf32, #tpu.memory_space<vmem>>, vector<16xf32>,
        %add3A_782 = arith.addi %mul3A_164, %add3A_12 : vector<16xi32>
        %gather3A_783 = tpu.vector_load_idx %arg5[%add3A_782] : memref<1024xf32, #tpu.memory_space<vmem>>[vector<16xi32>], vector<16xf32>,
        %add3A_784 = arith.constant 1152 : i32
        %add3A_785 = arith.addi %mul3A_111, %add3A_784 : i32
        %add3A_786 = arith.constant 0 : i32
        %add3A_787 = arith.addi %add3A_785, %add3A_786 : i32
        %swap3A_788 = arith.index_cast %add3A_787 : i32 to index
        %swap3A_789 = tpu.vector_load %arg8[%swap3A_788] {strides = array<i32>} : memref<51200xf32, #tpu.memory_space<vmem>>, vector<16xf32>,
        tpu.vector_store %arg8[%swap3A_788], %gather3A_719 {strides = array<i32>} : memref<51200xf32, #tpu.memory_space<vmem>>, vector<16xf32>,
        %add3A_790 = arith.addi %mul3A_164, %add3A_15 : vector<16xi32>
        %gather3A_791 = tpu.vector_load_idx %arg5[%add3A_790] : memref<1024xf32, #tpu.memory_space<vmem>>[vector<16xi32>], vector<16xf32>,
        %add3A_792 = arith.constant 1152 : i32
        %add3A_793 = arith.addi %mul3A_111, %add3A_792 : i32
        %add3A_794 = arith.constant 16 : i32
        %add3A_795 = arith.addi %add3A_793, %add3A_794 : i32
        %swap3A_796 = arith.index_cast %add3A_795 : i32 to index
        %swap3A_797 = tpu.vector_load %arg8[%swap3A_796] {strides = array<i32>} : memref<51200xf32, #tpu.memory_space<vmem>>, vector<16xf32>,
        tpu.vector_store %arg8[%swap3A_796], %gather3A_727 {strides = array<i32>} : memref<51200xf32, #tpu.memory_space<vmem>>, vector<16xf32>,
        %add3A_798 = arith.addi %mul3A_164, %add3A_18 : vector<16xi32>
        %gather3A_799 = tpu.vector_load_idx %arg5[%add3A_798] : memref<1024xf32, #tpu.memory_space<vmem>>[vector<16xi32>], vector<16xf32>,
        %add3A_800 = arith.constant 1152 : i32
        %add3A_801 = arith.addi %mul3A_111, %add3A_800 : i32
        %add3A_802 = arith.constant 32 : i32
        %add3A_803 = arith.addi %add3A_801, %add3A_802 : i32
        %swap3A_804 = arith.index_cast %add3A_803 : i32 to index
        %swap3A_805 = tpu.vector_load %arg8[%swap3A_804] {strides = array<i32>} : memref<51200xf32, #tpu.memory_space<vmem>>, vector<16xf32>,
        tpu.vector_store %arg8[%swap3A_804], %gather3A_735 {strides = array<i32>} : memref<51200xf32, #tpu.memory_space<vmem>>, vector<16xf32>,
        %add3A_806 = arith.addi %mul3A_164, %add3A_21 : vector<16xi32>
        %gather3A_807 = tpu.vector_load_idx %arg5[%add3A_806] : memref<1024xf32, #tpu.memory_space<vmem>>[vector<16xi32>], vector<16xf32>,
        %add3A_808 = arith.constant 1152 : i32
        %add3A_809 = arith.addi %mul3A_111, %add3A_808 : i32
        %add3A_810 = arith.constant 48 : i32
        %add3A_811 = arith.addi %add3A_809, %add3A_810 : i32
        %swap3A_812 = arith.index_cast %add3A_811 : i32 to index
        %swap3A_813 = tpu.vector_load %arg8[%swap3A_812] {strides = array<i32>} : memref<51200xf32, #tpu.memory_space<vmem>>, vector<16xf32>,
        tpu.vector_store %arg8[%swap3A_812], %gather3A_743 {strides = array<i32>} : memref<51200xf32, #tpu.memory_space<vmem>>, vector<16xf32>,
        %add3A_814 = arith.addi %mul3A_164, %add3A_24 : vector<16xi32>
        %gather3A_815 = tpu.vector_load_idx %arg5[%add3A_814] : memref<1024xf32, #tpu.memory_space<vmem>>[vector<16xi32>], vector<16xf32>,
        %add3A_816 = arith.constant 1152 : i32
        %add3A_817 = arith.addi %mul3A_111, %add3A_816 : i32
        %add3A_818 = arith.constant 64 : i32
        %add3A_819 = arith.addi %add3A_817, %add3A_818 : i32
        %swap3A_820 = arith.index_cast %add3A_819 : i32 to index
        %swap3A_821 = tpu.vector_load %arg8[%swap3A_820] {strides = array<i32>} : memref<51200xf32, #tpu.memory_space<vmem>>, vector<16xf32>,
        tpu.vector_store %arg8[%swap3A_820], %gather3A_751 {strides = array<i32>} : memref<51200xf32, #tpu.memory_space<vmem>>, vector<16xf32>,
        %add3A_822 = arith.addi %mul3A_164, %add3A_27 : vector<16xi32>
        %gather3A_823 = tpu.vector_load_idx %arg5[%add3A_822] : memref<1024xf32, #tpu.memory_space<vmem>>[vector<16xi32>], vector<16xf32>,
        %add3A_824 = arith.constant 1152 : i32
        %add3A_825 = arith.addi %mul3A_111, %add3A_824 : i32
        %add3A_826 = arith.constant 80 : i32
        %add3A_827 = arith.addi %add3A_825, %add3A_826 : i32
        %swap3A_828 = arith.index_cast %add3A_827 : i32 to index
        %swap3A_829 = tpu.vector_load %arg8[%swap3A_828] {strides = array<i32>} : memref<51200xf32, #tpu.memory_space<vmem>>, vector<16xf32>,
        tpu.vector_store %arg8[%swap3A_828], %gather3A_759 {strides = array<i32>} : memref<51200xf32, #tpu.memory_space<vmem>>, vector<16xf32>,
        %add3A_830 = arith.addi %mul3A_164, %add3A_30 : vector<16xi32>
        %gather3A_831 = tpu.vector_load_idx %arg5[%add3A_830] : memref<1024xf32, #tpu.memory_space<vmem>>[vector<16xi32>], vector<16xf32>,
        %add3A_832 = arith.constant 1152 : i32
        %add3A_833 = arith.addi %mul3A_111, %add3A_832 : i32
        %add3A_834 = arith.constant 96 : i32
        %add3A_835 = arith.addi %add3A_833, %add3A_834 : i32
        %swap3A_836 = arith.index_cast %add3A_835 : i32 to index
        %swap3A_837 = tpu.vector_load %arg8[%swap3A_836] {strides = array<i32>} : memref<51200xf32, #tpu.memory_space<vmem>>, vector<16xf32>,
        tpu.vector_store %arg8[%swap3A_836], %gather3A_767 {strides = array<i32>} : memref<51200xf32, #tpu.memory_space<vmem>>, vector<16xf32>,
        %add3A_838 = arith.addi %mul3A_164, %add3A_33 : vector<16xi32>
        %gather3A_839 = tpu.vector_load_idx %arg5[%add3A_838] : memref<1024xf32, #tpu.memory_space<vmem>>[vector<16xi32>], vector<16xf32>,
        %add3A_840 = arith.constant 1152 : i32
        %add3A_841 = arith.addi %mul3A_111, %add3A_840 : i32
        %add3A_842 = arith.constant 112 : i32
        %add3A_843 = arith.addi %add3A_841, %add3A_842 : i32
        %swap3A_844 = arith.index_cast %add3A_843 : i32 to index
        %swap3A_845 = tpu.vector_load %arg8[%swap3A_844] {strides = array<i32>} : memref<51200xf32, #tpu.memory_space<vmem>>, vector<16xf32>,
        tpu.vector_store %arg8[%swap3A_844], %gather3A_775 {strides = array<i32>} : memref<51200xf32, #tpu.memory_space<vmem>>, vector<16xf32>,
        %add3A_846 = arith.addi %mul3A_169, %add3A_12 : vector<16xi32>
        %gather3A_847 = tpu.vector_load_idx %arg5[%add3A_846] : memref<1024xf32, #tpu.memory_space<vmem>>[vector<16xi32>], vector<16xf32>,
        %add3A_848 = arith.constant 1280 : i32
        %add3A_849 = arith.addi %mul3A_111, %add3A_848 : i32
        %add3A_850 = arith.constant 0 : i32
        %add3A_851 = arith.addi %add3A_849, %add3A_850 : i32
        %swap3A_852 = arith.index_cast %add3A_851 : i32 to index
        %swap3A_853 = tpu.vector_load %arg8[%swap3A_852] {strides = array<i32>} : memref<51200xf32, #tpu.memory_space<vmem>>, vector<16xf32>,
        tpu.vector_store %arg8[%swap3A_852], %gather3A_783 {strides = array<i32>} : memref<51200xf32, #tpu.memory_space<vmem>>, vector<16xf32>,
        %add3A_854 = arith.addi %mul3A_169, %add3A_15 : vector<16xi32>
        %gather3A_855 = tpu.vector_load_idx %arg5[%add3A_854] : memref<1024xf32, #tpu.memory_space<vmem>>[vector<16xi32>], vector<16xf32>,
        %add3A_856 = arith.constant 1280 : i32
        %add3A_857 = arith.addi %mul3A_111, %add3A_856 : i32
        %add3A_858 = arith.constant 16 : i32
        %add3A_859 = arith.addi %add3A_857, %add3A_858 : i32
        %swap3A_860 = arith.index_cast %add3A_859 : i32 to index
        %swap3A_861 = tpu.vector_load %arg8[%swap3A_860] {strides = array<i32>} : memref<51200xf32, #tpu.memory_space<vmem>>, vector<16xf32>,
        tpu.vector_store %arg8[%swap3A_860], %gather3A_791 {strides = array<i32>} : memref<51200xf32, #tpu.memory_space<vmem>>, vector<16xf32>,
        %add3A_862 = arith.addi %mul3A_169, %add3A_18 : vector<16xi32>
        %gather3A_863 = tpu.vector_load_idx %arg5[%add3A_862] : memref<1024xf32, #tpu.memory_space<vmem>>[vector<16xi32>], vector<16xf32>,
        %add3A_864 = arith.constant 1280 : i32
        %add3A_865 = arith.addi %mul3A_111, %add3A_864 : i32
        %add3A_866 = arith.constant 32 : i32
        %add3A_867 = arith.addi %add3A_865, %add3A_866 : i32
        %swap3A_868 = arith.index_cast %add3A_867 : i32 to index
        %swap3A_869 = tpu.vector_load %arg8[%swap3A_868] {strides = array<i32>} : memref<51200xf32, #tpu.memory_space<vmem>>, vector<16xf32>,
        tpu.vector_store %arg8[%swap3A_868], %gather3A_799 {strides = array<i32>} : memref<51200xf32, #tpu.memory_space<vmem>>, vector<16xf32>,
        %add3A_870 = arith.addi %mul3A_169, %add3A_21 : vector<16xi32>
        %gather3A_871 = tpu.vector_load_idx %arg5[%add3A_870] : memref<1024xf32, #tpu.memory_space<vmem>>[vector<16xi32>], vector<16xf32>,
        %add3A_872 = arith.constant 1280 : i32
        %add3A_873 = arith.addi %mul3A_111, %add3A_872 : i32
        %add3A_874 = arith.constant 48 : i32
        %add3A_875 = arith.addi %add3A_873, %add3A_874 : i32
        %swap3A_876 = arith.index_cast %add3A_875 : i32 to index
        %swap3A_877 = tpu.vector_load %arg8[%swap3A_876] {strides = array<i32>} : memref<51200xf32, #tpu.memory_space<vmem>>, vector<16xf32>,
        tpu.vector_store %arg8[%swap3A_876], %gather3A_807 {strides = array<i32>} : memref<51200xf32, #tpu.memory_space<vmem>>, vector<16xf32>,
        %add3A_878 = arith.addi %mul3A_169, %add3A_24 : vector<16xi32>
        %gather3A_879 = tpu.vector_load_idx %arg5[%add3A_878] : memref<1024xf32, #tpu.memory_space<vmem>>[vector<16xi32>], vector<16xf32>,
        %add3A_880 = arith.constant 1280 : i32
        %add3A_881 = arith.addi %mul3A_111, %add3A_880 : i32
        %add3A_882 = arith.constant 64 : i32
        %add3A_883 = arith.addi %add3A_881, %add3A_882 : i32
        %swap3A_884 = arith.index_cast %add3A_883 : i32 to index
        %swap3A_885 = tpu.vector_load %arg8[%swap3A_884] {strides = array<i32>} : memref<51200xf32, #tpu.memory_space<vmem>>, vector<16xf32>,
        tpu.vector_store %arg8[%swap3A_884], %gather3A_815 {strides = array<i32>} : memref<51200xf32, #tpu.memory_space<vmem>>, vector<16xf32>,
        %add3A_886 = arith.addi %mul3A_169, %add3A_27 : vector<16xi32>
        %gather3A_887 = tpu.vector_load_idx %arg5[%add3A_886] : memref<1024xf32, #tpu.memory_space<vmem>>[vector<16xi32>], vector<16xf32>,
        %add3A_888 = arith.constant 1280 : i32
        %add3A_889 = arith.addi %mul3A_111, %add3A_888 : i32
        %add3A_890 = arith.constant 80 : i32
        %add3A_891 = arith.addi %add3A_889, %add3A_890 : i32
        %swap3A_892 = arith.index_cast %add3A_891 : i32 to index
        %swap3A_893 = tpu.vector_load %arg8[%swap3A_892] {strides = array<i32>} : memref<51200xf32, #tpu.memory_space<vmem>>, vector<16xf32>,
        tpu.vector_store %arg8[%swap3A_892], %gather3A_823 {strides = array<i32>} : memref<51200xf32, #tpu.memory_space<vmem>>, vector<16xf32>,
        %add3A_894 = arith.addi %mul3A_169, %add3A_30 : vector<16xi32>
        %gather3A_895 = tpu.vector_load_idx %arg5[%add3A_894] : memref<1024xf32, #tpu.memory_space<vmem>>[vector<16xi32>], vector<16xf32>,
        %add3A_896 = arith.constant 1280 : i32
        %add3A_897 = arith.addi %mul3A_111, %add3A_896 : i32
        %add3A_898 = arith.constant 96 : i32
        %add3A_899 = arith.addi %add3A_897, %add3A_898 : i32
        %swap3A_900 = arith.index_cast %add3A_899 : i32 to index
        %swap3A_901 = tpu.vector_load %arg8[%swap3A_900] {strides = array<i32>} : memref<51200xf32, #tpu.memory_space<vmem>>, vector<16xf32>,
        tpu.vector_store %arg8[%swap3A_900], %gather3A_831 {strides = array<i32>} : memref<51200xf32, #tpu.memory_space<vmem>>, vector<16xf32>,
        %add3A_902 = arith.addi %mul3A_169, %add3A_33 : vector<16xi32>
        %gather3A_903 = tpu.vector_load_idx %arg5[%add3A_902] : memref<1024xf32, #tpu.memory_space<vmem>>[vector<16xi32>], vector<16xf32>,
        %add3A_904 = arith.constant 1280 : i32
        %add3A_905 = arith.addi %mul3A_111, %add3A_904 : i32
        %add3A_906 = arith.constant 112 : i32
        %add3A_907 = arith.addi %add3A_905, %add3A_906 : i32
        %swap3A_908 = arith.index_cast %add3A_907 : i32 to index
        %swap3A_909 = tpu.vector_load %arg8[%swap3A_908] {strides = array<i32>} : memref<51200xf32, #tpu.memory_space<vmem>>, vector<16xf32>,
        tpu.vector_store %arg8[%swap3A_908], %gather3A_839 {strides = array<i32>} : memref<51200xf32, #tpu.memory_space<vmem>>, vector<16xf32>,
        %add3A_910 = arith.addi %mul3A_174, %add3A_12 : vector<16xi32>
        %gather3A_911 = tpu.vector_load_idx %arg5[%add3A_910] : memref<1024xf32, #tpu.memory_space<vmem>>[vector<16xi32>], vector<16xf32>,
        %add3A_912 = arith.constant 1408 : i32
        %add3A_913 = arith.addi %mul3A_111, %add3A_912 : i32
        %add3A_914 = arith.constant 0 : i32
        %add3A_915 = arith.addi %add3A_913, %add3A_914 : i32
        %swap3A_916 = arith.index_cast %add3A_915 : i32 to index
        %swap3A_917 = tpu.vector_load %arg8[%swap3A_916] {strides = array<i32>} : memref<51200xf32, #tpu.memory_space<vmem>>, vector<16xf32>,
        tpu.vector_store %arg8[%swap3A_916], %gather3A_847 {strides = array<i32>} : memref<51200xf32, #tpu.memory_space<vmem>>, vector<16xf32>,
        %add3A_918 = arith.addi %mul3A_174, %add3A_15 : vector<16xi32>
        %gather3A_919 = tpu.vector_load_idx %arg5[%add3A_918] : memref<1024xf32, #tpu.memory_space<vmem>>[vector<16xi32>], vector<16xf32>,
        %add3A_920 = arith.constant 1408 : i32
        %add3A_921 = arith.addi %mul3A_111, %add3A_920 : i32
        %add3A_922 = arith.constant 16 : i32
        %add3A_923 = arith.addi %add3A_921, %add3A_922 : i32
        %swap3A_924 = arith.index_cast %add3A_923 : i32 to index
        %swap3A_925 = tpu.vector_load %arg8[%swap3A_924] {strides = array<i32>} : memref<51200xf32, #tpu.memory_space<vmem>>, vector<16xf32>,
        tpu.vector_store %arg8[%swap3A_924], %gather3A_855 {strides = array<i32>} : memref<51200xf32, #tpu.memory_space<vmem>>, vector<16xf32>,
        %add3A_926 = arith.addi %mul3A_174, %add3A_18 : vector<16xi32>
        %gather3A_927 = tpu.vector_load_idx %arg5[%add3A_926] : memref<1024xf32, #tpu.memory_space<vmem>>[vector<16xi32>], vector<16xf32>,
        %add3A_928 = arith.constant 1408 : i32
        %add3A_929 = arith.addi %mul3A_111, %add3A_928 : i32
        %add3A_930 = arith.constant 32 : i32
        %add3A_931 = arith.addi %add3A_929, %add3A_930 : i32
        %swap3A_932 = arith.index_cast %add3A_931 : i32 to index
        %swap3A_933 = tpu.vector_load %arg8[%swap3A_932] {strides = array<i32>} : memref<51200xf32, #tpu.memory_space<vmem>>, vector<16xf32>,
        tpu.vector_store %arg8[%swap3A_932], %gather3A_863 {strides = array<i32>} : memref<51200xf32, #tpu.memory_space<vmem>>, vector<16xf32>,
        %add3A_934 = arith.addi %mul3A_174, %add3A_21 : vector<16xi32>
        %gather3A_935 = tpu.vector_load_idx %arg5[%add3A_934] : memref<1024xf32, #tpu.memory_space<vmem>>[vector<16xi32>], vector<16xf32>,
        %add3A_936 = arith.constant 1408 : i32
        %add3A_937 = arith.addi %mul3A_111, %add3A_936 : i32
        %add3A_938 = arith.constant 48 : i32
        %add3A_939 = arith.addi %add3A_937, %add3A_938 : i32
        %swap3A_940 = arith.index_cast %add3A_939 : i32 to index
        %swap3A_941 = tpu.vector_load %arg8[%swap3A_940] {strides = array<i32>} : memref<51200xf32, #tpu.memory_space<vmem>>, vector<16xf32>,
        tpu.vector_store %arg8[%swap3A_940], %gather3A_871 {strides = array<i32>} : memref<51200xf32, #tpu.memory_space<vmem>>, vector<16xf32>,
        %add3A_942 = arith.addi %mul3A_174, %add3A_24 : vector<16xi32>
        %gather3A_943 = tpu.vector_load_idx %arg5[%add3A_942] : memref<1024xf32, #tpu.memory_space<vmem>>[vector<16xi32>], vector<16xf32>,
        %add3A_944 = arith.constant 1408 : i32
        %add3A_945 = arith.addi %mul3A_111, %add3A_944 : i32
        %add3A_946 = arith.constant 64 : i32
        %add3A_947 = arith.addi %add3A_945, %add3A_946 : i32
        %swap3A_948 = arith.index_cast %add3A_947 : i32 to index
        %swap3A_949 = tpu.vector_load %arg8[%swap3A_948] {strides = array<i32>} : memref<51200xf32, #tpu.memory_space<vmem>>, vector<16xf32>,
        tpu.vector_store %arg8[%swap3A_948], %gather3A_879 {strides = array<i32>} : memref<51200xf32, #tpu.memory_space<vmem>>, vector<16xf32>,
        %add3A_950 = arith.addi %mul3A_174, %add3A_27 : vector<16xi32>
        %gather3A_951 = tpu.vector_load_idx %arg5[%add3A_950] : memref<1024xf32, #tpu.memory_space<vmem>>[vector<16xi32>], vector<16xf32>,
        %add3A_952 = arith.constant 1408 : i32
        %add3A_953 = arith.addi %mul3A_111, %add3A_952 : i32
        %add3A_954 = arith.constant 80 : i32
        %add3A_955 = arith.addi %add3A_953, %add3A_954 : i32
        %swap3A_956 = arith.index_cast %add3A_955 : i32 to index
        %swap3A_957 = tpu.vector_load %arg8[%swap3A_956] {strides = array<i32>} : memref<51200xf32, #tpu.memory_space<vmem>>, vector<16xf32>,
        tpu.vector_store %arg8[%swap3A_956], %gather3A_887 {strides = array<i32>} : memref<51200xf32, #tpu.memory_space<vmem>>, vector<16xf32>,
        %add3A_958 = arith.addi %mul3A_174, %add3A_30 : vector<16xi32>
        %gather3A_959 = tpu.vector_load_idx %arg5[%add3A_958] : memref<1024xf32, #tpu.memory_space<vmem>>[vector<16xi32>], vector<16xf32>,
        %add3A_960 = arith.constant 1408 : i32
        %add3A_961 = arith.addi %mul3A_111, %add3A_960 : i32
        %add3A_962 = arith.constant 96 : i32
        %add3A_963 = arith.addi %add3A_961, %add3A_962 : i32
        %swap3A_964 = arith.index_cast %add3A_963 : i32 to index
        %swap3A_965 = tpu.vector_load %arg8[%swap3A_964] {strides = array<i32>} : memref<51200xf32, #tpu.memory_space<vmem>>, vector<16xf32>,
        tpu.vector_store %arg8[%swap3A_964], %gather3A_895 {strides = array<i32>} : memref<51200xf32, #tpu.memory_space<vmem>>, vector<16xf32>,
        %add3A_966 = arith.addi %mul3A_174, %add3A_33 : vector<16xi32>
        %gather3A_967 = tpu.vector_load_idx %arg5[%add3A_966] : memref<1024xf32, #tpu.memory_space<vmem>>[vector<16xi32>], vector<16xf32>,
        %add3A_968 = arith.constant 1408 : i32
        %add3A_969 = arith.addi %mul3A_111, %add3A_968 : i32
        %add3A_970 = arith.constant 112 : i32
        %add3A_971 = arith.addi %add3A_969, %add3A_970 : i32
        %swap3A_972 = arith.index_cast %add3A_971 : i32 to index
        %swap3A_973 = tpu.vector_load %arg8[%swap3A_972] {strides = array<i32>} : memref<51200xf32, #tpu.memory_space<vmem>>, vector<16xf32>,
        tpu.vector_store %arg8[%swap3A_972], %gather3A_903 {strides = array<i32>} : memref<51200xf32, #tpu.memory_space<vmem>>, vector<16xf32>,
        %add3A_974 = arith.addi %mul3A_179, %add3A_12 : vector<16xi32>
        %gather3A_975 = tpu.vector_load_idx %arg5[%add3A_974] : memref<1024xf32, #tpu.memory_space<vmem>>[vector<16xi32>], vector<16xf32>,
        %add3A_976 = arith.constant 1536 : i32
        %add3A_977 = arith.addi %mul3A_111, %add3A_976 : i32
        %add3A_978 = arith.constant 0 : i32
        %add3A_979 = arith.addi %add3A_977, %add3A_978 : i32
        %swap3A_980 = arith.index_cast %add3A_979 : i32 to index
        %swap3A_981 = tpu.vector_load %arg8[%swap3A_980] {strides = array<i32>} : memref<51200xf32, #tpu.memory_space<vmem>>, vector<16xf32>,
        tpu.vector_store %arg8[%swap3A_980], %gather3A_911 {strides = array<i32>} : memref<51200xf32, #tpu.memory_space<vmem>>, vector<16xf32>,
        %add3A_982 = arith.addi %mul3A_179, %add3A_15 : vector<16xi32>
        %gather3A_983 = tpu.vector_load_idx %arg5[%add3A_982] : memref<1024xf32, #tpu.memory_space<vmem>>[vector<16xi32>], vector<16xf32>,
        %add3A_984 = arith.constant 1536 : i32
        %add3A_985 = arith.addi %mul3A_111, %add3A_984 : i32
        %add3A_986 = arith.constant 16 : i32
        %add3A_987 = arith.addi %add3A_985, %add3A_986 : i32
        %swap3A_988 = arith.index_cast %add3A_987 : i32 to index
        %swap3A_989 = tpu.vector_load %arg8[%swap3A_988] {strides = array<i32>} : memref<51200xf32, #tpu.memory_space<vmem>>, vector<16xf32>,
        tpu.vector_store %arg8[%swap3A_988], %gather3A_919 {strides = array<i32>} : memref<51200xf32, #tpu.memory_space<vmem>>, vector<16xf32>,
        %add3A_990 = arith.addi %mul3A_179, %add3A_18 : vector<16xi32>
        %gather3A_991 = tpu.vector_load_idx %arg5[%add3A_990] : memref<1024xf32, #tpu.memory_space<vmem>>[vector<16xi32>], vector<16xf32>,
        %add3A_992 = arith.constant 1536 : i32
        %add3A_993 = arith.addi %mul3A_111, %add3A_992 : i32
        %add3A_994 = arith.constant 32 : i32
        %add3A_995 = arith.addi %add3A_993, %add3A_994 : i32
        %swap3A_996 = arith.index_cast %add3A_995 : i32 to index
        %swap3A_997 = tpu.vector_load %arg8[%swap3A_996] {strides = array<i32>} : memref<51200xf32, #tpu.memory_space<vmem>>, vector<16xf32>,
        tpu.vector_store %arg8[%swap3A_996], %gather3A_927 {strides = array<i32>} : memref<51200xf32, #tpu.memory_space<vmem>>, vector<16xf32>,
        %add3A_998 = arith.addi %mul3A_179, %add3A_21 : vector<16xi32>
        %gather3A_999 = tpu.vector_load_idx %arg5[%add3A_998] : memref<1024xf32, #tpu.memory_space<vmem>>[vector<16xi32>], vector<16xf32>,
        %add3A_1000 = arith.constant 1536 : i32
        %add3A_1001 = arith.addi %mul3A_111, %add3A_1000 : i32
        %add3A_1002 = arith.constant 48 : i32
        %add3A_1003 = arith.addi %add3A_1001, %add3A_1002 : i32
        %swap3A_1004 = arith.index_cast %add3A_1003 : i32 to index
        %swap3A_1005 = tpu.vector_load %arg8[%swap3A_1004] {strides = array<i32>} : memref<51200xf32, #tpu.memory_space<vmem>>, vector<16xf32>,
        tpu.vector_store %arg8[%swap3A_1004], %gather3A_935 {strides = array<i32>} : memref<51200xf32, #tpu.memory_space<vmem>>, vector<16xf32>,
        %add3A_1006 = arith.addi %mul3A_179, %add3A_24 : vector<16xi32>
        %gather3A_1007 = tpu.vector_load_idx %arg5[%add3A_1006] : memref<1024xf32, #tpu.memory_space<vmem>>[vector<16xi32>], vector<16xf32>,
        %add3A_1008 = arith.constant 1536 : i32
        %add3A_1009 = arith.addi %mul3A_111, %add3A_1008 : i32
        %add3A_1010 = arith.constant 64 : i32
        %add3A_1011 = arith.addi %add3A_1009, %add3A_1010 : i32
        %swap3A_1012 = arith.index_cast %add3A_1011 : i32 to index
        %swap3A_1013 = tpu.vector_load %arg8[%swap3A_1012] {strides = array<i32>} : memref<51200xf32, #tpu.memory_space<vmem>>, vector<16xf32>,
        tpu.vector_store %arg8[%swap3A_1012], %gather3A_943 {strides = array<i32>} : memref<51200xf32, #tpu.memory_space<vmem>>, vector<16xf32>,
        %add3A_1014 = arith.addi %mul3A_179, %add3A_27 : vector<16xi32>
        %gather3A_1015 = tpu.vector_load_idx %arg5[%add3A_1014] : memref<1024xf32, #tpu.memory_space<vmem>>[vector<16xi32>], vector<16xf32>,
        %add3A_1016 = arith.constant 1536 : i32
        %add3A_1017 = arith.addi %mul3A_111, %add3A_1016 : i32
        %add3A_1018 = arith.constant 80 : i32
        %add3A_1019 = arith.addi %add3A_1017, %add3A_1018 : i32
        %swap3A_1020 = arith.index_cast %add3A_1019 : i32 to index
        %swap3A_1021 = tpu.vector_load %arg8[%swap3A_1020] {strides = array<i32>} : memref<51200xf32, #tpu.memory_space<vmem>>, vector<16xf32>,
        tpu.vector_store %arg8[%swap3A_1020], %gather3A_951 {strides = array<i32>} : memref<51200xf32, #tpu.memory_space<vmem>>, vector<16xf32>,
        %add3A_1022 = arith.addi %mul3A_179, %add3A_30 : vector<16xi32>
        %gather3A_1023 = tpu.vector_load_idx %arg5[%add3A_1022] : memref<1024xf32, #tpu.memory_space<vmem>>[vector<16xi32>], vector<16xf32>,
        %add3A_1024 = arith.constant 1536 : i32
        %add3A_1025 = arith.addi %mul3A_111, %add3A_1024 : i32
        %add3A_1026 = arith.constant 96 : i32
        %add3A_1027 = arith.addi %add3A_1025, %add3A_1026 : i32
        %swap3A_1028 = arith.index_cast %add3A_1027 : i32 to index
        %swap3A_1029 = tpu.vector_load %arg8[%swap3A_1028] {strides = array<i32>} : memref<51200xf32, #tpu.memory_space<vmem>>, vector<16xf32>,
        tpu.vector_store %arg8[%swap3A_1028], %gather3A_959 {strides = array<i32>} : memref<51200xf32, #tpu.memory_space<vmem>>, vector<16xf32>,
        %add3A_1030 = arith.addi %mul3A_179, %add3A_33 : vector<16xi32>
        %gather3A_1031 = tpu.vector_load_idx %arg5[%add3A_1030] : memref<1024xf32, #tpu.memory_space<vmem>>[vector<16xi32>], vector<16xf32>,
        %add3A_1032 = arith.constant 1536 : i32
        %add3A_1033 = arith.addi %mul3A_111, %add3A_1032 : i32
        %add3A_1034 = arith.constant 112 : i32
        %add3A_1035 = arith.addi %add3A_1033, %add3A_1034 : i32
        %swap3A_1036 = arith.index_cast %add3A_1035 : i32 to index
        %swap3A_1037 = tpu.vector_load %arg8[%swap3A_1036] {strides = array<i32>} : memref<51200xf32, #tpu.memory_space<vmem>>, vector<16xf32>,
        tpu.vector_store %arg8[%swap3A_1036], %gather3A_967 {strides = array<i32>} : memref<51200xf32, #tpu.memory_space<vmem>>, vector<16xf32>,
        %add3A_1038 = arith.addi %mul3A_184, %add3A_12 : vector<16xi32>
        %gather3A_1039 = tpu.vector_load_idx %arg5[%add3A_1038] : memref<1024xf32, #tpu.memory_space<vmem>>[vector<16xi32>], vector<16xf32>,
        %add3A_1040 = arith.constant 1664 : i32
        %add3A_1041 = arith.addi %mul3A_111, %add3A_1040 : i32
        %add3A_1042 = arith.constant 0 : i32
        %add3A_1043 = arith.addi %add3A_1041, %add3A_1042 : i32
        %swap3A_1044 = arith.index_cast %add3A_1043 : i32 to index
        %swap3A_1045 = tpu.vector_load %arg8[%swap3A_1044] {strides = array<i32>} : memref<51200xf32, #tpu.memory_space<vmem>>, vector<16xf32>,
        tpu.vector_store %arg8[%swap3A_1044], %gather3A_975 {strides = array<i32>} : memref<51200xf32, #tpu.memory_space<vmem>>, vector<16xf32>,
        %add3A_1046 = arith.addi %mul3A_184, %add3A_15 : vector<16xi32>
        %gather3A_1047 = tpu.vector_load_idx %arg5[%add3A_1046] : memref<1024xf32, #tpu.memory_space<vmem>>[vector<16xi32>], vector<16xf32>,
        %add3A_1048 = arith.constant 1664 : i32
        %add3A_1049 = arith.addi %mul3A_111, %add3A_1048 : i32
        %add3A_1050 = arith.constant 16 : i32
        %add3A_1051 = arith.addi %add3A_1049, %add3A_1050 : i32
        %swap3A_1052 = arith.index_cast %add3A_1051 : i32 to index
        %swap3A_1053 = tpu.vector_load %arg8[%swap3A_1052] {strides = array<i32>} : memref<51200xf32, #tpu.memory_space<vmem>>, vector<16xf32>,
        tpu.vector_store %arg8[%swap3A_1052], %gather3A_983 {strides = array<i32>} : memref<51200xf32, #tpu.memory_space<vmem>>, vector<16xf32>,
        %add3A_1054 = arith.addi %mul3A_184, %add3A_18 : vector<16xi32>
        %gather3A_1055 = tpu.vector_load_idx %arg5[%add3A_1054] : memref<1024xf32, #tpu.memory_space<vmem>>[vector<16xi32>], vector<16xf32>,
        %add3A_1056 = arith.constant 1664 : i32
        %add3A_1057 = arith.addi %mul3A_111, %add3A_1056 : i32
        %add3A_1058 = arith.constant 32 : i32
        %add3A_1059 = arith.addi %add3A_1057, %add3A_1058 : i32
        %swap3A_1060 = arith.index_cast %add3A_1059 : i32 to index
        %swap3A_1061 = tpu.vector_load %arg8[%swap3A_1060] {strides = array<i32>} : memref<51200xf32, #tpu.memory_space<vmem>>, vector<16xf32>,
        tpu.vector_store %arg8[%swap3A_1060], %gather3A_991 {strides = array<i32>} : memref<51200xf32, #tpu.memory_space<vmem>>, vector<16xf32>,
        %add3A_1062 = arith.addi %mul3A_184, %add3A_21 : vector<16xi32>
        %gather3A_1063 = tpu.vector_load_idx %arg5[%add3A_1062] : memref<1024xf32, #tpu.memory_space<vmem>>[vector<16xi32>], vector<16xf32>,
        %add3A_1064 = arith.constant 1664 : i32
        %add3A_1065 = arith.addi %mul3A_111, %add3A_1064 : i32
        %add3A_1066 = arith.constant 48 : i32
        %add3A_1067 = arith.addi %add3A_1065, %add3A_1066 : i32
        %swap3A_1068 = arith.index_cast %add3A_1067 : i32 to index
        %swap3A_1069 = tpu.vector_load %arg8[%swap3A_1068] {strides = array<i32>} : memref<51200xf32, #tpu.memory_space<vmem>>, vector<16xf32>,
        tpu.vector_store %arg8[%swap3A_1068], %gather3A_999 {strides = array<i32>} : memref<51200xf32, #tpu.memory_space<vmem>>, vector<16xf32>,
        %add3A_1070 = arith.addi %mul3A_184, %add3A_24 : vector<16xi32>
        %gather3A_1071 = tpu.vector_load_idx %arg5[%add3A_1070] : memref<1024xf32, #tpu.memory_space<vmem>>[vector<16xi32>], vector<16xf32>,
        %add3A_1072 = arith.constant 1664 : i32
        %add3A_1073 = arith.addi %mul3A_111, %add3A_1072 : i32
        %add3A_1074 = arith.constant 64 : i32
        %add3A_1075 = arith.addi %add3A_1073, %add3A_1074 : i32
        %swap3A_1076 = arith.index_cast %add3A_1075 : i32 to index
        %swap3A_1077 = tpu.vector_load %arg8[%swap3A_1076] {strides = array<i32>} : memref<51200xf32, #tpu.memory_space<vmem>>, vector<16xf32>,
        tpu.vector_store %arg8[%swap3A_1076], %gather3A_1007 {strides = array<i32>} : memref<51200xf32, #tpu.memory_space<vmem>>, vector<16xf32>,
        %add3A_1078 = arith.addi %mul3A_184, %add3A_27 : vector<16xi32>
        %gather3A_1079 = tpu.vector_load_idx %arg5[%add3A_1078] : memref<1024xf32, #tpu.memory_space<vmem>>[vector<16xi32>], vector<16xf32>,
        %add3A_1080 = arith.constant 1664 : i32
        %add3A_1081 = arith.addi %mul3A_111, %add3A_1080 : i32
        %add3A_1082 = arith.constant 80 : i32
        %add3A_1083 = arith.addi %add3A_1081, %add3A_1082 : i32
        %swap3A_1084 = arith.index_cast %add3A_1083 : i32 to index
        %swap3A_1085 = tpu.vector_load %arg8[%swap3A_1084] {strides = array<i32>} : memref<51200xf32, #tpu.memory_space<vmem>>, vector<16xf32>,
        tpu.vector_store %arg8[%swap3A_1084], %gather3A_1015 {strides = array<i32>} : memref<51200xf32, #tpu.memory_space<vmem>>, vector<16xf32>,
        %add3A_1086 = arith.addi %mul3A_184, %add3A_30 : vector<16xi32>
        %gather3A_1087 = tpu.vector_load_idx %arg5[%add3A_1086] : memref<1024xf32, #tpu.memory_space<vmem>>[vector<16xi32>], vector<16xf32>,
        %add3A_1088 = arith.constant 1664 : i32
        %add3A_1089 = arith.addi %mul3A_111, %add3A_1088 : i32
        %add3A_1090 = arith.constant 96 : i32
        %add3A_1091 = arith.addi %add3A_1089, %add3A_1090 : i32
        %swap3A_1092 = arith.index_cast %add3A_1091 : i32 to index
        %swap3A_1093 = tpu.vector_load %arg8[%swap3A_1092] {strides = array<i32>} : memref<51200xf32, #tpu.memory_space<vmem>>, vector<16xf32>,
        tpu.vector_store %arg8[%swap3A_1092], %gather3A_1023 {strides = array<i32>} : memref<51200xf32, #tpu.memory_space<vmem>>, vector<16xf32>,
        %add3A_1094 = arith.addi %mul3A_184, %add3A_33 : vector<16xi32>
        %gather3A_1095 = tpu.vector_load_idx %arg5[%add3A_1094] : memref<1024xf32, #tpu.memory_space<vmem>>[vector<16xi32>], vector<16xf32>,
        %add3A_1096 = arith.constant 1664 : i32
        %add3A_1097 = arith.addi %mul3A_111, %add3A_1096 : i32
        %add3A_1098 = arith.constant 112 : i32
        %add3A_1099 = arith.addi %add3A_1097, %add3A_1098 : i32
        %swap3A_1100 = arith.index_cast %add3A_1099 : i32 to index
        %swap3A_1101 = tpu.vector_load %arg8[%swap3A_1100] {strides = array<i32>} : memref<51200xf32, #tpu.memory_space<vmem>>, vector<16xf32>,
        tpu.vector_store %arg8[%swap3A_1100], %gather3A_1031 {strides = array<i32>} : memref<51200xf32, #tpu.memory_space<vmem>>, vector<16xf32>,
        %add3A_1102 = arith.addi %mul3A_189, %add3A_12 : vector<16xi32>
        %gather3A_1103 = tpu.vector_load_idx %arg5[%add3A_1102] : memref<1024xf32, #tpu.memory_space<vmem>>[vector<16xi32>], vector<16xf32>,
        %add3A_1104 = arith.constant 1792 : i32
        %add3A_1105 = arith.addi %mul3A_111, %add3A_1104 : i32
        %add3A_1106 = arith.constant 0 : i32
        %add3A_1107 = arith.addi %add3A_1105, %add3A_1106 : i32
        %swap3A_1108 = arith.index_cast %add3A_1107 : i32 to index
        %swap3A_1109 = tpu.vector_load %arg8[%swap3A_1108] {strides = array<i32>} : memref<51200xf32, #tpu.memory_space<vmem>>, vector<16xf32>,
        tpu.vector_store %arg8[%swap3A_1108], %gather3A_1039 {strides = array<i32>} : memref<51200xf32, #tpu.memory_space<vmem>>, vector<16xf32>,
        %add3A_1110 = arith.addi %mul3A_189, %add3A_15 : vector<16xi32>
        %gather3A_1111 = tpu.vector_load_idx %arg5[%add3A_1110] : memref<1024xf32, #tpu.memory_space<vmem>>[vector<16xi32>], vector<16xf32>,
        %add3A_1112 = arith.constant 1792 : i32
        %add3A_1113 = arith.addi %mul3A_111, %add3A_1112 : i32
        %add3A_1114 = arith.constant 16 : i32
        %add3A_1115 = arith.addi %add3A_1113, %add3A_1114 : i32
        %swap3A_1116 = arith.index_cast %add3A_1115 : i32 to index
        %swap3A_1117 = tpu.vector_load %arg8[%swap3A_1116] {strides = array<i32>} : memref<51200xf32, #tpu.memory_space<vmem>>, vector<16xf32>,
        tpu.vector_store %arg8[%swap3A_1116], %gather3A_1047 {strides = array<i32>} : memref<51200xf32, #tpu.memory_space<vmem>>, vector<16xf32>,
        %add3A_1118 = arith.addi %mul3A_189, %add3A_18 : vector<16xi32>
        %gather3A_1119 = tpu.vector_load_idx %arg5[%add3A_1118] : memref<1024xf32, #tpu.memory_space<vmem>>[vector<16xi32>], vector<16xf32>,
        %add3A_1120 = arith.constant 1792 : i32
        %add3A_1121 = arith.addi %mul3A_111, %add3A_1120 : i32
        %add3A_1122 = arith.constant 32 : i32
        %add3A_1123 = arith.addi %add3A_1121, %add3A_1122 : i32
        %swap3A_1124 = arith.index_cast %add3A_1123 : i32 to index
        %swap3A_1125 = tpu.vector_load %arg8[%swap3A_1124] {strides = array<i32>} : memref<51200xf32, #tpu.memory_space<vmem>>, vector<16xf32>,
        tpu.vector_store %arg8[%swap3A_1124], %gather3A_1055 {strides = array<i32>} : memref<51200xf32, #tpu.memory_space<vmem>>, vector<16xf32>,
        %add3A_1126 = arith.addi %mul3A_189, %add3A_21 : vector<16xi32>
        %gather3A_1127 = tpu.vector_load_idx %arg5[%add3A_1126] : memref<1024xf32, #tpu.memory_space<vmem>>[vector<16xi32>], vector<16xf32>,
        %add3A_1128 = arith.constant 1792 : i32
        %add3A_1129 = arith.addi %mul3A_111, %add3A_1128 : i32
        %add3A_1130 = arith.constant 48 : i32
        %add3A_1131 = arith.addi %add3A_1129, %add3A_1130 : i32
        %swap3A_1132 = arith.index_cast %add3A_1131 : i32 to index
        %swap3A_1133 = tpu.vector_load %arg8[%swap3A_1132] {strides = array<i32>} : memref<51200xf32, #tpu.memory_space<vmem>>, vector<16xf32>,
        tpu.vector_store %arg8[%swap3A_1132], %gather3A_1063 {strides = array<i32>} : memref<51200xf32, #tpu.memory_space<vmem>>, vector<16xf32>,
        %add3A_1134 = arith.addi %mul3A_189, %add3A_24 : vector<16xi32>
        %gather3A_1135 = tpu.vector_load_idx %arg5[%add3A_1134] : memref<1024xf32, #tpu.memory_space<vmem>>[vector<16xi32>], vector<16xf32>,
        %add3A_1136 = arith.constant 1792 : i32
        %add3A_1137 = arith.addi %mul3A_111, %add3A_1136 : i32
        %add3A_1138 = arith.constant 64 : i32
        %add3A_1139 = arith.addi %add3A_1137, %add3A_1138 : i32
        %swap3A_1140 = arith.index_cast %add3A_1139 : i32 to index
        %swap3A_1141 = tpu.vector_load %arg8[%swap3A_1140] {strides = array<i32>} : memref<51200xf32, #tpu.memory_space<vmem>>, vector<16xf32>,
        tpu.vector_store %arg8[%swap3A_1140], %gather3A_1071 {strides = array<i32>} : memref<51200xf32, #tpu.memory_space<vmem>>, vector<16xf32>,
        %add3A_1142 = arith.addi %mul3A_189, %add3A_27 : vector<16xi32>
        %gather3A_1143 = tpu.vector_load_idx %arg5[%add3A_1142] : memref<1024xf32, #tpu.memory_space<vmem>>[vector<16xi32>], vector<16xf32>,
        %add3A_1144 = arith.constant 1792 : i32
        %add3A_1145 = arith.addi %mul3A_111, %add3A_1144 : i32
        %add3A_1146 = arith.constant 80 : i32
        %add3A_1147 = arith.addi %add3A_1145, %add3A_1146 : i32
        %swap3A_1148 = arith.index_cast %add3A_1147 : i32 to index
        %swap3A_1149 = tpu.vector_load %arg8[%swap3A_1148] {strides = array<i32>} : memref<51200xf32, #tpu.memory_space<vmem>>, vector<16xf32>,
        tpu.vector_store %arg8[%swap3A_1148], %gather3A_1079 {strides = array<i32>} : memref<51200xf32, #tpu.memory_space<vmem>>, vector<16xf32>,
        %add3A_1150 = arith.addi %mul3A_189, %add3A_30 : vector<16xi32>
        %gather3A_1151 = tpu.vector_load_idx %arg5[%add3A_1150] : memref<1024xf32, #tpu.memory_space<vmem>>[vector<16xi32>], vector<16xf32>,
        %add3A_1152 = arith.constant 1792 : i32
        %add3A_1153 = arith.addi %mul3A_111, %add3A_1152 : i32
        %add3A_1154 = arith.constant 96 : i32
        %add3A_1155 = arith.addi %add3A_1153, %add3A_1154 : i32
        %swap3A_1156 = arith.index_cast %add3A_1155 : i32 to index
        %swap3A_1157 = tpu.vector_load %arg8[%swap3A_1156] {strides = array<i32>} : memref<51200xf32, #tpu.memory_space<vmem>>, vector<16xf32>,
        tpu.vector_store %arg8[%swap3A_1156], %gather3A_1087 {strides = array<i32>} : memref<51200xf32, #tpu.memory_space<vmem>>, vector<16xf32>,
        %add3A_1158 = arith.addi %mul3A_189, %add3A_33 : vector<16xi32>
        %gather3A_1159 = tpu.vector_load_idx %arg5[%add3A_1158] : memref<1024xf32, #tpu.memory_space<vmem>>[vector<16xi32>], vector<16xf32>,
        %add3A_1160 = arith.constant 1792 : i32
        %add3A_1161 = arith.addi %mul3A_111, %add3A_1160 : i32
        %add3A_1162 = arith.constant 112 : i32
        %add3A_1163 = arith.addi %add3A_1161, %add3A_1162 : i32
        %swap3A_1164 = arith.index_cast %add3A_1163 : i32 to index
        %swap3A_1165 = tpu.vector_load %arg8[%swap3A_1164] {strides = array<i32>} : memref<51200xf32, #tpu.memory_space<vmem>>, vector<16xf32>,
        tpu.vector_store %arg8[%swap3A_1164], %gather3A_1095 {strides = array<i32>} : memref<51200xf32, #tpu.memory_space<vmem>>, vector<16xf32>,
        %add3A_1166 = arith.constant 1920 : i32
        %add3A_1167 = arith.addi %mul3A_111, %add3A_1166 : i32
        %add3A_1168 = arith.constant 0 : i32
        %add3A_1169 = arith.addi %add3A_1167, %add3A_1168 : i32
        %swap3A_1170 = arith.index_cast %add3A_1169 : i32 to index
        %swap3A_1171 = tpu.vector_load %arg8[%swap3A_1170] {strides = array<i32>} : memref<51200xf32, #tpu.memory_space<vmem>>, vector<16xf32>,
        tpu.vector_store %arg8[%swap3A_1170], %gather3A_1103 {strides = array<i32>} : memref<51200xf32, #tpu.memory_space<vmem>>, vector<16xf32>,
        %add3A_1172 = arith.constant 1920 : i32
        %add3A_1173 = arith.addi %mul3A_111, %add3A_1172 : i32
        %add3A_1174 = arith.constant 16 : i32
        %add3A_1175 = arith.addi %add3A_1173, %add3A_1174 : i32
        %swap3A_1176 = arith.index_cast %add3A_1175 : i32 to index
        %swap3A_1177 = tpu.vector_load %arg8[%swap3A_1176] {strides = array<i32>} : memref<51200xf32, #tpu.memory_space<vmem>>, vector<16xf32>,
        tpu.vector_store %arg8[%swap3A_1176], %gather3A_1111 {strides = array<i32>} : memref<51200xf32, #tpu.memory_space<vmem>>, vector<16xf32>,
        %add3A_1178 = arith.constant 1920 : i32
        %add3A_1179 = arith.addi %mul3A_111, %add3A_1178 : i32
        %add3A_1180 = arith.constant 32 : i32
        %add3A_1181 = arith.addi %add3A_1179, %add3A_1180 : i32
        %swap3A_1182 = arith.index_cast %add3A_1181 : i32 to index
        %swap3A_1183 = tpu.vector_load %arg8[%swap3A_1182] {strides = array<i32>} : memref<51200xf32, #tpu.memory_space<vmem>>, vector<16xf32>,
        tpu.vector_store %arg8[%swap3A_1182], %gather3A_1119 {strides = array<i32>} : memref<51200xf32, #tpu.memory_space<vmem>>, vector<16xf32>,
        %add3A_1184 = arith.constant 1920 : i32
        %add3A_1185 = arith.addi %mul3A_111, %add3A_1184 : i32
        %add3A_1186 = arith.constant 48 : i32
        %add3A_1187 = arith.addi %add3A_1185, %add3A_1186 : i32
        %swap3A_1188 = arith.index_cast %add3A_1187 : i32 to index
        %swap3A_1189 = tpu.vector_load %arg8[%swap3A_1188] {strides = array<i32>} : memref<51200xf32, #tpu.memory_space<vmem>>, vector<16xf32>,
        tpu.vector_store %arg8[%swap3A_1188], %gather3A_1127 {strides = array<i32>} : memref<51200xf32, #tpu.memory_space<vmem>>, vector<16xf32>,
        %add3A_1190 = arith.constant 1920 : i32
        %add3A_1191 = arith.addi %mul3A_111, %add3A_1190 : i32
        %add3A_1192 = arith.constant 64 : i32
        %add3A_1193 = arith.addi %add3A_1191, %add3A_1192 : i32
        %swap3A_1194 = arith.index_cast %add3A_1193 : i32 to index
        %swap3A_1195 = tpu.vector_load %arg8[%swap3A_1194] {strides = array<i32>} : memref<51200xf32, #tpu.memory_space<vmem>>, vector<16xf32>,
        tpu.vector_store %arg8[%swap3A_1194], %gather3A_1135 {strides = array<i32>} : memref<51200xf32, #tpu.memory_space<vmem>>, vector<16xf32>,
        %add3A_1196 = arith.constant 1920 : i32
        %add3A_1197 = arith.addi %mul3A_111, %add3A_1196 : i32
        %add3A_1198 = arith.constant 80 : i32
        %add3A_1199 = arith.addi %add3A_1197, %add3A_1198 : i32
        %swap3A_1200 = arith.index_cast %add3A_1199 : i32 to index
        %swap3A_1201 = tpu.vector_load %arg8[%swap3A_1200] {strides = array<i32>} : memref<51200xf32, #tpu.memory_space<vmem>>, vector<16xf32>,
        tpu.vector_store %arg8[%swap3A_1200], %gather3A_1143 {strides = array<i32>} : memref<51200xf32, #tpu.memory_space<vmem>>, vector<16xf32>,
        %add3A_1202 = arith.constant 1920 : i32
        %add3A_1203 = arith.addi %mul3A_111, %add3A_1202 : i32
        %add3A_1204 = arith.constant 96 : i32
        %add3A_1205 = arith.addi %add3A_1203, %add3A_1204 : i32
        %swap3A_1206 = arith.index_cast %add3A_1205 : i32 to index
        %swap3A_1207 = tpu.vector_load %arg8[%swap3A_1206] {strides = array<i32>} : memref<51200xf32, #tpu.memory_space<vmem>>, vector<16xf32>,
        tpu.vector_store %arg8[%swap3A_1206], %gather3A_1151 {strides = array<i32>} : memref<51200xf32, #tpu.memory_space<vmem>>, vector<16xf32>,
        %add3A_1208 = arith.constant 1920 : i32
        %add3A_1209 = arith.addi %mul3A_111, %add3A_1208 : i32
        %add3A_1210 = arith.constant 112 : i32
        %add3A_1211 = arith.addi %add3A_1209, %add3A_1210 : i32
        %swap3A_1212 = arith.index_cast %add3A_1211 : i32 to index
        %swap3A_1213 = tpu.vector_load %arg8[%swap3A_1212] {strides = array<i32>} : memref<51200xf32, #tpu.memory_space<vmem>>, vector<16xf32>,
        tpu.vector_store %arg8[%swap3A_1212], %gather3A_1159 {strides = array<i32>} : memref<51200xf32, #tpu.memory_space<vmem>>, vector<16xf32>,
      }
      %scan3A_66 = arith.constant 25 : i32
      %mul3A_67 = arith.constant 51200 : i32
      %mul3A_68 = arith.muli %mul3A_53, %mul3A_67 : i32
      %add3A_69 = arith.addi %mul3A_4, %mul3A_68 : i32
      %dma_start3A_70 = tpu.memref_slice %arg4[%add3A_69] : memref<419430400xf32, #tpu.memory_space<hbm>> -> memref<51200xf32, #tpu.memory_space<hbm>>
      %dma_start3A_71 = tpu.memref_slice %arg4[%add3A_69] : memref<419430400xf32, #tpu.memory_space<hbm>> -> memref<51200xf32, #tpu.memory_space<hbm>>
      tpu.enqueue_dma source(%arg8 : memref<51200xf32, #tpu.memory_space<vmem>>) target(%dma_start3A_71 : memref<51200xf32, #tpu.memory_space<hbm>>) target_semaphore(%arg13 : memref<!tpu.dma_semaphore, #tpu.memory_space<semaphore_mem>>)
      %lt3A = arith.constant 254 : i32
      %lt3A_72 = arith.cmpi slt, %mul3A_53, %lt3A : i32
      %convert_element_type3A_73 = arith.extui %lt3A_72 : i1 to i32
      %cond3A_74 = arith.constant 0 : i32
      %cond3A_75 = arith.cmpi ne, %convert_element_type3A_73, %cond3A_74 : i32
      scf.if %cond3A_75 {
        %add3A_106 = arith.constant 2 : i32
        %add3A_107 = arith.addi %mul3A_53, %add3A_106 : i32
        %mul3A_108 = arith.constant 400 : i32
        %mul3A_109 = arith.muli %add3A_107, %mul3A_108 : i32
        %add3A_110 = arith.addi %mul3A_2, %mul3A_109 : i32
        %dma_start3A_111 = tpu.memref_slice %arg3[%add3A_110] : memref<3276800xi32, #tpu.memory_space<hbm>> -> memref<400xi32, #tpu.memory_space<hbm>>
        %dma_start3A_112 = tpu.memref_slice %arg3[%add3A_110] : memref<3276800xi32, #tpu.memory_space<hbm>> -> memref<400xi32, #tpu.memory_space<hbm>>
        tpu.enqueue_dma source(%dma_start3A_112 : memref<400xi32, #tpu.memory_space<hbm>>) target(%arg6 : memref<400xi32, #tpu.memory_space<vmem>>) target_semaphore(%arg11 : memref<!tpu.dma_semaphore, #tpu.memory_space<semaphore_mem>>)
      } else {
      }
      %mul3A_76 = arith.constant 2 : i32
      %mul3A_77 = arith.muli %mul3A_76, %scan3A_51 : i32
      %add3A_78 = arith.constant 1 : i32
      %add3A_79 = arith.addi %mul3A_77, %add3A_78 : i32
      %mul3A_80 = arith.constant 400 : i32
      %mul3A_81 = arith.muli %add3A_79, %mul3A_80 : i32
      %add3A_82 = arith.addi %mul3A_2, %mul3A_81 : i32
      %dma_wait3A_83 = tpu.memref_slice %arg3[%add3A_82] : memref<3276800xi32, #tpu.memory_space<hbm>> -> memref<400xi32, #tpu.memory_space<hbm>>
      %dma_wait3A_84 = tpu.memref_slice %arg3[%add3A_82] : memref<3276800xi32, #tpu.memory_space<hbm>> -> memref<400xi32, #tpu.memory_space<hbm>>
      tpu.wait_dma2 semaphore(%arg12 : memref<!tpu.dma_semaphore, #tpu.memory_space<semaphore_mem>>) src(%dma_wait3A_84 : memref<400xi32, #tpu.memory_space<hbm>>) dst(%arg7 : memref<400xi32, #tpu.memory_space<vmem>>)
      %ge3A_85 = arith.constant 1 : i32
      %ge3A_86 = arith.cmpi sge, %scan3A_51, %ge3A_85 : i32
      %convert_element_type3A_87 = arith.extui %ge3A_86 : i1 to i32
      %cond3A_88 = arith.constant 0 : i32
      %cond3A_89 = arith.cmpi ne, %convert_element_type3A_87, %cond3A_88 : i32
      scf.if %cond3A_89 {
        %dma_wait3A_106 = tpu.memref_slice %arg4[%mul3A_4] : memref<419430400xf32, #tpu.memory_space<hbm>> -> memref<51200xf32, #tpu.memory_space<hbm>>
        %dma_wait3A_107 = tpu.memref_slice %arg4[%mul3A_4] : memref<419430400xf32, #tpu.memory_space<hbm>> -> memref<51200xf32, #tpu.memory_space<hbm>>
        tpu.wait_dma2 semaphore(%arg14 : memref<!tpu.dma_semaphore, #tpu.memory_space<semaphore_mem>>) src(%arg9 : memref<51200xf32, #tpu.memory_space<vmem>>) dst(%dma_wait3A_107 : memref<51200xf32, #tpu.memory_space<hbm>>)
      } else {
      }
      %scan3A_90 = arith.constant 0 : i32
      %scan3A_91 = arith.constant 0 : i32
      %scan3A_92 = arith.constant 25 : i32
      %scan3A_93 = arith.addi %scan3A_91, %scan3A_92 : i32
      %scan3A_94 = arith.constant 1 : i32
      scf.for %scan3A_106 = %scan3A_91 to %scan3A_93 step %scan3A_94  : i32 {
        %mul3A_107 = arith.constant 16 : i32
        %mul3A_108 = arith.muli %scan3A_106, %mul3A_107 : i32
        %broadcast_in_dim3A_109 = vector.broadcast %mul3A_108 : i32 to vector<16xi32>
        %mul3A_110 = arith.constant 2048 : i32
        %mul3A_111 = arith.muli %scan3A_106, %mul3A_110 : i32
        %gather3A = tpu.vector_load_idx %arg7[%broadcast_in_dim3A_109] : memref<400xi32, #tpu.memory_space<vmem>>[vector<16xi32>], vector<16xi32>,
        %mul3A_112 = arith.constant 128 : i32
        %mul3A_113 = vector.broadcast %mul3A_112 : i32 to vector<16xi32>
        %mul3A_114 = arith.muli %gather3A, %mul3A_113 : vector<16xi32>
        %add3A_115 = arith.addi %broadcast_in_dim3A_109, %broadcast_in_dim3A_34 : vector<16xi32>
        %gather3A_116 = tpu.vector_load_idx %arg7[%add3A_115] : memref<400xi32, #tpu.memory_space<vmem>>[vector<16xi32>], vector<16xi32>,
        %mul3A_117 = arith.constant 128 : i32
        %mul3A_118 = vector.broadcast %mul3A_117 : i32 to vector<16xi32>
        %mul3A_119 = arith.muli %gather3A_116, %mul3A_118 : vector<16xi32>
        %add3A_120 = arith.addi %add3A_115, %broadcast_in_dim3A_34 : vector<16xi32>
        %gather3A_121 = tpu.vector_load_idx %arg7[%add3A_120] : memref<400xi32, #tpu.memory_space<vmem>>[vector<16xi32>], vector<16xi32>,
        %mul3A_122 = arith.constant 128 : i32
        %mul3A_123 = vector.broadcast %mul3A_122 : i32 to vector<16xi32>
        %mul3A_124 = arith.muli %gather3A_121, %mul3A_123 : vector<16xi32>
        %add3A_125 = arith.addi %add3A_120, %broadcast_in_dim3A_34 : vector<16xi32>
        %gather3A_126 = tpu.vector_load_idx %arg7[%add3A_125] : memref<400xi32, #tpu.memory_space<vmem>>[vector<16xi32>], vector<16xi32>,
        %mul3A_127 = arith.constant 128 : i32
        %mul3A_128 = vector.broadcast %mul3A_127 : i32 to vector<16xi32>
        %mul3A_129 = arith.muli %gather3A_126, %mul3A_128 : vector<16xi32>
        %add3A_130 = arith.addi %add3A_125, %broadcast_in_dim3A_34 : vector<16xi32>
        %gather3A_131 = tpu.vector_load_idx %arg7[%add3A_130] : memref<400xi32, #tpu.memory_space<vmem>>[vector<16xi32>], vector<16xi32>,
        %mul3A_132 = arith.constant 128 : i32
        %mul3A_133 = vector.broadcast %mul3A_132 : i32 to vector<16xi32>
        %mul3A_134 = arith.muli %gather3A_131, %mul3A_133 : vector<16xi32>
        %add3A_135 = arith.addi %add3A_130, %broadcast_in_dim3A_34 : vector<16xi32>
        %gather3A_136 = tpu.vector_load_idx %arg7[%add3A_135] : memref<400xi32, #tpu.memory_space<vmem>>[vector<16xi32>], vector<16xi32>,
        %mul3A_137 = arith.constant 128 : i32
        %mul3A_138 = vector.broadcast %mul3A_137 : i32 to vector<16xi32>
        %mul3A_139 = arith.muli %gather3A_136, %mul3A_138 : vector<16xi32>
        %add3A_140 = arith.addi %add3A_135, %broadcast_in_dim3A_34 : vector<16xi32>
        %gather3A_141 = tpu.vector_load_idx %arg7[%add3A_140] : memref<400xi32, #tpu.memory_space<vmem>>[vector<16xi32>], vector<16xi32>,
        %mul3A_142 = arith.constant 128 : i32
        %mul3A_143 = vector.broadcast %mul3A_142 : i32 to vector<16xi32>
        %mul3A_144 = arith.muli %gather3A_141, %mul3A_143 : vector<16xi32>
        %add3A_145 = arith.addi %add3A_140, %broadcast_in_dim3A_34 : vector<16xi32>
        %gather3A_146 = tpu.vector_load_idx %arg7[%add3A_145] : memref<400xi32, #tpu.memory_space<vmem>>[vector<16xi32>], vector<16xi32>,
        %mul3A_147 = arith.constant 128 : i32
        %mul3A_148 = vector.broadcast %mul3A_147 : i32 to vector<16xi32>
        %mul3A_149 = arith.muli %gather3A_146, %mul3A_148 : vector<16xi32>
        %add3A_150 = arith.addi %add3A_145, %broadcast_in_dim3A_34 : vector<16xi32>
        %gather3A_151 = tpu.vector_load_idx %arg7[%add3A_150] : memref<400xi32, #tpu.memory_space<vmem>>[vector<16xi32>], vector<16xi32>,
        %mul3A_152 = arith.constant 128 : i32
        %mul3A_153 = vector.broadcast %mul3A_152 : i32 to vector<16xi32>
        %mul3A_154 = arith.muli %gather3A_151, %mul3A_153 : vector<16xi32>
        %add3A_155 = arith.addi %add3A_150, %broadcast_in_dim3A_34 : vector<16xi32>
        %gather3A_156 = tpu.vector_load_idx %arg7[%add3A_155] : memref<400xi32, #tpu.memory_space<vmem>>[vector<16xi32>], vector<16xi32>,
        %mul3A_157 = arith.constant 128 : i32
        %mul3A_158 = vector.broadcast %mul3A_157 : i32 to vector<16xi32>
        %mul3A_159 = arith.muli %gather3A_156, %mul3A_158 : vector<16xi32>
        %add3A_160 = arith.addi %add3A_155, %broadcast_in_dim3A_34 : vector<16xi32>
        %gather3A_161 = tpu.vector_load_idx %arg7[%add3A_160] : memref<400xi32, #tpu.memory_space<vmem>>[vector<16xi32>], vector<16xi32>,
        %mul3A_162 = arith.constant 128 : i32
        %mul3A_163 = vector.broadcast %mul3A_162 : i32 to vector<16xi32>
        %mul3A_164 = arith.muli %gather3A_161, %mul3A_163 : vector<16xi32>
        %add3A_165 = arith.addi %add3A_160, %broadcast_in_dim3A_34 : vector<16xi32>
        %gather3A_166 = tpu.vector_load_idx %arg7[%add3A_165] : memref<400xi32, #tpu.memory_space<vmem>>[vector<16xi32>], vector<16xi32>,
        %mul3A_167 = arith.constant 128 : i32
        %mul3A_168 = vector.broadcast %mul3A_167 : i32 to vector<16xi32>
        %mul3A_169 = arith.muli %gather3A_166, %mul3A_168 : vector<16xi32>
        %add3A_170 = arith.addi %add3A_165, %broadcast_in_dim3A_34 : vector<16xi32>
        %gather3A_171 = tpu.vector_load_idx %arg7[%add3A_170] : memref<400xi32, #tpu.memory_space<vmem>>[vector<16xi32>], vector<16xi32>,
        %mul3A_172 = arith.constant 128 : i32
        %mul3A_173 = vector.broadcast %mul3A_172 : i32 to vector<16xi32>
        %mul3A_174 = arith.muli %gather3A_171, %mul3A_173 : vector<16xi32>
        %add3A_175 = arith.addi %add3A_170, %broadcast_in_dim3A_34 : vector<16xi32>
        %gather3A_176 = tpu.vector_load_idx %arg7[%add3A_175] : memref<400xi32, #tpu.memory_space<vmem>>[vector<16xi32>], vector<16xi32>,
        %mul3A_177 = arith.constant 128 : i32
        %mul3A_178 = vector.broadcast %mul3A_177 : i32 to vector<16xi32>
        %mul3A_179 = arith.muli %gather3A_176, %mul3A_178 : vector<16xi32>
        %add3A_180 = arith.addi %add3A_175, %broadcast_in_dim3A_34 : vector<16xi32>
        %gather3A_181 = tpu.vector_load_idx %arg7[%add3A_180] : memref<400xi32, #tpu.memory_space<vmem>>[vector<16xi32>], vector<16xi32>,
        %mul3A_182 = arith.constant 128 : i32
        %mul3A_183 = vector.broadcast %mul3A_182 : i32 to vector<16xi32>
        %mul3A_184 = arith.muli %gather3A_181, %mul3A_183 : vector<16xi32>
        %add3A_185 = arith.addi %add3A_180, %broadcast_in_dim3A_34 : vector<16xi32>
        %gather3A_186 = tpu.vector_load_idx %arg7[%add3A_185] : memref<400xi32, #tpu.memory_space<vmem>>[vector<16xi32>], vector<16xi32>,
        %mul3A_187 = arith.constant 128 : i32
        %mul3A_188 = vector.broadcast %mul3A_187 : i32 to vector<16xi32>
        %mul3A_189 = arith.muli %gather3A_186, %mul3A_188 : vector<16xi32>
        %add3A_190 = arith.addi %add3A_185, %broadcast_in_dim3A_34 : vector<16xi32>
        %add3A_191 = arith.addi %mul3A_114, %add3A_12 : vector<16xi32>
        %gather3A_192 = tpu.vector_load_idx %arg5[%add3A_191] : memref<1024xf32, #tpu.memory_space<vmem>>[vector<16xi32>], vector<16xf32>,
        %add3A_193 = arith.addi %mul3A_114, %add3A_15 : vector<16xi32>
        %gather3A_194 = tpu.vector_load_idx %arg5[%add3A_193] : memref<1024xf32, #tpu.memory_space<vmem>>[vector<16xi32>], vector<16xf32>,
        %add3A_195 = arith.addi %mul3A_114, %add3A_18 : vector<16xi32>
        %gather3A_196 = tpu.vector_load_idx %arg5[%add3A_195] : memref<1024xf32, #tpu.memory_space<vmem>>[vector<16xi32>], vector<16xf32>,
        %add3A_197 = arith.addi %mul3A_114, %add3A_21 : vector<16xi32>
        %gather3A_198 = tpu.vector_load_idx %arg5[%add3A_197] : memref<1024xf32, #tpu.memory_space<vmem>>[vector<16xi32>], vector<16xf32>,
        %add3A_199 = arith.addi %mul3A_114, %add3A_24 : vector<16xi32>
        %gather3A_200 = tpu.vector_load_idx %arg5[%add3A_199] : memref<1024xf32, #tpu.memory_space<vmem>>[vector<16xi32>], vector<16xf32>,
        %add3A_201 = arith.addi %mul3A_114, %add3A_27 : vector<16xi32>
        %gather3A_202 = tpu.vector_load_idx %arg5[%add3A_201] : memref<1024xf32, #tpu.memory_space<vmem>>[vector<16xi32>], vector<16xf32>,
        %add3A_203 = arith.addi %mul3A_114, %add3A_30 : vector<16xi32>
        %gather3A_204 = tpu.vector_load_idx %arg5[%add3A_203] : memref<1024xf32, #tpu.memory_space<vmem>>[vector<16xi32>], vector<16xf32>,
        %add3A_205 = arith.addi %mul3A_114, %add3A_33 : vector<16xi32>
        %gather3A_206 = tpu.vector_load_idx %arg5[%add3A_205] : memref<1024xf32, #tpu.memory_space<vmem>>[vector<16xi32>], vector<16xf32>,
        %add3A_207 = arith.addi %mul3A_119, %add3A_12 : vector<16xi32>
        %gather3A_208 = tpu.vector_load_idx %arg5[%add3A_207] : memref<1024xf32, #tpu.memory_space<vmem>>[vector<16xi32>], vector<16xf32>,
        %add3A_209 = arith.constant 0 : i32
        %add3A_210 = arith.addi %mul3A_111, %add3A_209 : i32
        %add3A_211 = arith.constant 0 : i32
        %add3A_212 = arith.addi %add3A_210, %add3A_211 : i32
        %swap3A = arith.index_cast %add3A_212 : i32 to index
        %swap3A_213 = tpu.vector_load %arg9[%swap3A] {strides = array<i32>} : memref<51200xf32, #tpu.memory_space<vmem>>, vector<16xf32>,
        tpu.vector_store %arg9[%swap3A], %gather3A_192 {strides = array<i32>} : memref<51200xf32, #tpu.memory_space<vmem>>, vector<16xf32>,
        %add3A_214 = arith.addi %mul3A_119, %add3A_15 : vector<16xi32>
        %gather3A_215 = tpu.vector_load_idx %arg5[%add3A_214] : memref<1024xf32, #tpu.memory_space<vmem>>[vector<16xi32>], vector<16xf32>,
        %add3A_216 = arith.constant 0 : i32
        %add3A_217 = arith.addi %mul3A_111, %add3A_216 : i32
        %add3A_218 = arith.constant 16 : i32
        %add3A_219 = arith.addi %add3A_217, %add3A_218 : i32
        %swap3A_220 = arith.index_cast %add3A_219 : i32 to index
        %swap3A_221 = tpu.vector_load %arg9[%swap3A_220] {strides = array<i32>} : memref<51200xf32, #tpu.memory_space<vmem>>, vector<16xf32>,
        tpu.vector_store %arg9[%swap3A_220], %gather3A_194 {strides = array<i32>} : memref<51200xf32, #tpu.memory_space<vmem>>, vector<16xf32>,
        %add3A_222 = arith.addi %mul3A_119, %add3A_18 : vector<16xi32>
        %gather3A_223 = tpu.vector_load_idx %arg5[%add3A_222] : memref<1024xf32, #tpu.memory_space<vmem>>[vector<16xi32>], vector<16xf32>,
        %add3A_224 = arith.constant 0 : i32
        %add3A_225 = arith.addi %mul3A_111, %add3A_224 : i32
        %add3A_226 = arith.constant 32 : i32
        %add3A_227 = arith.addi %add3A_225, %add3A_226 : i32
        %swap3A_228 = arith.index_cast %add3A_227 : i32 to index
        %swap3A_229 = tpu.vector_load %arg9[%swap3A_228] {strides = array<i32>} : memref<51200xf32, #tpu.memory_space<vmem>>, vector<16xf32>,
        tpu.vector_store %arg9[%swap3A_228], %gather3A_196 {strides = array<i32>} : memref<51200xf32, #tpu.memory_space<vmem>>, vector<16xf32>,
        %add3A_230 = arith.addi %mul3A_119, %add3A_21 : vector<16xi32>
        %gather3A_231 = tpu.vector_load_idx %arg5[%add3A_230] : memref<1024xf32, #tpu.memory_space<vmem>>[vector<16xi32>], vector<16xf32>,
        %add3A_232 = arith.constant 0 : i32
        %add3A_233 = arith.addi %mul3A_111, %add3A_232 : i32
        %add3A_234 = arith.constant 48 : i32
        %add3A_235 = arith.addi %add3A_233, %add3A_234 : i32
        %swap3A_236 = arith.index_cast %add3A_235 : i32 to index
        %swap3A_237 = tpu.vector_load %arg9[%swap3A_236] {strides = array<i32>} : memref<51200xf32, #tpu.memory_space<vmem>>, vector<16xf32>,
        tpu.vector_store %arg9[%swap3A_236], %gather3A_198 {strides = array<i32>} : memref<51200xf32, #tpu.memory_space<vmem>>, vector<16xf32>,
        %add3A_238 = arith.addi %mul3A_119, %add3A_24 : vector<16xi32>
        %gather3A_239 = tpu.vector_load_idx %arg5[%add3A_238] : memref<1024xf32, #tpu.memory_space<vmem>>[vector<16xi32>], vector<16xf32>,
        %add3A_240 = arith.constant 0 : i32
        %add3A_241 = arith.addi %mul3A_111, %add3A_240 : i32
        %add3A_242 = arith.constant 64 : i32
        %add3A_243 = arith.addi %add3A_241, %add3A_242 : i32
        %swap3A_244 = arith.index_cast %add3A_243 : i32 to index
        %swap3A_245 = tpu.vector_load %arg9[%swap3A_244] {strides = array<i32>} : memref<51200xf32, #tpu.memory_space<vmem>>, vector<16xf32>,
        tpu.vector_store %arg9[%swap3A_244], %gather3A_200 {strides = array<i32>} : memref<51200xf32, #tpu.memory_space<vmem>>, vector<16xf32>,
        %add3A_246 = arith.addi %mul3A_119, %add3A_27 : vector<16xi32>
        %gather3A_247 = tpu.vector_load_idx %arg5[%add3A_246] : memref<1024xf32, #tpu.memory_space<vmem>>[vector<16xi32>], vector<16xf32>,
        %add3A_248 = arith.constant 0 : i32
        %add3A_249 = arith.addi %mul3A_111, %add3A_248 : i32
        %add3A_250 = arith.constant 80 : i32
        %add3A_251 = arith.addi %add3A_249, %add3A_250 : i32
        %swap3A_252 = arith.index_cast %add3A_251 : i32 to index
        %swap3A_253 = tpu.vector_load %arg9[%swap3A_252] {strides = array<i32>} : memref<51200xf32, #tpu.memory_space<vmem>>, vector<16xf32>,
        tpu.vector_store %arg9[%swap3A_252], %gather3A_202 {strides = array<i32>} : memref<51200xf32, #tpu.memory_space<vmem>>, vector<16xf32>,
        %add3A_254 = arith.addi %mul3A_119, %add3A_30 : vector<16xi32>
        %gather3A_255 = tpu.vector_load_idx %arg5[%add3A_254] : memref<1024xf32, #tpu.memory_space<vmem>>[vector<16xi32>], vector<16xf32>,
        %add3A_256 = arith.constant 0 : i32
        %add3A_257 = arith.addi %mul3A_111, %add3A_256 : i32
        %add3A_258 = arith.constant 96 : i32
        %add3A_259 = arith.addi %add3A_257, %add3A_258 : i32
        %swap3A_260 = arith.index_cast %add3A_259 : i32 to index
        %swap3A_261 = tpu.vector_load %arg9[%swap3A_260] {strides = array<i32>} : memref<51200xf32, #tpu.memory_space<vmem>>, vector<16xf32>,
        tpu.vector_store %arg9[%swap3A_260], %gather3A_204 {strides = array<i32>} : memref<51200xf32, #tpu.memory_space<vmem>>, vector<16xf32>,
        %add3A_262 = arith.addi %mul3A_119, %add3A_33 : vector<16xi32>
        %gather3A_263 = tpu.vector_load_idx %arg5[%add3A_262] : memref<1024xf32, #tpu.memory_space<vmem>>[vector<16xi32>], vector<16xf32>,
        %add3A_264 = arith.constant 0 : i32
        %add3A_265 = arith.addi %mul3A_111, %add3A_264 : i32
        %add3A_266 = arith.constant 112 : i32
        %add3A_267 = arith.addi %add3A_265, %add3A_266 : i32
        %swap3A_268 = arith.index_cast %add3A_267 : i32 to index
        %swap3A_269 = tpu.vector_load %arg9[%swap3A_268] {strides = array<i32>} : memref<51200xf32, #tpu.memory_space<vmem>>, vector<16xf32>,
        tpu.vector_store %arg9[%swap3A_268], %gather3A_206 {strides = array<i32>} : memref<51200xf32, #tpu.memory_space<vmem>>, vector<16xf32>,
        %add3A_270 = arith.addi %mul3A_124, %add3A_12 : vector<16xi32>
        %gather3A_271 = tpu.vector_load_idx %arg5[%add3A_270] : memref<1024xf32, #tpu.memory_space<vmem>>[vector<16xi32>], vector<16xf32>,
        %add3A_272 = arith.constant 128 : i32
        %add3A_273 = arith.addi %mul3A_111, %add3A_272 : i32
        %add3A_274 = arith.constant 0 : i32
        %add3A_275 = arith.addi %add3A_273, %add3A_274 : i32
        %swap3A_276 = arith.index_cast %add3A_275 : i32 to index
        %swap3A_277 = tpu.vector_load %arg9[%swap3A_276] {strides = array<i32>} : memref<51200xf32, #tpu.memory_space<vmem>>, vector<16xf32>,
        tpu.vector_store %arg9[%swap3A_276], %gather3A_208 {strides = array<i32>} : memref<51200xf32, #tpu.memory_space<vmem>>, vector<16xf32>,
        %add3A_278 = arith.addi %mul3A_124, %add3A_15 : vector<16xi32>
        %gather3A_279 = tpu.vector_load_idx %arg5[%add3A_278] : memref<1024xf32, #tpu.memory_space<vmem>>[vector<16xi32>], vector<16xf32>,
        %add3A_280 = arith.constant 128 : i32
        %add3A_281 = arith.addi %mul3A_111, %add3A_280 : i32
        %add3A_282 = arith.constant 16 : i32
        %add3A_283 = arith.addi %add3A_281, %add3A_282 : i32
        %swap3A_284 = arith.index_cast %add3A_283 : i32 to index
        %swap3A_285 = tpu.vector_load %arg9[%swap3A_284] {strides = array<i32>} : memref<51200xf32, #tpu.memory_space<vmem>>, vector<16xf32>,
        tpu.vector_store %arg9[%swap3A_284], %gather3A_215 {strides = array<i32>} : memref<51200xf32, #tpu.memory_space<vmem>>, vector<16xf32>,
        %add3A_286 = arith.addi %mul3A_124, %add3A_18 : vector<16xi32>
        %gather3A_287 = tpu.vector_load_idx %arg5[%add3A_286] : memref<1024xf32, #tpu.memory_space<vmem>>[vector<16xi32>], vector<16xf32>,
        %add3A_288 = arith.constant 128 : i32
        %add3A_289 = arith.addi %mul3A_111, %add3A_288 : i32
        %add3A_290 = arith.constant 32 : i32
        %add3A_291 = arith.addi %add3A_289, %add3A_290 : i32
        %swap3A_292 = arith.index_cast %add3A_291 : i32 to index
        %swap3A_293 = tpu.vector_load %arg9[%swap3A_292] {strides = array<i32>} : memref<51200xf32, #tpu.memory_space<vmem>>, vector<16xf32>,
        tpu.vector_store %arg9[%swap3A_292], %gather3A_223 {strides = array<i32>} : memref<51200xf32, #tpu.memory_space<vmem>>, vector<16xf32>,
        %add3A_294 = arith.addi %mul3A_124, %add3A_21 : vector<16xi32>
        %gather3A_295 = tpu.vector_load_idx %arg5[%add3A_294] : memref<1024xf32, #tpu.memory_space<vmem>>[vector<16xi32>], vector<16xf32>,
        %add3A_296 = arith.constant 128 : i32
        %add3A_297 = arith.addi %mul3A_111, %add3A_296 : i32
        %add3A_298 = arith.constant 48 : i32
        %add3A_299 = arith.addi %add3A_297, %add3A_298 : i32
        %swap3A_300 = arith.index_cast %add3A_299 : i32 to index
        %swap3A_301 = tpu.vector_load %arg9[%swap3A_300] {strides = array<i32>} : memref<51200xf32, #tpu.memory_space<vmem>>, vector<16xf32>,
        tpu.vector_store %arg9[%swap3A_300], %gather3A_231 {strides = array<i32>} : memref<51200xf32, #tpu.memory_space<vmem>>, vector<16xf32>,
        %add3A_302 = arith.addi %mul3A_124, %add3A_24 : vector<16xi32>
        %gather3A_303 = tpu.vector_load_idx %arg5[%add3A_302] : memref<1024xf32, #tpu.memory_space<vmem>>[vector<16xi32>], vector<16xf32>,
        %add3A_304 = arith.constant 128 : i32
        %add3A_305 = arith.addi %mul3A_111, %add3A_304 : i32
        %add3A_306 = arith.constant 64 : i32
        %add3A_307 = arith.addi %add3A_305, %add3A_306 : i32
        %swap3A_308 = arith.index_cast %add3A_307 : i32 to index
        %swap3A_309 = tpu.vector_load %arg9[%swap3A_308] {strides = array<i32>} : memref<51200xf32, #tpu.memory_space<vmem>>, vector<16xf32>,
        tpu.vector_store %arg9[%swap3A_308], %gather3A_239 {strides = array<i32>} : memref<51200xf32, #tpu.memory_space<vmem>>, vector<16xf32>,
        %add3A_310 = arith.addi %mul3A_124, %add3A_27 : vector<16xi32>
        %gather3A_311 = tpu.vector_load_idx %arg5[%add3A_310] : memref<1024xf32, #tpu.memory_space<vmem>>[vector<16xi32>], vector<16xf32>,
        %add3A_312 = arith.constant 128 : i32
        %add3A_313 = arith.addi %mul3A_111, %add3A_312 : i32
        %add3A_314 = arith.constant 80 : i32
        %add3A_315 = arith.addi %add3A_313, %add3A_314 : i32
        %swap3A_316 = arith.index_cast %add3A_315 : i32 to index
        %swap3A_317 = tpu.vector_load %arg9[%swap3A_316] {strides = array<i32>} : memref<51200xf32, #tpu.memory_space<vmem>>, vector<16xf32>,
        tpu.vector_store %arg9[%swap3A_316], %gather3A_247 {strides = array<i32>} : memref<51200xf32, #tpu.memory_space<vmem>>, vector<16xf32>,
        %add3A_318 = arith.addi %mul3A_124, %add3A_30 : vector<16xi32>
        %gather3A_319 = tpu.vector_load_idx %arg5[%add3A_318] : memref<1024xf32, #tpu.memory_space<vmem>>[vector<16xi32>], vector<16xf32>,
        %add3A_320 = arith.constant 128 : i32
        %add3A_321 = arith.addi %mul3A_111, %add3A_320 : i32
        %add3A_322 = arith.constant 96 : i32
        %add3A_323 = arith.addi %add3A_321, %add3A_322 : i32
        %swap3A_324 = arith.index_cast %add3A_323 : i32 to index
        %swap3A_325 = tpu.vector_load %arg9[%swap3A_324] {strides = array<i32>} : memref<51200xf32, #tpu.memory_space<vmem>>, vector<16xf32>,
        tpu.vector_store %arg9[%swap3A_324], %gather3A_255 {strides = array<i32>} : memref<51200xf32, #tpu.memory_space<vmem>>, vector<16xf32>,
        %add3A_326 = arith.addi %mul3A_124, %add3A_33 : vector<16xi32>
        %gather3A_327 = tpu.vector_load_idx %arg5[%add3A_326] : memref<1024xf32, #tpu.memory_space<vmem>>[vector<16xi32>], vector<16xf32>,
        %add3A_328 = arith.constant 128 : i32
        %add3A_329 = arith.addi %mul3A_111, %add3A_328 : i32
        %add3A_330 = arith.constant 112 : i32
        %add3A_331 = arith.addi %add3A_329, %add3A_330 : i32
        %swap3A_332 = arith.index_cast %add3A_331 : i32 to index
        %swap3A_333 = tpu.vector_load %arg9[%swap3A_332] {strides = array<i32>} : memref<51200xf32, #tpu.memory_space<vmem>>, vector<16xf32>,
        tpu.vector_store %arg9[%swap3A_332], %gather3A_263 {strides = array<i32>} : memref<51200xf32, #tpu.memory_space<vmem>>, vector<16xf32>,
        %add3A_334 = arith.addi %mul3A_129, %add3A_12 : vector<16xi32>
        %gather3A_335 = tpu.vector_load_idx %arg5[%add3A_334] : memref<1024xf32, #tpu.memory_space<vmem>>[vector<16xi32>], vector<16xf32>,
        %add3A_336 = arith.constant 256 : i32
        %add3A_337 = arith.addi %mul3A_111, %add3A_336 : i32
        %add3A_338 = arith.constant 0 : i32
        %add3A_339 = arith.addi %add3A_337, %add3A_338 : i32
        %swap3A_340 = arith.index_cast %add3A_339 : i32 to index
        %swap3A_341 = tpu.vector_load %arg9[%swap3A_340] {strides = array<i32>} : memref<51200xf32, #tpu.memory_space<vmem>>, vector<16xf32>,
        tpu.vector_store %arg9[%swap3A_340], %gather3A_271 {strides = array<i32>} : memref<51200xf32, #tpu.memory_space<vmem>>, vector<16xf32>,
        %add3A_342 = arith.addi %mul3A_129, %add3A_15 : vector<16xi32>
        %gather3A_343 = tpu.vector_load_idx %arg5[%add3A_342] : memref<1024xf32, #tpu.memory_space<vmem>>[vector<16xi32>], vector<16xf32>,
        %add3A_344 = arith.constant 256 : i32
        %add3A_345 = arith.addi %mul3A_111, %add3A_344 : i32
        %add3A_346 = arith.constant 16 : i32
        %add3A_347 = arith.addi %add3A_345, %add3A_346 : i32
        %swap3A_348 = arith.index_cast %add3A_347 : i32 to index
        %swap3A_349 = tpu.vector_load %arg9[%swap3A_348] {strides = array<i32>} : memref<51200xf32, #tpu.memory_space<vmem>>, vector<16xf32>,
        tpu.vector_store %arg9[%swap3A_348], %gather3A_279 {strides = array<i32>} : memref<51200xf32, #tpu.memory_space<vmem>>, vector<16xf32>,
        %add3A_350 = arith.addi %mul3A_129, %add3A_18 : vector<16xi32>
        %gather3A_351 = tpu.vector_load_idx %arg5[%add3A_350] : memref<1024xf32, #tpu.memory_space<vmem>>[vector<16xi32>], vector<16xf32>,
        %add3A_352 = arith.constant 256 : i32
        %add3A_353 = arith.addi %mul3A_111, %add3A_352 : i32
        %add3A_354 = arith.constant 32 : i32
        %add3A_355 = arith.addi %add3A_353, %add3A_354 : i32
        %swap3A_356 = arith.index_cast %add3A_355 : i32 to index
        %swap3A_357 = tpu.vector_load %arg9[%swap3A_356] {strides = array<i32>} : memref<51200xf32, #tpu.memory_space<vmem>>, vector<16xf32>,
        tpu.vector_store %arg9[%swap3A_356], %gather3A_287 {strides = array<i32>} : memref<51200xf32, #tpu.memory_space<vmem>>, vector<16xf32>,
        %add3A_358 = arith.addi %mul3A_129, %add3A_21 : vector<16xi32>
        %gather3A_359 = tpu.vector_load_idx %arg5[%add3A_358] : memref<1024xf32, #tpu.memory_space<vmem>>[vector<16xi32>], vector<16xf32>,
        %add3A_360 = arith.constant 256 : i32
        %add3A_361 = arith.addi %mul3A_111, %add3A_360 : i32
        %add3A_362 = arith.constant 48 : i32
        %add3A_363 = arith.addi %add3A_361, %add3A_362 : i32
        %swap3A_364 = arith.index_cast %add3A_363 : i32 to index
        %swap3A_365 = tpu.vector_load %arg9[%swap3A_364] {strides = array<i32>} : memref<51200xf32, #tpu.memory_space<vmem>>, vector<16xf32>,
        tpu.vector_store %arg9[%swap3A_364], %gather3A_295 {strides = array<i32>} : memref<51200xf32, #tpu.memory_space<vmem>>, vector<16xf32>,
        %add3A_366 = arith.addi %mul3A_129, %add3A_24 : vector<16xi32>
        %gather3A_367 = tpu.vector_load_idx %arg5[%add3A_366] : memref<1024xf32, #tpu.memory_space<vmem>>[vector<16xi32>], vector<16xf32>,
        %add3A_368 = arith.constant 256 : i32
        %add3A_369 = arith.addi %mul3A_111, %add3A_368 : i32
        %add3A_370 = arith.constant 64 : i32
        %add3A_371 = arith.addi %add3A_369, %add3A_370 : i32
        %swap3A_372 = arith.index_cast %add3A_371 : i32 to index
        %swap3A_373 = tpu.vector_load %arg9[%swap3A_372] {strides = array<i32>} : memref<51200xf32, #tpu.memory_space<vmem>>, vector<16xf32>,
        tpu.vector_store %arg9[%swap3A_372], %gather3A_303 {strides = array<i32>} : memref<51200xf32, #tpu.memory_space<vmem>>, vector<16xf32>,
        %add3A_374 = arith.addi %mul3A_129, %add3A_27 : vector<16xi32>
        %gather3A_375 = tpu.vector_load_idx %arg5[%add3A_374] : memref<1024xf32, #tpu.memory_space<vmem>>[vector<16xi32>], vector<16xf32>,
        %add3A_376 = arith.constant 256 : i32
        %add3A_377 = arith.addi %mul3A_111, %add3A_376 : i32
        %add3A_378 = arith.constant 80 : i32
        %add3A_379 = arith.addi %add3A_377, %add3A_378 : i32
        %swap3A_380 = arith.index_cast %add3A_379 : i32 to index
        %swap3A_381 = tpu.vector_load %arg9[%swap3A_380] {strides = array<i32>} : memref<51200xf32, #tpu.memory_space<vmem>>, vector<16xf32>,
        tpu.vector_store %arg9[%swap3A_380], %gather3A_311 {strides = array<i32>} : memref<51200xf32, #tpu.memory_space<vmem>>, vector<16xf32>,
        %add3A_382 = arith.addi %mul3A_129, %add3A_30 : vector<16xi32>
        %gather3A_383 = tpu.vector_load_idx %arg5[%add3A_382] : memref<1024xf32, #tpu.memory_space<vmem>>[vector<16xi32>], vector<16xf32>,
        %add3A_384 = arith.constant 256 : i32
        %add3A_385 = arith.addi %mul3A_111, %add3A_384 : i32
        %add3A_386 = arith.constant 96 : i32
        %add3A_387 = arith.addi %add3A_385, %add3A_386 : i32
        %swap3A_388 = arith.index_cast %add3A_387 : i32 to index
        %swap3A_389 = tpu.vector_load %arg9[%swap3A_388] {strides = array<i32>} : memref<51200xf32, #tpu.memory_space<vmem>>, vector<16xf32>,
        tpu.vector_store %arg9[%swap3A_388], %gather3A_319 {strides = array<i32>} : memref<51200xf32, #tpu.memory_space<vmem>>, vector<16xf32>,
        %add3A_390 = arith.addi %mul3A_129, %add3A_33 : vector<16xi32>
        %gather3A_391 = tpu.vector_load_idx %arg5[%add3A_390] : memref<1024xf32, #tpu.memory_space<vmem>>[vector<16xi32>], vector<16xf32>,
        %add3A_392 = arith.constant 256 : i32
        %add3A_393 = arith.addi %mul3A_111, %add3A_392 : i32
        %add3A_394 = arith.constant 112 : i32
        %add3A_395 = arith.addi %add3A_393, %add3A_394 : i32
        %swap3A_396 = arith.index_cast %add3A_395 : i32 to index
        %swap3A_397 = tpu.vector_load %arg9[%swap3A_396] {strides = array<i32>} : memref<51200xf32, #tpu.memory_space<vmem>>, vector<16xf32>,
        tpu.vector_store %arg9[%swap3A_396], %gather3A_327 {strides = array<i32>} : memref<51200xf32, #tpu.memory_space<vmem>>, vector<16xf32>,
        %add3A_398 = arith.addi %mul3A_134, %add3A_12 : vector<16xi32>
        %gather3A_399 = tpu.vector_load_idx %arg5[%add3A_398] : memref<1024xf32, #tpu.memory_space<vmem>>[vector<16xi32>], vector<16xf32>,
        %add3A_400 = arith.constant 384 : i32
        %add3A_401 = arith.addi %mul3A_111, %add3A_400 : i32
        %add3A_402 = arith.constant 0 : i32
        %add3A_403 = arith.addi %add3A_401, %add3A_402 : i32
        %swap3A_404 = arith.index_cast %add3A_403 : i32 to index
        %swap3A_405 = tpu.vector_load %arg9[%swap3A_404] {strides = array<i32>} : memref<51200xf32, #tpu.memory_space<vmem>>, vector<16xf32>,
        tpu.vector_store %arg9[%swap3A_404], %gather3A_335 {strides = array<i32>} : memref<51200xf32, #tpu.memory_space<vmem>>, vector<16xf32>,
        %add3A_406 = arith.addi %mul3A_134, %add3A_15 : vector<16xi32>
        %gather3A_407 = tpu.vector_load_idx %arg5[%add3A_406] : memref<1024xf32, #tpu.memory_space<vmem>>[vector<16xi32>], vector<16xf32>,
        %add3A_408 = arith.constant 384 : i32
        %add3A_409 = arith.addi %mul3A_111, %add3A_408 : i32
        %add3A_410 = arith.constant 16 : i32
        %add3A_411 = arith.addi %add3A_409, %add3A_410 : i32
        %swap3A_412 = arith.index_cast %add3A_411 : i32 to index
        %swap3A_413 = tpu.vector_load %arg9[%swap3A_412] {strides = array<i32>} : memref<51200xf32, #tpu.memory_space<vmem>>, vector<16xf32>,
        tpu.vector_store %arg9[%swap3A_412], %gather3A_343 {strides = array<i32>} : memref<51200xf32, #tpu.memory_space<vmem>>, vector<16xf32>,
        %add3A_414 = arith.addi %mul3A_134, %add3A_18 : vector<16xi32>
        %gather3A_415 = tpu.vector_load_idx %arg5[%add3A_414] : memref<1024xf32, #tpu.memory_space<vmem>>[vector<16xi32>], vector<16xf32>,
        %add3A_416 = arith.constant 384 : i32
        %add3A_417 = arith.addi %mul3A_111, %add3A_416 : i32
        %add3A_418 = arith.constant 32 : i32
        %add3A_419 = arith.addi %add3A_417, %add3A_418 : i32
        %swap3A_420 = arith.index_cast %add3A_419 : i32 to index
        %swap3A_421 = tpu.vector_load %arg9[%swap3A_420] {strides = array<i32>} : memref<51200xf32, #tpu.memory_space<vmem>>, vector<16xf32>,
        tpu.vector_store %arg9[%swap3A_420], %gather3A_351 {strides = array<i32>} : memref<51200xf32, #tpu.memory_space<vmem>>, vector<16xf32>,
        %add3A_422 = arith.addi %mul3A_134, %add3A_21 : vector<16xi32>
        %gather3A_423 = tpu.vector_load_idx %arg5[%add3A_422] : memref<1024xf32, #tpu.memory_space<vmem>>[vector<16xi32>], vector<16xf32>,
        %add3A_424 = arith.constant 384 : i32
        %add3A_425 = arith.addi %mul3A_111, %add3A_424 : i32
        %add3A_426 = arith.constant 48 : i32
        %add3A_427 = arith.addi %add3A_425, %add3A_426 : i32
        %swap3A_428 = arith.index_cast %add3A_427 : i32 to index
        %swap3A_429 = tpu.vector_load %arg9[%swap3A_428] {strides = array<i32>} : memref<51200xf32, #tpu.memory_space<vmem>>, vector<16xf32>,
        tpu.vector_store %arg9[%swap3A_428], %gather3A_359 {strides = array<i32>} : memref<51200xf32, #tpu.memory_space<vmem>>, vector<16xf32>,
        %add3A_430 = arith.addi %mul3A_134, %add3A_24 : vector<16xi32>
        %gather3A_431 = tpu.vector_load_idx %arg5[%add3A_430] : memref<1024xf32, #tpu.memory_space<vmem>>[vector<16xi32>], vector<16xf32>,
        %add3A_432 = arith.constant 384 : i32
        %add3A_433 = arith.addi %mul3A_111, %add3A_432 : i32
        %add3A_434 = arith.constant 64 : i32
        %add3A_435 = arith.addi %add3A_433, %add3A_434 : i32
        %swap3A_436 = arith.index_cast %add3A_435 : i32 to index
        %swap3A_437 = tpu.vector_load %arg9[%swap3A_436] {strides = array<i32>} : memref<51200xf32, #tpu.memory_space<vmem>>, vector<16xf32>,
        tpu.vector_store %arg9[%swap3A_436], %gather3A_367 {strides = array<i32>} : memref<51200xf32, #tpu.memory_space<vmem>>, vector<16xf32>,
        %add3A_438 = arith.addi %mul3A_134, %add3A_27 : vector<16xi32>
        %gather3A_439 = tpu.vector_load_idx %arg5[%add3A_438] : memref<1024xf32, #tpu.memory_space<vmem>>[vector<16xi32>], vector<16xf32>,
        %add3A_440 = arith.constant 384 : i32
        %add3A_441 = arith.addi %mul3A_111, %add3A_440 : i32
        %add3A_442 = arith.constant 80 : i32
        %add3A_443 = arith.addi %add3A_441, %add3A_442 : i32
        %swap3A_444 = arith.index_cast %add3A_443 : i32 to index
        %swap3A_445 = tpu.vector_load %arg9[%swap3A_444] {strides = array<i32>} : memref<51200xf32, #tpu.memory_space<vmem>>, vector<16xf32>,
        tpu.vector_store %arg9[%swap3A_444], %gather3A_375 {strides = array<i32>} : memref<51200xf32, #tpu.memory_space<vmem>>, vector<16xf32>,
        %add3A_446 = arith.addi %mul3A_134, %add3A_30 : vector<16xi32>
        %gather3A_447 = tpu.vector_load_idx %arg5[%add3A_446] : memref<1024xf32, #tpu.memory_space<vmem>>[vector<16xi32>], vector<16xf32>,
        %add3A_448 = arith.constant 384 : i32
        %add3A_449 = arith.addi %mul3A_111, %add3A_448 : i32
        %add3A_450 = arith.constant 96 : i32
        %add3A_451 = arith.addi %add3A_449, %add3A_450 : i32
        %swap3A_452 = arith.index_cast %add3A_451 : i32 to index
        %swap3A_453 = tpu.vector_load %arg9[%swap3A_452] {strides = array<i32>} : memref<51200xf32, #tpu.memory_space<vmem>>, vector<16xf32>,
        tpu.vector_store %arg9[%swap3A_452], %gather3A_383 {strides = array<i32>} : memref<51200xf32, #tpu.memory_space<vmem>>, vector<16xf32>,
        %add3A_454 = arith.addi %mul3A_134, %add3A_33 : vector<16xi32>
        %gather3A_455 = tpu.vector_load_idx %arg5[%add3A_454] : memref<1024xf32, #tpu.memory_space<vmem>>[vector<16xi32>], vector<16xf32>,
        %add3A_456 = arith.constant 384 : i32
        %add3A_457 = arith.addi %mul3A_111, %add3A_456 : i32
        %add3A_458 = arith.constant 112 : i32
        %add3A_459 = arith.addi %add3A_457, %add3A_458 : i32
        %swap3A_460 = arith.index_cast %add3A_459 : i32 to index
        %swap3A_461 = tpu.vector_load %arg9[%swap3A_460] {strides = array<i32>} : memref<51200xf32, #tpu.memory_space<vmem>>, vector<16xf32>,
        tpu.vector_store %arg9[%swap3A_460], %gather3A_391 {strides = array<i32>} : memref<51200xf32, #tpu.memory_space<vmem>>, vector<16xf32>,
        %add3A_462 = arith.addi %mul3A_139, %add3A_12 : vector<16xi32>
        %gather3A_463 = tpu.vector_load_idx %arg5[%add3A_462] : memref<1024xf32, #tpu.memory_space<vmem>>[vector<16xi32>], vector<16xf32>,
        %add3A_464 = arith.constant 512 : i32
        %add3A_465 = arith.addi %mul3A_111, %add3A_464 : i32
        %add3A_466 = arith.constant 0 : i32
        %add3A_467 = arith.addi %add3A_465, %add3A_466 : i32
        %swap3A_468 = arith.index_cast %add3A_467 : i32 to index
        %swap3A_469 = tpu.vector_load %arg9[%swap3A_468] {strides = array<i32>} : memref<51200xf32, #tpu.memory_space<vmem>>, vector<16xf32>,
        tpu.vector_store %arg9[%swap3A_468], %gather3A_399 {strides = array<i32>} : memref<51200xf32, #tpu.memory_space<vmem>>, vector<16xf32>,
        %add3A_470 = arith.addi %mul3A_139, %add3A_15 : vector<16xi32>
        %gather3A_471 = tpu.vector_load_idx %arg5[%add3A_470] : memref<1024xf32, #tpu.memory_space<vmem>>[vector<16xi32>], vector<16xf32>,
        %add3A_472 = arith.constant 512 : i32
        %add3A_473 = arith.addi %mul3A_111, %add3A_472 : i32
        %add3A_474 = arith.constant 16 : i32
        %add3A_475 = arith.addi %add3A_473, %add3A_474 : i32
        %swap3A_476 = arith.index_cast %add3A_475 : i32 to index
        %swap3A_477 = tpu.vector_load %arg9[%swap3A_476] {strides = array<i32>} : memref<51200xf32, #tpu.memory_space<vmem>>, vector<16xf32>,
        tpu.vector_store %arg9[%swap3A_476], %gather3A_407 {strides = array<i32>} : memref<51200xf32, #tpu.memory_space<vmem>>, vector<16xf32>,
        %add3A_478 = arith.addi %mul3A_139, %add3A_18 : vector<16xi32>
        %gather3A_479 = tpu.vector_load_idx %arg5[%add3A_478] : memref<1024xf32, #tpu.memory_space<vmem>>[vector<16xi32>], vector<16xf32>,
        %add3A_480 = arith.constant 512 : i32
        %add3A_481 = arith.addi %mul3A_111, %add3A_480 : i32
        %add3A_482 = arith.constant 32 : i32
        %add3A_483 = arith.addi %add3A_481, %add3A_482 : i32
        %swap3A_484 = arith.index_cast %add3A_483 : i32 to index
        %swap3A_485 = tpu.vector_load %arg9[%swap3A_484] {strides = array<i32>} : memref<51200xf32, #tpu.memory_space<vmem>>, vector<16xf32>,
        tpu.vector_store %arg9[%swap3A_484], %gather3A_415 {strides = array<i32>} : memref<51200xf32, #tpu.memory_space<vmem>>, vector<16xf32>,
        %add3A_486 = arith.addi %mul3A_139, %add3A_21 : vector<16xi32>
        %gather3A_487 = tpu.vector_load_idx %arg5[%add3A_486] : memref<1024xf32, #tpu.memory_space<vmem>>[vector<16xi32>], vector<16xf32>,
        %add3A_488 = arith.constant 512 : i32
        %add3A_489 = arith.addi %mul3A_111, %add3A_488 : i32
        %add3A_490 = arith.constant 48 : i32
        %add3A_491 = arith.addi %add3A_489, %add3A_490 : i32
        %swap3A_492 = arith.index_cast %add3A_491 : i32 to index
        %swap3A_493 = tpu.vector_load %arg9[%swap3A_492] {strides = array<i32>} : memref<51200xf32, #tpu.memory_space<vmem>>, vector<16xf32>,
        tpu.vector_store %arg9[%swap3A_492], %gather3A_423 {strides = array<i32>} : memref<51200xf32, #tpu.memory_space<vmem>>, vector<16xf32>,
        %add3A_494 = arith.addi %mul3A_139, %add3A_24 : vector<16xi32>
        %gather3A_495 = tpu.vector_load_idx %arg5[%add3A_494] : memref<1024xf32, #tpu.memory_space<vmem>>[vector<16xi32>], vector<16xf32>,
        %add3A_496 = arith.constant 512 : i32
        %add3A_497 = arith.addi %mul3A_111, %add3A_496 : i32
        %add3A_498 = arith.constant 64 : i32
        %add3A_499 = arith.addi %add3A_497, %add3A_498 : i32
        %swap3A_500 = arith.index_cast %add3A_499 : i32 to index
        %swap3A_501 = tpu.vector_load %arg9[%swap3A_500] {strides = array<i32>} : memref<51200xf32, #tpu.memory_space<vmem>>, vector<16xf32>,
        tpu.vector_store %arg9[%swap3A_500], %gather3A_431 {strides = array<i32>} : memref<51200xf32, #tpu.memory_space<vmem>>, vector<16xf32>,
        %add3A_502 = arith.addi %mul3A_139, %add3A_27 : vector<16xi32>
        %gather3A_503 = tpu.vector_load_idx %arg5[%add3A_502] : memref<1024xf32, #tpu.memory_space<vmem>>[vector<16xi32>], vector<16xf32>,
        %add3A_504 = arith.constant 512 : i32
        %add3A_505 = arith.addi %mul3A_111, %add3A_504 : i32
        %add3A_506 = arith.constant 80 : i32
        %add3A_507 = arith.addi %add3A_505, %add3A_506 : i32
        %swap3A_508 = arith.index_cast %add3A_507 : i32 to index
        %swap3A_509 = tpu.vector_load %arg9[%swap3A_508] {strides = array<i32>} : memref<51200xf32, #tpu.memory_space<vmem>>, vector<16xf32>,
        tpu.vector_store %arg9[%swap3A_508], %gather3A_439 {strides = array<i32>} : memref<51200xf32, #tpu.memory_space<vmem>>, vector<16xf32>,
        %add3A_510 = arith.addi %mul3A_139, %add3A_30 : vector<16xi32>
        %gather3A_511 = tpu.vector_load_idx %arg5[%add3A_510] : memref<1024xf32, #tpu.memory_space<vmem>>[vector<16xi32>], vector<16xf32>,
        %add3A_512 = arith.constant 512 : i32
        %add3A_513 = arith.addi %mul3A_111, %add3A_512 : i32
        %add3A_514 = arith.constant 96 : i32
        %add3A_515 = arith.addi %add3A_513, %add3A_514 : i32
        %swap3A_516 = arith.index_cast %add3A_515 : i32 to index
        %swap3A_517 = tpu.vector_load %arg9[%swap3A_516] {strides = array<i32>} : memref<51200xf32, #tpu.memory_space<vmem>>, vector<16xf32>,
        tpu.vector_store %arg9[%swap3A_516], %gather3A_447 {strides = array<i32>} : memref<51200xf32, #tpu.memory_space<vmem>>, vector<16xf32>,
        %add3A_518 = arith.addi %mul3A_139, %add3A_33 : vector<16xi32>
        %gather3A_519 = tpu.vector_load_idx %arg5[%add3A_518] : memref<1024xf32, #tpu.memory_space<vmem>>[vector<16xi32>], vector<16xf32>,
        %add3A_520 = arith.constant 512 : i32
        %add3A_521 = arith.addi %mul3A_111, %add3A_520 : i32
        %add3A_522 = arith.constant 112 : i32
        %add3A_523 = arith.addi %add3A_521, %add3A_522 : i32
        %swap3A_524 = arith.index_cast %add3A_523 : i32 to index
        %swap3A_525 = tpu.vector_load %arg9[%swap3A_524] {strides = array<i32>} : memref<51200xf32, #tpu.memory_space<vmem>>, vector<16xf32>,
        tpu.vector_store %arg9[%swap3A_524], %gather3A_455 {strides = array<i32>} : memref<51200xf32, #tpu.memory_space<vmem>>, vector<16xf32>,
        %add3A_526 = arith.addi %mul3A_144, %add3A_12 : vector<16xi32>
        %gather3A_527 = tpu.vector_load_idx %arg5[%add3A_526] : memref<1024xf32, #tpu.memory_space<vmem>>[vector<16xi32>], vector<16xf32>,
        %add3A_528 = arith.constant 640 : i32
        %add3A_529 = arith.addi %mul3A_111, %add3A_528 : i32
        %add3A_530 = arith.constant 0 : i32
        %add3A_531 = arith.addi %add3A_529, %add3A_530 : i32
        %swap3A_532 = arith.index_cast %add3A_531 : i32 to index
        %swap3A_533 = tpu.vector_load %arg9[%swap3A_532] {strides = array<i32>} : memref<51200xf32, #tpu.memory_space<vmem>>, vector<16xf32>,
        tpu.vector_store %arg9[%swap3A_532], %gather3A_463 {strides = array<i32>} : memref<51200xf32, #tpu.memory_space<vmem>>, vector<16xf32>,
        %add3A_534 = arith.addi %mul3A_144, %add3A_15 : vector<16xi32>
        %gather3A_535 = tpu.vector_load_idx %arg5[%add3A_534] : memref<1024xf32, #tpu.memory_space<vmem>>[vector<16xi32>], vector<16xf32>,
        %add3A_536 = arith.constant 640 : i32
        %add3A_537 = arith.addi %mul3A_111, %add3A_536 : i32
        %add3A_538 = arith.constant 16 : i32
        %add3A_539 = arith.addi %add3A_537, %add3A_538 : i32
        %swap3A_540 = arith.index_cast %add3A_539 : i32 to index
        %swap3A_541 = tpu.vector_load %arg9[%swap3A_540] {strides = array<i32>} : memref<51200xf32, #tpu.memory_space<vmem>>, vector<16xf32>,
        tpu.vector_store %arg9[%swap3A_540], %gather3A_471 {strides = array<i32>} : memref<51200xf32, #tpu.memory_space<vmem>>, vector<16xf32>,
        %add3A_542 = arith.addi %mul3A_144, %add3A_18 : vector<16xi32>
        %gather3A_543 = tpu.vector_load_idx %arg5[%add3A_542] : memref<1024xf32, #tpu.memory_space<vmem>>[vector<16xi32>], vector<16xf32>,
        %add3A_544 = arith.constant 640 : i32
        %add3A_545 = arith.addi %mul3A_111, %add3A_544 : i32
        %add3A_546 = arith.constant 32 : i32
        %add3A_547 = arith.addi %add3A_545, %add3A_546 : i32
        %swap3A_548 = arith.index_cast %add3A_547 : i32 to index
        %swap3A_549 = tpu.vector_load %arg9[%swap3A_548] {strides = array<i32>} : memref<51200xf32, #tpu.memory_space<vmem>>, vector<16xf32>,
        tpu.vector_store %arg9[%swap3A_548], %gather3A_479 {strides = array<i32>} : memref<51200xf32, #tpu.memory_space<vmem>>, vector<16xf32>,
        %add3A_550 = arith.addi %mul3A_144, %add3A_21 : vector<16xi32>
        %gather3A_551 = tpu.vector_load_idx %arg5[%add3A_550] : memref<1024xf32, #tpu.memory_space<vmem>>[vector<16xi32>], vector<16xf32>,
        %add3A_552 = arith.constant 640 : i32
        %add3A_553 = arith.addi %mul3A_111, %add3A_552 : i32
        %add3A_554 = arith.constant 48 : i32
        %add3A_555 = arith.addi %add3A_553, %add3A_554 : i32
        %swap3A_556 = arith.index_cast %add3A_555 : i32 to index
        %swap3A_557 = tpu.vector_load %arg9[%swap3A_556] {strides = array<i32>} : memref<51200xf32, #tpu.memory_space<vmem>>, vector<16xf32>,
        tpu.vector_store %arg9[%swap3A_556], %gather3A_487 {strides = array<i32>} : memref<51200xf32, #tpu.memory_space<vmem>>, vector<16xf32>,
        %add3A_558 = arith.addi %mul3A_144, %add3A_24 : vector<16xi32>
        %gather3A_559 = tpu.vector_load_idx %arg5[%add3A_558] : memref<1024xf32, #tpu.memory_space<vmem>>[vector<16xi32>], vector<16xf32>,
        %add3A_560 = arith.constant 640 : i32
        %add3A_561 = arith.addi %mul3A_111, %add3A_560 : i32
        %add3A_562 = arith.constant 64 : i32
        %add3A_563 = arith.addi %add3A_561, %add3A_562 : i32
        %swap3A_564 = arith.index_cast %add3A_563 : i32 to index
        %swap3A_565 = tpu.vector_load %arg9[%swap3A_564] {strides = array<i32>} : memref<51200xf32, #tpu.memory_space<vmem>>, vector<16xf32>,
        tpu.vector_store %arg9[%swap3A_564], %gather3A_495 {strides = array<i32>} : memref<51200xf32, #tpu.memory_space<vmem>>, vector<16xf32>,
        %add3A_566 = arith.addi %mul3A_144, %add3A_27 : vector<16xi32>
        %gather3A_567 = tpu.vector_load_idx %arg5[%add3A_566] : memref<1024xf32, #tpu.memory_space<vmem>>[vector<16xi32>], vector<16xf32>,
        %add3A_568 = arith.constant 640 : i32
        %add3A_569 = arith.addi %mul3A_111, %add3A_568 : i32
        %add3A_570 = arith.constant 80 : i32
        %add3A_571 = arith.addi %add3A_569, %add3A_570 : i32
        %swap3A_572 = arith.index_cast %add3A_571 : i32 to index
        %swap3A_573 = tpu.vector_load %arg9[%swap3A_572] {strides = array<i32>} : memref<51200xf32, #tpu.memory_space<vmem>>, vector<16xf32>,
        tpu.vector_store %arg9[%swap3A_572], %gather3A_503 {strides = array<i32>} : memref<51200xf32, #tpu.memory_space<vmem>>, vector<16xf32>,
        %add3A_574 = arith.addi %mul3A_144, %add3A_30 : vector<16xi32>
        %gather3A_575 = tpu.vector_load_idx %arg5[%add3A_574] : memref<1024xf32, #tpu.memory_space<vmem>>[vector<16xi32>], vector<16xf32>,
        %add3A_576 = arith.constant 640 : i32
        %add3A_577 = arith.addi %mul3A_111, %add3A_576 : i32
        %add3A_578 = arith.constant 96 : i32
        %add3A_579 = arith.addi %add3A_577, %add3A_578 : i32
        %swap3A_580 = arith.index_cast %add3A_579 : i32 to index
        %swap3A_581 = tpu.vector_load %arg9[%swap3A_580] {strides = array<i32>} : memref<51200xf32, #tpu.memory_space<vmem>>, vector<16xf32>,
        tpu.vector_store %arg9[%swap3A_580], %gather3A_511 {strides = array<i32>} : memref<51200xf32, #tpu.memory_space<vmem>>, vector<16xf32>,
        %add3A_582 = arith.addi %mul3A_144, %add3A_33 : vector<16xi32>
        %gather3A_583 = tpu.vector_load_idx %arg5[%add3A_582] : memref<1024xf32, #tpu.memory_space<vmem>>[vector<16xi32>], vector<16xf32>,
        %add3A_584 = arith.constant 640 : i32
        %add3A_585 = arith.addi %mul3A_111, %add3A_584 : i32
        %add3A_586 = arith.constant 112 : i32
        %add3A_587 = arith.addi %add3A_585, %add3A_586 : i32
        %swap3A_588 = arith.index_cast %add3A_587 : i32 to index
        %swap3A_589 = tpu.vector_load %arg9[%swap3A_588] {strides = array<i32>} : memref<51200xf32, #tpu.memory_space<vmem>>, vector<16xf32>,
        tpu.vector_store %arg9[%swap3A_588], %gather3A_519 {strides = array<i32>} : memref<51200xf32, #tpu.memory_space<vmem>>, vector<16xf32>,
        %add3A_590 = arith.addi %mul3A_149, %add3A_12 : vector<16xi32>
        %gather3A_591 = tpu.vector_load_idx %arg5[%add3A_590] : memref<1024xf32, #tpu.memory_space<vmem>>[vector<16xi32>], vector<16xf32>,
        %add3A_592 = arith.constant 768 : i32
        %add3A_593 = arith.addi %mul3A_111, %add3A_592 : i32
        %add3A_594 = arith.constant 0 : i32
        %add3A_595 = arith.addi %add3A_593, %add3A_594 : i32
        %swap3A_596 = arith.index_cast %add3A_595 : i32 to index
        %swap3A_597 = tpu.vector_load %arg9[%swap3A_596] {strides = array<i32>} : memref<51200xf32, #tpu.memory_space<vmem>>, vector<16xf32>,
        tpu.vector_store %arg9[%swap3A_596], %gather3A_527 {strides = array<i32>} : memref<51200xf32, #tpu.memory_space<vmem>>, vector<16xf32>,
        %add3A_598 = arith.addi %mul3A_149, %add3A_15 : vector<16xi32>
        %gather3A_599 = tpu.vector_load_idx %arg5[%add3A_598] : memref<1024xf32, #tpu.memory_space<vmem>>[vector<16xi32>], vector<16xf32>,
        %add3A_600 = arith.constant 768 : i32
        %add3A_601 = arith.addi %mul3A_111, %add3A_600 : i32
        %add3A_602 = arith.constant 16 : i32
        %add3A_603 = arith.addi %add3A_601, %add3A_602 : i32
        %swap3A_604 = arith.index_cast %add3A_603 : i32 to index
        %swap3A_605 = tpu.vector_load %arg9[%swap3A_604] {strides = array<i32>} : memref<51200xf32, #tpu.memory_space<vmem>>, vector<16xf32>,
        tpu.vector_store %arg9[%swap3A_604], %gather3A_535 {strides = array<i32>} : memref<51200xf32, #tpu.memory_space<vmem>>, vector<16xf32>,
        %add3A_606 = arith.addi %mul3A_149, %add3A_18 : vector<16xi32>
        %gather3A_607 = tpu.vector_load_idx %arg5[%add3A_606] : memref<1024xf32, #tpu.memory_space<vmem>>[vector<16xi32>], vector<16xf32>,
        %add3A_608 = arith.constant 768 : i32
        %add3A_609 = arith.addi %mul3A_111, %add3A_608 : i32
        %add3A_610 = arith.constant 32 : i32
        %add3A_611 = arith.addi %add3A_609, %add3A_610 : i32
        %swap3A_612 = arith.index_cast %add3A_611 : i32 to index
        %swap3A_613 = tpu.vector_load %arg9[%swap3A_612] {strides = array<i32>} : memref<51200xf32, #tpu.memory_space<vmem>>, vector<16xf32>,
        tpu.vector_store %arg9[%swap3A_612], %gather3A_543 {strides = array<i32>} : memref<51200xf32, #tpu.memory_space<vmem>>, vector<16xf32>,
        %add3A_614 = arith.addi %mul3A_149, %add3A_21 : vector<16xi32>
        %gather3A_615 = tpu.vector_load_idx %arg5[%add3A_614] : memref<1024xf32, #tpu.memory_space<vmem>>[vector<16xi32>], vector<16xf32>,
        %add3A_616 = arith.constant 768 : i32
        %add3A_617 = arith.addi %mul3A_111, %add3A_616 : i32
        %add3A_618 = arith.constant 48 : i32
        %add3A_619 = arith.addi %add3A_617, %add3A_618 : i32
        %swap3A_620 = arith.index_cast %add3A_619 : i32 to index
        %swap3A_621 = tpu.vector_load %arg9[%swap3A_620] {strides = array<i32>} : memref<51200xf32, #tpu.memory_space<vmem>>, vector<16xf32>,
        tpu.vector_store %arg9[%swap3A_620], %gather3A_551 {strides = array<i32>} : memref<51200xf32, #tpu.memory_space<vmem>>, vector<16xf32>,
        %add3A_622 = arith.addi %mul3A_149, %add3A_24 : vector<16xi32>
        %gather3A_623 = tpu.vector_load_idx %arg5[%add3A_622] : memref<1024xf32, #tpu.memory_space<vmem>>[vector<16xi32>], vector<16xf32>,
        %add3A_624 = arith.constant 768 : i32
        %add3A_625 = arith.addi %mul3A_111, %add3A_624 : i32
        %add3A_626 = arith.constant 64 : i32
        %add3A_627 = arith.addi %add3A_625, %add3A_626 : i32
        %swap3A_628 = arith.index_cast %add3A_627 : i32 to index
        %swap3A_629 = tpu.vector_load %arg9[%swap3A_628] {strides = array<i32>} : memref<51200xf32, #tpu.memory_space<vmem>>, vector<16xf32>,
        tpu.vector_store %arg9[%swap3A_628], %gather3A_559 {strides = array<i32>} : memref<51200xf32, #tpu.memory_space<vmem>>, vector<16xf32>,
        %add3A_630 = arith.addi %mul3A_149, %add3A_27 : vector<16xi32>
        %gather3A_631 = tpu.vector_load_idx %arg5[%add3A_630] : memref<1024xf32, #tpu.memory_space<vmem>>[vector<16xi32>], vector<16xf32>,
        %add3A_632 = arith.constant 768 : i32
        %add3A_633 = arith.addi %mul3A_111, %add3A_632 : i32
        %add3A_634 = arith.constant 80 : i32
        %add3A_635 = arith.addi %add3A_633, %add3A_634 : i32
        %swap3A_636 = arith.index_cast %add3A_635 : i32 to index
        %swap3A_637 = tpu.vector_load %arg9[%swap3A_636] {strides = array<i32>} : memref<51200xf32, #tpu.memory_space<vmem>>, vector<16xf32>,
        tpu.vector_store %arg9[%swap3A_636], %gather3A_567 {strides = array<i32>} : memref<51200xf32, #tpu.memory_space<vmem>>, vector<16xf32>,
        %add3A_638 = arith.addi %mul3A_149, %add3A_30 : vector<16xi32>
        %gather3A_639 = tpu.vector_load_idx %arg5[%add3A_638] : memref<1024xf32, #tpu.memory_space<vmem>>[vector<16xi32>], vector<16xf32>,
        %add3A_640 = arith.constant 768 : i32
        %add3A_641 = arith.addi %mul3A_111, %add3A_640 : i32
        %add3A_642 = arith.constant 96 : i32
        %add3A_643 = arith.addi %add3A_641, %add3A_642 : i32
        %swap3A_644 = arith.index_cast %add3A_643 : i32 to index
        %swap3A_645 = tpu.vector_load %arg9[%swap3A_644] {strides = array<i32>} : memref<51200xf32, #tpu.memory_space<vmem>>, vector<16xf32>,
        tpu.vector_store %arg9[%swap3A_644], %gather3A_575 {strides = array<i32>} : memref<51200xf32, #tpu.memory_space<vmem>>, vector<16xf32>,
        %add3A_646 = arith.addi %mul3A_149, %add3A_33 : vector<16xi32>
        %gather3A_647 = tpu.vector_load_idx %arg5[%add3A_646] : memref<1024xf32, #tpu.memory_space<vmem>>[vector<16xi32>], vector<16xf32>,
        %add3A_648 = arith.constant 768 : i32
        %add3A_649 = arith.addi %mul3A_111, %add3A_648 : i32
        %add3A_650 = arith.constant 112 : i32
        %add3A_651 = arith.addi %add3A_649, %add3A_650 : i32
        %swap3A_652 = arith.index_cast %add3A_651 : i32 to index
        %swap3A_653 = tpu.vector_load %arg9[%swap3A_652] {strides = array<i32>} : memref<51200xf32, #tpu.memory_space<vmem>>, vector<16xf32>,
        tpu.vector_store %arg9[%swap3A_652], %gather3A_583 {strides = array<i32>} : memref<51200xf32, #tpu.memory_space<vmem>>, vector<16xf32>,
        %add3A_654 = arith.addi %mul3A_154, %add3A_12 : vector<16xi32>
        %gather3A_655 = tpu.vector_load_idx %arg5[%add3A_654] : memref<1024xf32, #tpu.memory_space<vmem>>[vector<16xi32>], vector<16xf32>,
        %add3A_656 = arith.constant 896 : i32
        %add3A_657 = arith.addi %mul3A_111, %add3A_656 : i32
        %add3A_658 = arith.constant 0 : i32
        %add3A_659 = arith.addi %add3A_657, %add3A_658 : i32
        %swap3A_660 = arith.index_cast %add3A_659 : i32 to index
        %swap3A_661 = tpu.vector_load %arg9[%swap3A_660] {strides = array<i32>} : memref<51200xf32, #tpu.memory_space<vmem>>, vector<16xf32>,
        tpu.vector_store %arg9[%swap3A_660], %gather3A_591 {strides = array<i32>} : memref<51200xf32, #tpu.memory_space<vmem>>, vector<16xf32>,
        %add3A_662 = arith.addi %mul3A_154, %add3A_15 : vector<16xi32>
        %gather3A_663 = tpu.vector_load_idx %arg5[%add3A_662] : memref<1024xf32, #tpu.memory_space<vmem>>[vector<16xi32>], vector<16xf32>,
        %add3A_664 = arith.constant 896 : i32
        %add3A_665 = arith.addi %mul3A_111, %add3A_664 : i32
        %add3A_666 = arith.constant 16 : i32
        %add3A_667 = arith.addi %add3A_665, %add3A_666 : i32
        %swap3A_668 = arith.index_cast %add3A_667 : i32 to index
        %swap3A_669 = tpu.vector_load %arg9[%swap3A_668] {strides = array<i32>} : memref<51200xf32, #tpu.memory_space<vmem>>, vector<16xf32>,
        tpu.vector_store %arg9[%swap3A_668], %gather3A_599 {strides = array<i32>} : memref<51200xf32, #tpu.memory_space<vmem>>, vector<16xf32>,
        %add3A_670 = arith.addi %mul3A_154, %add3A_18 : vector<16xi32>
        %gather3A_671 = tpu.vector_load_idx %arg5[%add3A_670] : memref<1024xf32, #tpu.memory_space<vmem>>[vector<16xi32>], vector<16xf32>,
        %add3A_672 = arith.constant 896 : i32
        %add3A_673 = arith.addi %mul3A_111, %add3A_672 : i32
        %add3A_674 = arith.constant 32 : i32
        %add3A_675 = arith.addi %add3A_673, %add3A_674 : i32
        %swap3A_676 = arith.index_cast %add3A_675 : i32 to index
        %swap3A_677 = tpu.vector_load %arg9[%swap3A_676] {strides = array<i32>} : memref<51200xf32, #tpu.memory_space<vmem>>, vector<16xf32>,
        tpu.vector_store %arg9[%swap3A_676], %gather3A_607 {strides = array<i32>} : memref<51200xf32, #tpu.memory_space<vmem>>, vector<16xf32>,
        %add3A_678 = arith.addi %mul3A_154, %add3A_21 : vector<16xi32>
        %gather3A_679 = tpu.vector_load_idx %arg5[%add3A_678] : memref<1024xf32, #tpu.memory_space<vmem>>[vector<16xi32>], vector<16xf32>,
        %add3A_680 = arith.constant 896 : i32
        %add3A_681 = arith.addi %mul3A_111, %add3A_680 : i32
        %add3A_682 = arith.constant 48 : i32
        %add3A_683 = arith.addi %add3A_681, %add3A_682 : i32
        %swap3A_684 = arith.index_cast %add3A_683 : i32 to index
        %swap3A_685 = tpu.vector_load %arg9[%swap3A_684] {strides = array<i32>} : memref<51200xf32, #tpu.memory_space<vmem>>, vector<16xf32>,
        tpu.vector_store %arg9[%swap3A_684], %gather3A_615 {strides = array<i32>} : memref<51200xf32, #tpu.memory_space<vmem>>, vector<16xf32>,
        %add3A_686 = arith.addi %mul3A_154, %add3A_24 : vector<16xi32>
        %gather3A_687 = tpu.vector_load_idx %arg5[%add3A_686] : memref<1024xf32, #tpu.memory_space<vmem>>[vector<16xi32>], vector<16xf32>,
        %add3A_688 = arith.constant 896 : i32
        %add3A_689 = arith.addi %mul3A_111, %add3A_688 : i32
        %add3A_690 = arith.constant 64 : i32
        %add3A_691 = arith.addi %add3A_689, %add3A_690 : i32
        %swap3A_692 = arith.index_cast %add3A_691 : i32 to index
        %swap3A_693 = tpu.vector_load %arg9[%swap3A_692] {strides = array<i32>} : memref<51200xf32, #tpu.memory_space<vmem>>, vector<16xf32>,
        tpu.vector_store %arg9[%swap3A_692], %gather3A_623 {strides = array<i32>} : memref<51200xf32, #tpu.memory_space<vmem>>, vector<16xf32>,
        %add3A_694 = arith.addi %mul3A_154, %add3A_27 : vector<16xi32>
        %gather3A_695 = tpu.vector_load_idx %arg5[%add3A_694] : memref<1024xf32, #tpu.memory_space<vmem>>[vector<16xi32>], vector<16xf32>,
        %add3A_696 = arith.constant 896 : i32
        %add3A_697 = arith.addi %mul3A_111, %add3A_696 : i32
        %add3A_698 = arith.constant 80 : i32
        %add3A_699 = arith.addi %add3A_697, %add3A_698 : i32
        %swap3A_700 = arith.index_cast %add3A_699 : i32 to index
        %swap3A_701 = tpu.vector_load %arg9[%swap3A_700] {strides = array<i32>} : memref<51200xf32, #tpu.memory_space<vmem>>, vector<16xf32>,
        tpu.vector_store %arg9[%swap3A_700], %gather3A_631 {strides = array<i32>} : memref<51200xf32, #tpu.memory_space<vmem>>, vector<16xf32>,
        %add3A_702 = arith.addi %mul3A_154, %add3A_30 : vector<16xi32>
        %gather3A_703 = tpu.vector_load_idx %arg5[%add3A_702] : memref<1024xf32, #tpu.memory_space<vmem>>[vector<16xi32>], vector<16xf32>,
        %add3A_704 = arith.constant 896 : i32
        %add3A_705 = arith.addi %mul3A_111, %add3A_704 : i32
        %add3A_706 = arith.constant 96 : i32
        %add3A_707 = arith.addi %add3A_705, %add3A_706 : i32
        %swap3A_708 = arith.index_cast %add3A_707 : i32 to index
        %swap3A_709 = tpu.vector_load %arg9[%swap3A_708] {strides = array<i32>} : memref<51200xf32, #tpu.memory_space<vmem>>, vector<16xf32>,
        tpu.vector_store %arg9[%swap3A_708], %gather3A_639 {strides = array<i32>} : memref<51200xf32, #tpu.memory_space<vmem>>, vector<16xf32>,
        %add3A_710 = arith.addi %mul3A_154, %add3A_33 : vector<16xi32>
        %gather3A_711 = tpu.vector_load_idx %arg5[%add3A_710] : memref<1024xf32, #tpu.memory_space<vmem>>[vector<16xi32>], vector<16xf32>,
        %add3A_712 = arith.constant 896 : i32
        %add3A_713 = arith.addi %mul3A_111, %add3A_712 : i32
        %add3A_714 = arith.constant 112 : i32
        %add3A_715 = arith.addi %add3A_713, %add3A_714 : i32
        %swap3A_716 = arith.index_cast %add3A_715 : i32 to index
        %swap3A_717 = tpu.vector_load %arg9[%swap3A_716] {strides = array<i32>} : memref<51200xf32, #tpu.memory_space<vmem>>, vector<16xf32>,
        tpu.vector_store %arg9[%swap3A_716], %gather3A_647 {strides = array<i32>} : memref<51200xf32, #tpu.memory_space<vmem>>, vector<16xf32>,
        %add3A_718 = arith.addi %mul3A_159, %add3A_12 : vector<16xi32>
        %gather3A_719 = tpu.vector_load_idx %arg5[%add3A_718] : memref<1024xf32, #tpu.memory_space<vmem>>[vector<16xi32>], vector<16xf32>,
        %add3A_720 = arith.constant 1024 : i32
        %add3A_721 = arith.addi %mul3A_111, %add3A_720 : i32
        %add3A_722 = arith.constant 0 : i32
        %add3A_723 = arith.addi %add3A_721, %add3A_722 : i32
        %swap3A_724 = arith.index_cast %add3A_723 : i32 to index
        %swap3A_725 = tpu.vector_load %arg9[%swap3A_724] {strides = array<i32>} : memref<51200xf32, #tpu.memory_space<vmem>>, vector<16xf32>,
        tpu.vector_store %arg9[%swap3A_724], %gather3A_655 {strides = array<i32>} : memref<51200xf32, #tpu.memory_space<vmem>>, vector<16xf32>,
        %add3A_726 = arith.addi %mul3A_159, %add3A_15 : vector<16xi32>
        %gather3A_727 = tpu.vector_load_idx %arg5[%add3A_726] : memref<1024xf32, #tpu.memory_space<vmem>>[vector<16xi32>], vector<16xf32>,
        %add3A_728 = arith.constant 1024 : i32
        %add3A_729 = arith.addi %mul3A_111, %add3A_728 : i32
        %add3A_730 = arith.constant 16 : i32
        %add3A_731 = arith.addi %add3A_729, %add3A_730 : i32
        %swap3A_732 = arith.index_cast %add3A_731 : i32 to index
        %swap3A_733 = tpu.vector_load %arg9[%swap3A_732] {strides = array<i32>} : memref<51200xf32, #tpu.memory_space<vmem>>, vector<16xf32>,
        tpu.vector_store %arg9[%swap3A_732], %gather3A_663 {strides = array<i32>} : memref<51200xf32, #tpu.memory_space<vmem>>, vector<16xf32>,
        %add3A_734 = arith.addi %mul3A_159, %add3A_18 : vector<16xi32>
        %gather3A_735 = tpu.vector_load_idx %arg5[%add3A_734] : memref<1024xf32, #tpu.memory_space<vmem>>[vector<16xi32>], vector<16xf32>,
        %add3A_736 = arith.constant 1024 : i32
        %add3A_737 = arith.addi %mul3A_111, %add3A_736 : i32
        %add3A_738 = arith.constant 32 : i32
        %add3A_739 = arith.addi %add3A_737, %add3A_738 : i32
        %swap3A_740 = arith.index_cast %add3A_739 : i32 to index
        %swap3A_741 = tpu.vector_load %arg9[%swap3A_740] {strides = array<i32>} : memref<51200xf32, #tpu.memory_space<vmem>>, vector<16xf32>,
        tpu.vector_store %arg9[%swap3A_740], %gather3A_671 {strides = array<i32>} : memref<51200xf32, #tpu.memory_space<vmem>>, vector<16xf32>,
        %add3A_742 = arith.addi %mul3A_159, %add3A_21 : vector<16xi32>
        %gather3A_743 = tpu.vector_load_idx %arg5[%add3A_742] : memref<1024xf32, #tpu.memory_space<vmem>>[vector<16xi32>], vector<16xf32>,
        %add3A_744 = arith.constant 1024 : i32
        %add3A_745 = arith.addi %mul3A_111, %add3A_744 : i32
        %add3A_746 = arith.constant 48 : i32
        %add3A_747 = arith.addi %add3A_745, %add3A_746 : i32
        %swap3A_748 = arith.index_cast %add3A_747 : i32 to index
        %swap3A_749 = tpu.vector_load %arg9[%swap3A_748] {strides = array<i32>} : memref<51200xf32, #tpu.memory_space<vmem>>, vector<16xf32>,
        tpu.vector_store %arg9[%swap3A_748], %gather3A_679 {strides = array<i32>} : memref<51200xf32, #tpu.memory_space<vmem>>, vector<16xf32>,
        %add3A_750 = arith.addi %mul3A_159, %add3A_24 : vector<16xi32>
        %gather3A_751 = tpu.vector_load_idx %arg5[%add3A_750] : memref<1024xf32, #tpu.memory_space<vmem>>[vector<16xi32>], vector<16xf32>,
        %add3A_752 = arith.constant 1024 : i32
        %add3A_753 = arith.addi %mul3A_111, %add3A_752 : i32
        %add3A_754 = arith.constant 64 : i32
        %add3A_755 = arith.addi %add3A_753, %add3A_754 : i32
        %swap3A_756 = arith.index_cast %add3A_755 : i32 to index
        %swap3A_757 = tpu.vector_load %arg9[%swap3A_756] {strides = array<i32>} : memref<51200xf32, #tpu.memory_space<vmem>>, vector<16xf32>,
        tpu.vector_store %arg9[%swap3A_756], %gather3A_687 {strides = array<i32>} : memref<51200xf32, #tpu.memory_space<vmem>>, vector<16xf32>,
        %add3A_758 = arith.addi %mul3A_159, %add3A_27 : vector<16xi32>
        %gather3A_759 = tpu.vector_load_idx %arg5[%add3A_758] : memref<1024xf32, #tpu.memory_space<vmem>>[vector<16xi32>], vector<16xf32>,
        %add3A_760 = arith.constant 1024 : i32
        %add3A_761 = arith.addi %mul3A_111, %add3A_760 : i32
        %add3A_762 = arith.constant 80 : i32
        %add3A_763 = arith.addi %add3A_761, %add3A_762 : i32
        %swap3A_764 = arith.index_cast %add3A_763 : i32 to index
        %swap3A_765 = tpu.vector_load %arg9[%swap3A_764] {strides = array<i32>} : memref<51200xf32, #tpu.memory_space<vmem>>, vector<16xf32>,
        tpu.vector_store %arg9[%swap3A_764], %gather3A_695 {strides = array<i32>} : memref<51200xf32, #tpu.memory_space<vmem>>, vector<16xf32>,
        %add3A_766 = arith.addi %mul3A_159, %add3A_30 : vector<16xi32>
        %gather3A_767 = tpu.vector_load_idx %arg5[%add3A_766] : memref<1024xf32, #tpu.memory_space<vmem>>[vector<16xi32>], vector<16xf32>,
        %add3A_768 = arith.constant 1024 : i32
        %add3A_769 = arith.addi %mul3A_111, %add3A_768 : i32
        %add3A_770 = arith.constant 96 : i32
        %add3A_771 = arith.addi %add3A_769, %add3A_770 : i32
        %swap3A_772 = arith.index_cast %add3A_771 : i32 to index
        %swap3A_773 = tpu.vector_load %arg9[%swap3A_772] {strides = array<i32>} : memref<51200xf32, #tpu.memory_space<vmem>>, vector<16xf32>,
        tpu.vector_store %arg9[%swap3A_772], %gather3A_703 {strides = array<i32>} : memref<51200xf32, #tpu.memory_space<vmem>>, vector<16xf32>,
        %add3A_774 = arith.addi %mul3A_159, %add3A_33 : vector<16xi32>
        %gather3A_775 = tpu.vector_load_idx %arg5[%add3A_774] : memref<1024xf32, #tpu.memory_space<vmem>>[vector<16xi32>], vector<16xf32>,
        %add3A_776 = arith.constant 1024 : i32
        %add3A_777 = arith.addi %mul3A_111, %add3A_776 : i32
        %add3A_778 = arith.constant 112 : i32
        %add3A_779 = arith.addi %add3A_777, %add3A_778 : i32
        %swap3A_780 = arith.index_cast %add3A_779 : i32 to index
        %swap3A_781 = tpu.vector_load %arg9[%swap3A_780] {strides = array<i32>} : memref<51200xf32, #tpu.memory_space<vmem>>, vector<16xf32>,
        tpu.vector_store %arg9[%swap3A_780], %gather3A_711 {strides = array<i32>} : memref<51200xf32, #tpu.memory_space<vmem>>, vector<16xf32>,
        %add3A_782 = arith.addi %mul3A_164, %add3A_12 : vector<16xi32>
        %gather3A_783 = tpu.vector_load_idx %arg5[%add3A_782] : memref<1024xf32, #tpu.memory_space<vmem>>[vector<16xi32>], vector<16xf32>,
        %add3A_784 = arith.constant 1152 : i32
        %add3A_785 = arith.addi %mul3A_111, %add3A_784 : i32
        %add3A_786 = arith.constant 0 : i32
        %add3A_787 = arith.addi %add3A_785, %add3A_786 : i32
        %swap3A_788 = arith.index_cast %add3A_787 : i32 to index
        %swap3A_789 = tpu.vector_load %arg9[%swap3A_788] {strides = array<i32>} : memref<51200xf32, #tpu.memory_space<vmem>>, vector<16xf32>,
        tpu.vector_store %arg9[%swap3A_788], %gather3A_719 {strides = array<i32>} : memref<51200xf32, #tpu.memory_space<vmem>>, vector<16xf32>,
        %add3A_790 = arith.addi %mul3A_164, %add3A_15 : vector<16xi32>
        %gather3A_791 = tpu.vector_load_idx %arg5[%add3A_790] : memref<1024xf32, #tpu.memory_space<vmem>>[vector<16xi32>], vector<16xf32>,
        %add3A_792 = arith.constant 1152 : i32
        %add3A_793 = arith.addi %mul3A_111, %add3A_792 : i32
        %add3A_794 = arith.constant 16 : i32
        %add3A_795 = arith.addi %add3A_793, %add3A_794 : i32
        %swap3A_796 = arith.index_cast %add3A_795 : i32 to index
        %swap3A_797 = tpu.vector_load %arg9[%swap3A_796] {strides = array<i32>} : memref<51200xf32, #tpu.memory_space<vmem>>, vector<16xf32>,
        tpu.vector_store %arg9[%swap3A_796], %gather3A_727 {strides = array<i32>} : memref<51200xf32, #tpu.memory_space<vmem>>, vector<16xf32>,
        %add3A_798 = arith.addi %mul3A_164, %add3A_18 : vector<16xi32>
        %gather3A_799 = tpu.vector_load_idx %arg5[%add3A_798] : memref<1024xf32, #tpu.memory_space<vmem>>[vector<16xi32>], vector<16xf32>,
        %add3A_800 = arith.constant 1152 : i32
        %add3A_801 = arith.addi %mul3A_111, %add3A_800 : i32
        %add3A_802 = arith.constant 32 : i32
        %add3A_803 = arith.addi %add3A_801, %add3A_802 : i32
        %swap3A_804 = arith.index_cast %add3A_803 : i32 to index
        %swap3A_805 = tpu.vector_load %arg9[%swap3A_804] {strides = array<i32>} : memref<51200xf32, #tpu.memory_space<vmem>>, vector<16xf32>,
        tpu.vector_store %arg9[%swap3A_804], %gather3A_735 {strides = array<i32>} : memref<51200xf32, #tpu.memory_space<vmem>>, vector<16xf32>,
        %add3A_806 = arith.addi %mul3A_164, %add3A_21 : vector<16xi32>
        %gather3A_807 = tpu.vector_load_idx %arg5[%add3A_806] : memref<1024xf32, #tpu.memory_space<vmem>>[vector<16xi32>], vector<16xf32>,
        %add3A_808 = arith.constant 1152 : i32
        %add3A_809 = arith.addi %mul3A_111, %add3A_808 : i32
        %add3A_810 = arith.constant 48 : i32
        %add3A_811 = arith.addi %add3A_809, %add3A_810 : i32
        %swap3A_812 = arith.index_cast %add3A_811 : i32 to index
        %swap3A_813 = tpu.vector_load %arg9[%swap3A_812] {strides = array<i32>} : memref<51200xf32, #tpu.memory_space<vmem>>, vector<16xf32>,
        tpu.vector_store %arg9[%swap3A_812], %gather3A_743 {strides = array<i32>} : memref<51200xf32, #tpu.memory_space<vmem>>, vector<16xf32>,
        %add3A_814 = arith.addi %mul3A_164, %add3A_24 : vector<16xi32>
        %gather3A_815 = tpu.vector_load_idx %arg5[%add3A_814] : memref<1024xf32, #tpu.memory_space<vmem>>[vector<16xi32>], vector<16xf32>,
        %add3A_816 = arith.constant 1152 : i32
        %add3A_817 = arith.addi %mul3A_111, %add3A_816 : i32
        %add3A_818 = arith.constant 64 : i32
        %add3A_819 = arith.addi %add3A_817, %add3A_818 : i32
        %swap3A_820 = arith.index_cast %add3A_819 : i32 to index
        %swap3A_821 = tpu.vector_load %arg9[%swap3A_820] {strides = array<i32>} : memref<51200xf32, #tpu.memory_space<vmem>>, vector<16xf32>,
        tpu.vector_store %arg9[%swap3A_820], %gather3A_751 {strides = array<i32>} : memref<51200xf32, #tpu.memory_space<vmem>>, vector<16xf32>,
        %add3A_822 = arith.addi %mul3A_164, %add3A_27 : vector<16xi32>
        %gather3A_823 = tpu.vector_load_idx %arg5[%add3A_822] : memref<1024xf32, #tpu.memory_space<vmem>>[vector<16xi32>], vector<16xf32>,
        %add3A_824 = arith.constant 1152 : i32
        %add3A_825 = arith.addi %mul3A_111, %add3A_824 : i32
        %add3A_826 = arith.constant 80 : i32
        %add3A_827 = arith.addi %add3A_825, %add3A_826 : i32
        %swap3A_828 = arith.index_cast %add3A_827 : i32 to index
        %swap3A_829 = tpu.vector_load %arg9[%swap3A_828] {strides = array<i32>} : memref<51200xf32, #tpu.memory_space<vmem>>, vector<16xf32>,
        tpu.vector_store %arg9[%swap3A_828], %gather3A_759 {strides = array<i32>} : memref<51200xf32, #tpu.memory_space<vmem>>, vector<16xf32>,
        %add3A_830 = arith.addi %mul3A_164, %add3A_30 : vector<16xi32>
        %gather3A_831 = tpu.vector_load_idx %arg5[%add3A_830] : memref<1024xf32, #tpu.memory_space<vmem>>[vector<16xi32>], vector<16xf32>,
        %add3A_832 = arith.constant 1152 : i32
        %add3A_833 = arith.addi %mul3A_111, %add3A_832 : i32
        %add3A_834 = arith.constant 96 : i32
        %add3A_835 = arith.addi %add3A_833, %add3A_834 : i32
        %swap3A_836 = arith.index_cast %add3A_835 : i32 to index
        %swap3A_837 = tpu.vector_load %arg9[%swap3A_836] {strides = array<i32>} : memref<51200xf32, #tpu.memory_space<vmem>>, vector<16xf32>,
        tpu.vector_store %arg9[%swap3A_836], %gather3A_767 {strides = array<i32>} : memref<51200xf32, #tpu.memory_space<vmem>>, vector<16xf32>,
        %add3A_838 = arith.addi %mul3A_164, %add3A_33 : vector<16xi32>
        %gather3A_839 = tpu.vector_load_idx %arg5[%add3A_838] : memref<1024xf32, #tpu.memory_space<vmem>>[vector<16xi32>], vector<16xf32>,
        %add3A_840 = arith.constant 1152 : i32
        %add3A_841 = arith.addi %mul3A_111, %add3A_840 : i32
        %add3A_842 = arith.constant 112 : i32
        %add3A_843 = arith.addi %add3A_841, %add3A_842 : i32
        %swap3A_844 = arith.index_cast %add3A_843 : i32 to index
        %swap3A_845 = tpu.vector_load %arg9[%swap3A_844] {strides = array<i32>} : memref<51200xf32, #tpu.memory_space<vmem>>, vector<16xf32>,
        tpu.vector_store %arg9[%swap3A_844], %gather3A_775 {strides = array<i32>} : memref<51200xf32, #tpu.memory_space<vmem>>, vector<16xf32>,
        %add3A_846 = arith.addi %mul3A_169, %add3A_12 : vector<16xi32>
        %gather3A_847 = tpu.vector_load_idx %arg5[%add3A_846] : memref<1024xf32, #tpu.memory_space<vmem>>[vector<16xi32>], vector<16xf32>,
        %add3A_848 = arith.constant 1280 : i32
        %add3A_849 = arith.addi %mul3A_111, %add3A_848 : i32
        %add3A_850 = arith.constant 0 : i32
        %add3A_851 = arith.addi %add3A_849, %add3A_850 : i32
        %swap3A_852 = arith.index_cast %add3A_851 : i32 to index
        %swap3A_853 = tpu.vector_load %arg9[%swap3A_852] {strides = array<i32>} : memref<51200xf32, #tpu.memory_space<vmem>>, vector<16xf32>,
        tpu.vector_store %arg9[%swap3A_852], %gather3A_783 {strides = array<i32>} : memref<51200xf32, #tpu.memory_space<vmem>>, vector<16xf32>,
        %add3A_854 = arith.addi %mul3A_169, %add3A_15 : vector<16xi32>
        %gather3A_855 = tpu.vector_load_idx %arg5[%add3A_854] : memref<1024xf32, #tpu.memory_space<vmem>>[vector<16xi32>], vector<16xf32>,
        %add3A_856 = arith.constant 1280 : i32
        %add3A_857 = arith.addi %mul3A_111, %add3A_856 : i32
        %add3A_858 = arith.constant 16 : i32
        %add3A_859 = arith.addi %add3A_857, %add3A_858 : i32
        %swap3A_860 = arith.index_cast %add3A_859 : i32 to index
        %swap3A_861 = tpu.vector_load %arg9[%swap3A_860] {strides = array<i32>} : memref<51200xf32, #tpu.memory_space<vmem>>, vector<16xf32>,
        tpu.vector_store %arg9[%swap3A_860], %gather3A_791 {strides = array<i32>} : memref<51200xf32, #tpu.memory_space<vmem>>, vector<16xf32>,
        %add3A_862 = arith.addi %mul3A_169, %add3A_18 : vector<16xi32>
        %gather3A_863 = tpu.vector_load_idx %arg5[%add3A_862] : memref<1024xf32, #tpu.memory_space<vmem>>[vector<16xi32>], vector<16xf32>,
        %add3A_864 = arith.constant 1280 : i32
        %add3A_865 = arith.addi %mul3A_111, %add3A_864 : i32
        %add3A_866 = arith.constant 32 : i32
        %add3A_867 = arith.addi %add3A_865, %add3A_866 : i32
        %swap3A_868 = arith.index_cast %add3A_867 : i32 to index
        %swap3A_869 = tpu.vector_load %arg9[%swap3A_868] {strides = array<i32>} : memref<51200xf32, #tpu.memory_space<vmem>>, vector<16xf32>,
        tpu.vector_store %arg9[%swap3A_868], %gather3A_799 {strides = array<i32>} : memref<51200xf32, #tpu.memory_space<vmem>>, vector<16xf32>,
        %add3A_870 = arith.addi %mul3A_169, %add3A_21 : vector<16xi32>
        %gather3A_871 = tpu.vector_load_idx %arg5[%add3A_870] : memref<1024xf32, #tpu.memory_space<vmem>>[vector<16xi32>], vector<16xf32>,
        %add3A_872 = arith.constant 1280 : i32
        %add3A_873 = arith.addi %mul3A_111, %add3A_872 : i32
        %add3A_874 = arith.constant 48 : i32
        %add3A_875 = arith.addi %add3A_873, %add3A_874 : i32
        %swap3A_876 = arith.index_cast %add3A_875 : i32 to index
        %swap3A_877 = tpu.vector_load %arg9[%swap3A_876] {strides = array<i32>} : memref<51200xf32, #tpu.memory_space<vmem>>, vector<16xf32>,
        tpu.vector_store %arg9[%swap3A_876], %gather3A_807 {strides = array<i32>} : memref<51200xf32, #tpu.memory_space<vmem>>, vector<16xf32>,
        %add3A_878 = arith.addi %mul3A_169, %add3A_24 : vector<16xi32>
        %gather3A_879 = tpu.vector_load_idx %arg5[%add3A_878] : memref<1024xf32, #tpu.memory_space<vmem>>[vector<16xi32>], vector<16xf32>,
        %add3A_880 = arith.constant 1280 : i32
        %add3A_881 = arith.addi %mul3A_111, %add3A_880 : i32
        %add3A_882 = arith.constant 64 : i32
        %add3A_883 = arith.addi %add3A_881, %add3A_882 : i32
        %swap3A_884 = arith.index_cast %add3A_883 : i32 to index
        %swap3A_885 = tpu.vector_load %arg9[%swap3A_884] {strides = array<i32>} : memref<51200xf32, #tpu.memory_space<vmem>>, vector<16xf32>,
        tpu.vector_store %arg9[%swap3A_884], %gather3A_815 {strides = array<i32>} : memref<51200xf32, #tpu.memory_space<vmem>>, vector<16xf32>,
        %add3A_886 = arith.addi %mul3A_169, %add3A_27 : vector<16xi32>
        %gather3A_887 = tpu.vector_load_idx %arg5[%add3A_886] : memref<1024xf32, #tpu.memory_space<vmem>>[vector<16xi32>], vector<16xf32>,
        %add3A_888 = arith.constant 1280 : i32
        %add3A_889 = arith.addi %mul3A_111, %add3A_888 : i32
        %add3A_890 = arith.constant 80 : i32
        %add3A_891 = arith.addi %add3A_889, %add3A_890 : i32
        %swap3A_892 = arith.index_cast %add3A_891 : i32 to index
        %swap3A_893 = tpu.vector_load %arg9[%swap3A_892] {strides = array<i32>} : memref<51200xf32, #tpu.memory_space<vmem>>, vector<16xf32>,
        tpu.vector_store %arg9[%swap3A_892], %gather3A_823 {strides = array<i32>} : memref<51200xf32, #tpu.memory_space<vmem>>, vector<16xf32>,
        %add3A_894 = arith.addi %mul3A_169, %add3A_30 : vector<16xi32>
        %gather3A_895 = tpu.vector_load_idx %arg5[%add3A_894] : memref<1024xf32, #tpu.memory_space<vmem>>[vector<16xi32>], vector<16xf32>,
        %add3A_896 = arith.constant 1280 : i32
        %add3A_897 = arith.addi %mul3A_111, %add3A_896 : i32
        %add3A_898 = arith.constant 96 : i32
        %add3A_899 = arith.addi %add3A_897, %add3A_898 : i32
        %swap3A_900 = arith.index_cast %add3A_899 : i32 to index
        %swap3A_901 = tpu.vector_load %arg9[%swap3A_900] {strides = array<i32>} : memref<51200xf32, #tpu.memory_space<vmem>>, vector<16xf32>,
        tpu.vector_store %arg9[%swap3A_900], %gather3A_831 {strides = array<i32>} : memref<51200xf32, #tpu.memory_space<vmem>>, vector<16xf32>,
        %add3A_902 = arith.addi %mul3A_169, %add3A_33 : vector<16xi32>
        %gather3A_903 = tpu.vector_load_idx %arg5[%add3A_902] : memref<1024xf32, #tpu.memory_space<vmem>>[vector<16xi32>], vector<16xf32>,
        %add3A_904 = arith.constant 1280 : i32
        %add3A_905 = arith.addi %mul3A_111, %add3A_904 : i32
        %add3A_906 = arith.constant 112 : i32
        %add3A_907 = arith.addi %add3A_905, %add3A_906 : i32
        %swap3A_908 = arith.index_cast %add3A_907 : i32 to index
        %swap3A_909 = tpu.vector_load %arg9[%swap3A_908] {strides = array<i32>} : memref<51200xf32, #tpu.memory_space<vmem>>, vector<16xf32>,
        tpu.vector_store %arg9[%swap3A_908], %gather3A_839 {strides = array<i32>} : memref<51200xf32, #tpu.memory_space<vmem>>, vector<16xf32>,
        %add3A_910 = arith.addi %mul3A_174, %add3A_12 : vector<16xi32>
        %gather3A_911 = tpu.vector_load_idx %arg5[%add3A_910] : memref<1024xf32, #tpu.memory_space<vmem>>[vector<16xi32>], vector<16xf32>,
        %add3A_912 = arith.constant 1408 : i32
        %add3A_913 = arith.addi %mul3A_111, %add3A_912 : i32
        %add3A_914 = arith.constant 0 : i32
        %add3A_915 = arith.addi %add3A_913, %add3A_914 : i32
        %swap3A_916 = arith.index_cast %add3A_915 : i32 to index
        %swap3A_917 = tpu.vector_load %arg9[%swap3A_916] {strides = array<i32>} : memref<51200xf32, #tpu.memory_space<vmem>>, vector<16xf32>,
        tpu.vector_store %arg9[%swap3A_916], %gather3A_847 {strides = array<i32>} : memref<51200xf32, #tpu.memory_space<vmem>>, vector<16xf32>,
        %add3A_918 = arith.addi %mul3A_174, %add3A_15 : vector<16xi32>
        %gather3A_919 = tpu.vector_load_idx %arg5[%add3A_918] : memref<1024xf32, #tpu.memory_space<vmem>>[vector<16xi32>], vector<16xf32>,
        %add3A_920 = arith.constant 1408 : i32
        %add3A_921 = arith.addi %mul3A_111, %add3A_920 : i32
        %add3A_922 = arith.constant 16 : i32
        %add3A_923 = arith.addi %add3A_921, %add3A_922 : i32
        %swap3A_924 = arith.index_cast %add3A_923 : i32 to index
        %swap3A_925 = tpu.vector_load %arg9[%swap3A_924] {strides = array<i32>} : memref<51200xf32, #tpu.memory_space<vmem>>, vector<16xf32>,
        tpu.vector_store %arg9[%swap3A_924], %gather3A_855 {strides = array<i32>} : memref<51200xf32, #tpu.memory_space<vmem>>, vector<16xf32>,
        %add3A_926 = arith.addi %mul3A_174, %add3A_18 : vector<16xi32>
        %gather3A_927 = tpu.vector_load_idx %arg5[%add3A_926] : memref<1024xf32, #tpu.memory_space<vmem>>[vector<16xi32>], vector<16xf32>,
        %add3A_928 = arith.constant 1408 : i32
        %add3A_929 = arith.addi %mul3A_111, %add3A_928 : i32
        %add3A_930 = arith.constant 32 : i32
        %add3A_931 = arith.addi %add3A_929, %add3A_930 : i32
        %swap3A_932 = arith.index_cast %add3A_931 : i32 to index
        %swap3A_933 = tpu.vector_load %arg9[%swap3A_932] {strides = array<i32>} : memref<51200xf32, #tpu.memory_space<vmem>>, vector<16xf32>,
        tpu.vector_store %arg9[%swap3A_932], %gather3A_863 {strides = array<i32>} : memref<51200xf32, #tpu.memory_space<vmem>>, vector<16xf32>,
        %add3A_934 = arith.addi %mul3A_174, %add3A_21 : vector<16xi32>
        %gather3A_935 = tpu.vector_load_idx %arg5[%add3A_934] : memref<1024xf32, #tpu.memory_space<vmem>>[vector<16xi32>], vector<16xf32>,
        %add3A_936 = arith.constant 1408 : i32
        %add3A_937 = arith.addi %mul3A_111, %add3A_936 : i32
        %add3A_938 = arith.constant 48 : i32
        %add3A_939 = arith.addi %add3A_937, %add3A_938 : i32
        %swap3A_940 = arith.index_cast %add3A_939 : i32 to index
        %swap3A_941 = tpu.vector_load %arg9[%swap3A_940] {strides = array<i32>} : memref<51200xf32, #tpu.memory_space<vmem>>, vector<16xf32>,
        tpu.vector_store %arg9[%swap3A_940], %gather3A_871 {strides = array<i32>} : memref<51200xf32, #tpu.memory_space<vmem>>, vector<16xf32>,
        %add3A_942 = arith.addi %mul3A_174, %add3A_24 : vector<16xi32>
        %gather3A_943 = tpu.vector_load_idx %arg5[%add3A_942] : memref<1024xf32, #tpu.memory_space<vmem>>[vector<16xi32>], vector<16xf32>,
        %add3A_944 = arith.constant 1408 : i32
        %add3A_945 = arith.addi %mul3A_111, %add3A_944 : i32
        %add3A_946 = arith.constant 64 : i32
        %add3A_947 = arith.addi %add3A_945, %add3A_946 : i32
        %swap3A_948 = arith.index_cast %add3A_947 : i32 to index
        %swap3A_949 = tpu.vector_load %arg9[%swap3A_948] {strides = array<i32>} : memref<51200xf32, #tpu.memory_space<vmem>>, vector<16xf32>,
        tpu.vector_store %arg9[%swap3A_948], %gather3A_879 {strides = array<i32>} : memref<51200xf32, #tpu.memory_space<vmem>>, vector<16xf32>,
        %add3A_950 = arith.addi %mul3A_174, %add3A_27 : vector<16xi32>
        %gather3A_951 = tpu.vector_load_idx %arg5[%add3A_950] : memref<1024xf32, #tpu.memory_space<vmem>>[vector<16xi32>], vector<16xf32>,
        %add3A_952 = arith.constant 1408 : i32
        %add3A_953 = arith.addi %mul3A_111, %add3A_952 : i32
        %add3A_954 = arith.constant 80 : i32
        %add3A_955 = arith.addi %add3A_953, %add3A_954 : i32
        %swap3A_956 = arith.index_cast %add3A_955 : i32 to index
        %swap3A_957 = tpu.vector_load %arg9[%swap3A_956] {strides = array<i32>} : memref<51200xf32, #tpu.memory_space<vmem>>, vector<16xf32>,
        tpu.vector_store %arg9[%swap3A_956], %gather3A_887 {strides = array<i32>} : memref<51200xf32, #tpu.memory_space<vmem>>, vector<16xf32>,
        %add3A_958 = arith.addi %mul3A_174, %add3A_30 : vector<16xi32>
        %gather3A_959 = tpu.vector_load_idx %arg5[%add3A_958] : memref<1024xf32, #tpu.memory_space<vmem>>[vector<16xi32>], vector<16xf32>,
        %add3A_960 = arith.constant 1408 : i32
        %add3A_961 = arith.addi %mul3A_111, %add3A_960 : i32
        %add3A_962 = arith.constant 96 : i32
        %add3A_963 = arith.addi %add3A_961, %add3A_962 : i32
        %swap3A_964 = arith.index_cast %add3A_963 : i32 to index
        %swap3A_965 = tpu.vector_load %arg9[%swap3A_964] {strides = array<i32>} : memref<51200xf32, #tpu.memory_space<vmem>>, vector<16xf32>,
        tpu.vector_store %arg9[%swap3A_964], %gather3A_895 {strides = array<i32>} : memref<51200xf32, #tpu.memory_space<vmem>>, vector<16xf32>,
        %add3A_966 = arith.addi %mul3A_174, %add3A_33 : vector<16xi32>
        %gather3A_967 = tpu.vector_load_idx %arg5[%add3A_966] : memref<1024xf32, #tpu.memory_space<vmem>>[vector<16xi32>], vector<16xf32>,
        %add3A_968 = arith.constant 1408 : i32
        %add3A_969 = arith.addi %mul3A_111, %add3A_968 : i32
        %add3A_970 = arith.constant 112 : i32
        %add3A_971 = arith.addi %add3A_969, %add3A_970 : i32
        %swap3A_972 = arith.index_cast %add3A_971 : i32 to index
        %swap3A_973 = tpu.vector_load %arg9[%swap3A_972] {strides = array<i32>} : memref<51200xf32, #tpu.memory_space<vmem>>, vector<16xf32>,
        tpu.vector_store %arg9[%swap3A_972], %gather3A_903 {strides = array<i32>} : memref<51200xf32, #tpu.memory_space<vmem>>, vector<16xf32>,
        %add3A_974 = arith.addi %mul3A_179, %add3A_12 : vector<16xi32>
        %gather3A_975 = tpu.vector_load_idx %arg5[%add3A_974] : memref<1024xf32, #tpu.memory_space<vmem>>[vector<16xi32>], vector<16xf32>,
        %add3A_976 = arith.constant 1536 : i32
        %add3A_977 = arith.addi %mul3A_111, %add3A_976 : i32
        %add3A_978 = arith.constant 0 : i32
        %add3A_979 = arith.addi %add3A_977, %add3A_978 : i32
        %swap3A_980 = arith.index_cast %add3A_979 : i32 to index
        %swap3A_981 = tpu.vector_load %arg9[%swap3A_980] {strides = array<i32>} : memref<51200xf32, #tpu.memory_space<vmem>>, vector<16xf32>,
        tpu.vector_store %arg9[%swap3A_980], %gather3A_911 {strides = array<i32>} : memref<51200xf32, #tpu.memory_space<vmem>>, vector<16xf32>,
        %add3A_982 = arith.addi %mul3A_179, %add3A_15 : vector<16xi32>
        %gather3A_983 = tpu.vector_load_idx %arg5[%add3A_982] : memref<1024xf32, #tpu.memory_space<vmem>>[vector<16xi32>], vector<16xf32>,
        %add3A_984 = arith.constant 1536 : i32
        %add3A_985 = arith.addi %mul3A_111, %add3A_984 : i32
        %add3A_986 = arith.constant 16 : i32
        %add3A_987 = arith.addi %add3A_985, %add3A_986 : i32
        %swap3A_988 = arith.index_cast %add3A_987 : i32 to index
        %swap3A_989 = tpu.vector_load %arg9[%swap3A_988] {strides = array<i32>} : memref<51200xf32, #tpu.memory_space<vmem>>, vector<16xf32>,
        tpu.vector_store %arg9[%swap3A_988], %gather3A_919 {strides = array<i32>} : memref<51200xf32, #tpu.memory_space<vmem>>, vector<16xf32>,
        %add3A_990 = arith.addi %mul3A_179, %add3A_18 : vector<16xi32>
        %gather3A_991 = tpu.vector_load_idx %arg5[%add3A_990] : memref<1024xf32, #tpu.memory_space<vmem>>[vector<16xi32>], vector<16xf32>,
        %add3A_992 = arith.constant 1536 : i32
        %add3A_993 = arith.addi %mul3A_111, %add3A_992 : i32
        %add3A_994 = arith.constant 32 : i32
        %add3A_995 = arith.addi %add3A_993, %add3A_994 : i32
        %swap3A_996 = arith.index_cast %add3A_995 : i32 to index
        %swap3A_997 = tpu.vector_load %arg9[%swap3A_996] {strides = array<i32>} : memref<51200xf32, #tpu.memory_space<vmem>>, vector<16xf32>,
        tpu.vector_store %arg9[%swap3A_996], %gather3A_927 {strides = array<i32>} : memref<51200xf32, #tpu.memory_space<vmem>>, vector<16xf32>,
        %add3A_998 = arith.addi %mul3A_179, %add3A_21 : vector<16xi32>
        %gather3A_999 = tpu.vector_load_idx %arg5[%add3A_998] : memref<1024xf32, #tpu.memory_space<vmem>>[vector<16xi32>], vector<16xf32>,
        %add3A_1000 = arith.constant 1536 : i32
        %add3A_1001 = arith.addi %mul3A_111, %add3A_1000 : i32
        %add3A_1002 = arith.constant 48 : i32
        %add3A_1003 = arith.addi %add3A_1001, %add3A_1002 : i32
        %swap3A_1004 = arith.index_cast %add3A_1003 : i32 to index
        %swap3A_1005 = tpu.vector_load %arg9[%swap3A_1004] {strides = array<i32>} : memref<51200xf32, #tpu.memory_space<vmem>>, vector<16xf32>,
        tpu.vector_store %arg9[%swap3A_1004], %gather3A_935 {strides = array<i32>} : memref<51200xf32, #tpu.memory_space<vmem>>, vector<16xf32>,
        %add3A_1006 = arith.addi %mul3A_179, %add3A_24 : vector<16xi32>
        %gather3A_1007 = tpu.vector_load_idx %arg5[%add3A_1006] : memref<1024xf32, #tpu.memory_space<vmem>>[vector<16xi32>], vector<16xf32>,
        %add3A_1008 = arith.constant 1536 : i32
        %add3A_1009 = arith.addi %mul3A_111, %add3A_1008 : i32
        %add3A_1010 = arith.constant 64 : i32
        %add3A_1011 = arith.addi %add3A_1009, %add3A_1010 : i32
        %swap3A_1012 = arith.index_cast %add3A_1011 : i32 to index
        %swap3A_1013 = tpu.vector_load %arg9[%swap3A_1012] {strides = array<i32>} : memref<51200xf32, #tpu.memory_space<vmem>>, vector<16xf32>,
        tpu.vector_store %arg9[%swap3A_1012], %gather3A_943 {strides = array<i32>} : memref<51200xf32, #tpu.memory_space<vmem>>, vector<16xf32>,
        %add3A_1014 = arith.addi %mul3A_179, %add3A_27 : vector<16xi32>
        %gather3A_1015 = tpu.vector_load_idx %arg5[%add3A_1014] : memref<1024xf32, #tpu.memory_space<vmem>>[vector<16xi32>], vector<16xf32>,
        %add3A_1016 = arith.constant 1536 : i32
        %add3A_1017 = arith.addi %mul3A_111, %add3A_1016 : i32
        %add3A_1018 = arith.constant 80 : i32
        %add3A_1019 = arith.addi %add3A_1017, %add3A_1018 : i32
        %swap3A_1020 = arith.index_cast %add3A_1019 : i32 to index
        %swap3A_1021 = tpu.vector_load %arg9[%swap3A_1020] {strides = array<i32>} : memref<51200xf32, #tpu.memory_space<vmem>>, vector<16xf32>,
        tpu.vector_store %arg9[%swap3A_1020], %gather3A_951 {strides = array<i32>} : memref<51200xf32, #tpu.memory_space<vmem>>, vector<16xf32>,
        %add3A_1022 = arith.addi %mul3A_179, %add3A_30 : vector<16xi32>
        %gather3A_1023 = tpu.vector_load_idx %arg5[%add3A_1022] : memref<1024xf32, #tpu.memory_space<vmem>>[vector<16xi32>], vector<16xf32>,
        %add3A_1024 = arith.constant 1536 : i32
        %add3A_1025 = arith.addi %mul3A_111, %add3A_1024 : i32
        %add3A_1026 = arith.constant 96 : i32
        %add3A_1027 = arith.addi %add3A_1025, %add3A_1026 : i32
        %swap3A_1028 = arith.index_cast %add3A_1027 : i32 to index
        %swap3A_1029 = tpu.vector_load %arg9[%swap3A_1028] {strides = array<i32>} : memref<51200xf32, #tpu.memory_space<vmem>>, vector<16xf32>,
        tpu.vector_store %arg9[%swap3A_1028], %gather3A_959 {strides = array<i32>} : memref<51200xf32, #tpu.memory_space<vmem>>, vector<16xf32>,
        %add3A_1030 = arith.addi %mul3A_179, %add3A_33 : vector<16xi32>
        %gather3A_1031 = tpu.vector_load_idx %arg5[%add3A_1030] : memref<1024xf32, #tpu.memory_space<vmem>>[vector<16xi32>], vector<16xf32>,
        %add3A_1032 = arith.constant 1536 : i32
        %add3A_1033 = arith.addi %mul3A_111, %add3A_1032 : i32
        %add3A_1034 = arith.constant 112 : i32
        %add3A_1035 = arith.addi %add3A_1033, %add3A_1034 : i32
        %swap3A_1036 = arith.index_cast %add3A_1035 : i32 to index
        %swap3A_1037 = tpu.vector_load %arg9[%swap3A_1036] {strides = array<i32>} : memref<51200xf32, #tpu.memory_space<vmem>>, vector<16xf32>,
        tpu.vector_store %arg9[%swap3A_1036], %gather3A_967 {strides = array<i32>} : memref<51200xf32, #tpu.memory_space<vmem>>, vector<16xf32>,
        %add3A_1038 = arith.addi %mul3A_184, %add3A_12 : vector<16xi32>
        %gather3A_1039 = tpu.vector_load_idx %arg5[%add3A_1038] : memref<1024xf32, #tpu.memory_space<vmem>>[vector<16xi32>], vector<16xf32>,
        %add3A_1040 = arith.constant 1664 : i32
        %add3A_1041 = arith.addi %mul3A_111, %add3A_1040 : i32
        %add3A_1042 = arith.constant 0 : i32
        %add3A_1043 = arith.addi %add3A_1041, %add3A_1042 : i32
        %swap3A_1044 = arith.index_cast %add3A_1043 : i32 to index
        %swap3A_1045 = tpu.vector_load %arg9[%swap3A_1044] {strides = array<i32>} : memref<51200xf32, #tpu.memory_space<vmem>>, vector<16xf32>,
        tpu.vector_store %arg9[%swap3A_1044], %gather3A_975 {strides = array<i32>} : memref<51200xf32, #tpu.memory_space<vmem>>, vector<16xf32>,
        %add3A_1046 = arith.addi %mul3A_184, %add3A_15 : vector<16xi32>
        %gather3A_1047 = tpu.vector_load_idx %arg5[%add3A_1046] : memref<1024xf32, #tpu.memory_space<vmem>>[vector<16xi32>], vector<16xf32>,
        %add3A_1048 = arith.constant 1664 : i32
        %add3A_1049 = arith.addi %mul3A_111, %add3A_1048 : i32
        %add3A_1050 = arith.constant 16 : i32
        %add3A_1051 = arith.addi %add3A_1049, %add3A_1050 : i32
        %swap3A_1052 = arith.index_cast %add3A_1051 : i32 to index
        %swap3A_1053 = tpu.vector_load %arg9[%swap3A_1052] {strides = array<i32>} : memref<51200xf32, #tpu.memory_space<vmem>>, vector<16xf32>,
        tpu.vector_store %arg9[%swap3A_1052], %gather3A_983 {strides = array<i32>} : memref<51200xf32, #tpu.memory_space<vmem>>, vector<16xf32>,
        %add3A_1054 = arith.addi %mul3A_184, %add3A_18 : vector<16xi32>
        %gather3A_1055 = tpu.vector_load_idx %arg5[%add3A_1054] : memref<1024xf32, #tpu.memory_space<vmem>>[vector<16xi32>], vector<16xf32>,
        %add3A_1056 = arith.constant 1664 : i32
        %add3A_1057 = arith.addi %mul3A_111, %add3A_1056 : i32
        %add3A_1058 = arith.constant 32 : i32
        %add3A_1059 = arith.addi %add3A_1057, %add3A_1058 : i32
        %swap3A_1060 = arith.index_cast %add3A_1059 : i32 to index
        %swap3A_1061 = tpu.vector_load %arg9[%swap3A_1060] {strides = array<i32>} : memref<51200xf32, #tpu.memory_space<vmem>>, vector<16xf32>,
        tpu.vector_store %arg9[%swap3A_1060], %gather3A_991 {strides = array<i32>} : memref<51200xf32, #tpu.memory_space<vmem>>, vector<16xf32>,
        %add3A_1062 = arith.addi %mul3A_184, %add3A_21 : vector<16xi32>
        %gather3A_1063 = tpu.vector_load_idx %arg5[%add3A_1062] : memref<1024xf32, #tpu.memory_space<vmem>>[vector<16xi32>], vector<16xf32>,
        %add3A_1064 = arith.constant 1664 : i32
        %add3A_1065 = arith.addi %mul3A_111, %add3A_1064 : i32
        %add3A_1066 = arith.constant 48 : i32
        %add3A_1067 = arith.addi %add3A_1065, %add3A_1066 : i32
        %swap3A_1068 = arith.index_cast %add3A_1067 : i32 to index
        %swap3A_1069 = tpu.vector_load %arg9[%swap3A_1068] {strides = array<i32>} : memref<51200xf32, #tpu.memory_space<vmem>>, vector<16xf32>,
        tpu.vector_store %arg9[%swap3A_1068], %gather3A_999 {strides = array<i32>} : memref<51200xf32, #tpu.memory_space<vmem>>, vector<16xf32>,
        %add3A_1070 = arith.addi %mul3A_184, %add3A_24 : vector<16xi32>
        %gather3A_1071 = tpu.vector_load_idx %arg5[%add3A_1070] : memref<1024xf32, #tpu.memory_space<vmem>>[vector<16xi32>], vector<16xf32>,
        %add3A_1072 = arith.constant 1664 : i32
        %add3A_1073 = arith.addi %mul3A_111, %add3A_1072 : i32
        %add3A_1074 = arith.constant 64 : i32
        %add3A_1075 = arith.addi %add3A_1073, %add3A_1074 : i32
        %swap3A_1076 = arith.index_cast %add3A_1075 : i32 to index
        %swap3A_1077 = tpu.vector_load %arg9[%swap3A_1076] {strides = array<i32>} : memref<51200xf32, #tpu.memory_space<vmem>>, vector<16xf32>,
        tpu.vector_store %arg9[%swap3A_1076], %gather3A_1007 {strides = array<i32>} : memref<51200xf32, #tpu.memory_space<vmem>>, vector<16xf32>,
        %add3A_1078 = arith.addi %mul3A_184, %add3A_27 : vector<16xi32>
        %gather3A_1079 = tpu.vector_load_idx %arg5[%add3A_1078] : memref<1024xf32, #tpu.memory_space<vmem>>[vector<16xi32>], vector<16xf32>,
        %add3A_1080 = arith.constant 1664 : i32
        %add3A_1081 = arith.addi %mul3A_111, %add3A_1080 : i32
        %add3A_1082 = arith.constant 80 : i32
        %add3A_1083 = arith.addi %add3A_1081, %add3A_1082 : i32
        %swap3A_1084 = arith.index_cast %add3A_1083 : i32 to index
        %swap3A_1085 = tpu.vector_load %arg9[%swap3A_1084] {strides = array<i32>} : memref<51200xf32, #tpu.memory_space<vmem>>, vector<16xf32>,
        tpu.vector_store %arg9[%swap3A_1084], %gather3A_1015 {strides = array<i32>} : memref<51200xf32, #tpu.memory_space<vmem>>, vector<16xf32>,
        %add3A_1086 = arith.addi %mul3A_184, %add3A_30 : vector<16xi32>
        %gather3A_1087 = tpu.vector_load_idx %arg5[%add3A_1086] : memref<1024xf32, #tpu.memory_space<vmem>>[vector<16xi32>], vector<16xf32>,
        %add3A_1088 = arith.constant 1664 : i32
        %add3A_1089 = arith.addi %mul3A_111, %add3A_1088 : i32
        %add3A_1090 = arith.constant 96 : i32
        %add3A_1091 = arith.addi %add3A_1089, %add3A_1090 : i32
        %swap3A_1092 = arith.index_cast %add3A_1091 : i32 to index
        %swap3A_1093 = tpu.vector_load %arg9[%swap3A_1092] {strides = array<i32>} : memref<51200xf32, #tpu.memory_space<vmem>>, vector<16xf32>,
        tpu.vector_store %arg9[%swap3A_1092], %gather3A_1023 {strides = array<i32>} : memref<51200xf32, #tpu.memory_space<vmem>>, vector<16xf32>,
        %add3A_1094 = arith.addi %mul3A_184, %add3A_33 : vector<16xi32>
        %gather3A_1095 = tpu.vector_load_idx %arg5[%add3A_1094] : memref<1024xf32, #tpu.memory_space<vmem>>[vector<16xi32>], vector<16xf32>,
        %add3A_1096 = arith.constant 1664 : i32
        %add3A_1097 = arith.addi %mul3A_111, %add3A_1096 : i32
        %add3A_1098 = arith.constant 112 : i32
        %add3A_1099 = arith.addi %add3A_1097, %add3A_1098 : i32
        %swap3A_1100 = arith.index_cast %add3A_1099 : i32 to index
        %swap3A_1101 = tpu.vector_load %arg9[%swap3A_1100] {strides = array<i32>} : memref<51200xf32, #tpu.memory_space<vmem>>, vector<16xf32>,
        tpu.vector_store %arg9[%swap3A_1100], %gather3A_1031 {strides = array<i32>} : memref<51200xf32, #tpu.memory_space<vmem>>, vector<16xf32>,
        %add3A_1102 = arith.addi %mul3A_189, %add3A_12 : vector<16xi32>
        %gather3A_1103 = tpu.vector_load_idx %arg5[%add3A_1102] : memref<1024xf32, #tpu.memory_space<vmem>>[vector<16xi32>], vector<16xf32>,
        %add3A_1104 = arith.constant 1792 : i32
        %add3A_1105 = arith.addi %mul3A_111, %add3A_1104 : i32
        %add3A_1106 = arith.constant 0 : i32
        %add3A_1107 = arith.addi %add3A_1105, %add3A_1106 : i32
        %swap3A_1108 = arith.index_cast %add3A_1107 : i32 to index
        %swap3A_1109 = tpu.vector_load %arg9[%swap3A_1108] {strides = array<i32>} : memref<51200xf32, #tpu.memory_space<vmem>>, vector<16xf32>,
        tpu.vector_store %arg9[%swap3A_1108], %gather3A_1039 {strides = array<i32>} : memref<51200xf32, #tpu.memory_space<vmem>>, vector<16xf32>,
        %add3A_1110 = arith.addi %mul3A_189, %add3A_15 : vector<16xi32>
        %gather3A_1111 = tpu.vector_load_idx %arg5[%add3A_1110] : memref<1024xf32, #tpu.memory_space<vmem>>[vector<16xi32>], vector<16xf32>,
        %add3A_1112 = arith.constant 1792 : i32
        %add3A_1113 = arith.addi %mul3A_111, %add3A_1112 : i32
        %add3A_1114 = arith.constant 16 : i32
        %add3A_1115 = arith.addi %add3A_1113, %add3A_1114 : i32
        %swap3A_1116 = arith.index_cast %add3A_1115 : i32 to index
        %swap3A_1117 = tpu.vector_load %arg9[%swap3A_1116] {strides = array<i32>} : memref<51200xf32, #tpu.memory_space<vmem>>, vector<16xf32>,
        tpu.vector_store %arg9[%swap3A_1116], %gather3A_1047 {strides = array<i32>} : memref<51200xf32, #tpu.memory_space<vmem>>, vector<16xf32>,
        %add3A_1118 = arith.addi %mul3A_189, %add3A_18 : vector<16xi32>
        %gather3A_1119 = tpu.vector_load_idx %arg5[%add3A_1118] : memref<1024xf32, #tpu.memory_space<vmem>>[vector<16xi32>], vector<16xf32>,
        %add3A_1120 = arith.constant 1792 : i32
        %add3A_1121 = arith.addi %mul3A_111, %add3A_1120 : i32
        %add3A_1122 = arith.constant 32 : i32
        %add3A_1123 = arith.addi %add3A_1121, %add3A_1122 : i32
        %swap3A_1124 = arith.index_cast %add3A_1123 : i32 to index
        %swap3A_1125 = tpu.vector_load %arg9[%swap3A_1124] {strides = array<i32>} : memref<51200xf32, #tpu.memory_space<vmem>>, vector<16xf32>,
        tpu.vector_store %arg9[%swap3A_1124], %gather3A_1055 {strides = array<i32>} : memref<51200xf32, #tpu.memory_space<vmem>>, vector<16xf32>,
        %add3A_1126 = arith.addi %mul3A_189, %add3A_21 : vector<16xi32>
        %gather3A_1127 = tpu.vector_load_idx %arg5[%add3A_1126] : memref<1024xf32, #tpu.memory_space<vmem>>[vector<16xi32>], vector<16xf32>,
        %add3A_1128 = arith.constant 1792 : i32
        %add3A_1129 = arith.addi %mul3A_111, %add3A_1128 : i32
        %add3A_1130 = arith.constant 48 : i32
        %add3A_1131 = arith.addi %add3A_1129, %add3A_1130 : i32
        %swap3A_1132 = arith.index_cast %add3A_1131 : i32 to index
        %swap3A_1133 = tpu.vector_load %arg9[%swap3A_1132] {strides = array<i32>} : memref<51200xf32, #tpu.memory_space<vmem>>, vector<16xf32>,
        tpu.vector_store %arg9[%swap3A_1132], %gather3A_1063 {strides = array<i32>} : memref<51200xf32, #tpu.memory_space<vmem>>, vector<16xf32>,
        %add3A_1134 = arith.addi %mul3A_189, %add3A_24 : vector<16xi32>
        %gather3A_1135 = tpu.vector_load_idx %arg5[%add3A_1134] : memref<1024xf32, #tpu.memory_space<vmem>>[vector<16xi32>], vector<16xf32>,
        %add3A_1136 = arith.constant 1792 : i32
        %add3A_1137 = arith.addi %mul3A_111, %add3A_1136 : i32
        %add3A_1138 = arith.constant 64 : i32
        %add3A_1139 = arith.addi %add3A_1137, %add3A_1138 : i32
        %swap3A_1140 = arith.index_cast %add3A_1139 : i32 to index
        %swap3A_1141 = tpu.vector_load %arg9[%swap3A_1140] {strides = array<i32>} : memref<51200xf32, #tpu.memory_space<vmem>>, vector<16xf32>,
        tpu.vector_store %arg9[%swap3A_1140], %gather3A_1071 {strides = array<i32>} : memref<51200xf32, #tpu.memory_space<vmem>>, vector<16xf32>,
        %add3A_1142 = arith.addi %mul3A_189, %add3A_27 : vector<16xi32>
        %gather3A_1143 = tpu.vector_load_idx %arg5[%add3A_1142] : memref<1024xf32, #tpu.memory_space<vmem>>[vector<16xi32>], vector<16xf32>,
        %add3A_1144 = arith.constant 1792 : i32
        %add3A_1145 = arith.addi %mul3A_111, %add3A_1144 : i32
        %add3A_1146 = arith.constant 80 : i32
        %add3A_1147 = arith.addi %add3A_1145, %add3A_1146 : i32
        %swap3A_1148 = arith.index_cast %add3A_1147 : i32 to index
        %swap3A_1149 = tpu.vector_load %arg9[%swap3A_1148] {strides = array<i32>} : memref<51200xf32, #tpu.memory_space<vmem>>, vector<16xf32>,
        tpu.vector_store %arg9[%swap3A_1148], %gather3A_1079 {strides = array<i32>} : memref<51200xf32, #tpu.memory_space<vmem>>, vector<16xf32>,
        %add3A_1150 = arith.addi %mul3A_189, %add3A_30 : vector<16xi32>
        %gather3A_1151 = tpu.vector_load_idx %arg5[%add3A_1150] : memref<1024xf32, #tpu.memory_space<vmem>>[vector<16xi32>], vector<16xf32>,
        %add3A_1152 = arith.constant 1792 : i32
        %add3A_1153 = arith.addi %mul3A_111, %add3A_1152 : i32
        %add3A_1154 = arith.constant 96 : i32
        %add3A_1155 = arith.addi %add3A_1153, %add3A_1154 : i32
        %swap3A_1156 = arith.index_cast %add3A_1155 : i32 to index
        %swap3A_1157 = tpu.vector_load %arg9[%swap3A_1156] {strides = array<i32>} : memref<51200xf32, #tpu.memory_space<vmem>>, vector<16xf32>,
        tpu.vector_store %arg9[%swap3A_1156], %gather3A_1087 {strides = array<i32>} : memref<51200xf32, #tpu.memory_space<vmem>>, vector<16xf32>,
        %add3A_1158 = arith.addi %mul3A_189, %add3A_33 : vector<16xi32>
        %gather3A_1159 = tpu.vector_load_idx %arg5[%add3A_1158] : memref<1024xf32, #tpu.memory_space<vmem>>[vector<16xi32>], vector<16xf32>,
        %add3A_1160 = arith.constant 1792 : i32
        %add3A_1161 = arith.addi %mul3A_111, %add3A_1160 : i32
        %add3A_1162 = arith.constant 112 : i32
        %add3A_1163 = arith.addi %add3A_1161, %add3A_1162 : i32
        %swap3A_1164 = arith.index_cast %add3A_1163 : i32 to index
        %swap3A_1165 = tpu.vector_load %arg9[%swap3A_1164] {strides = array<i32>} : memref<51200xf32, #tpu.memory_space<vmem>>, vector<16xf32>,
        tpu.vector_store %arg9[%swap3A_1164], %gather3A_1095 {strides = array<i32>} : memref<51200xf32, #tpu.memory_space<vmem>>, vector<16xf32>,
        %add3A_1166 = arith.constant 1920 : i32
        %add3A_1167 = arith.addi %mul3A_111, %add3A_1166 : i32
        %add3A_1168 = arith.constant 0 : i32
        %add3A_1169 = arith.addi %add3A_1167, %add3A_1168 : i32
        %swap3A_1170 = arith.index_cast %add3A_1169 : i32 to index
        %swap3A_1171 = tpu.vector_load %arg9[%swap3A_1170] {strides = array<i32>} : memref<51200xf32, #tpu.memory_space<vmem>>, vector<16xf32>,
        tpu.vector_store %arg9[%swap3A_1170], %gather3A_1103 {strides = array<i32>} : memref<51200xf32, #tpu.memory_space<vmem>>, vector<16xf32>,
        %add3A_1172 = arith.constant 1920 : i32
        %add3A_1173 = arith.addi %mul3A_111, %add3A_1172 : i32
        %add3A_1174 = arith.constant 16 : i32
        %add3A_1175 = arith.addi %add3A_1173, %add3A_1174 : i32
        %swap3A_1176 = arith.index_cast %add3A_1175 : i32 to index
        %swap3A_1177 = tpu.vector_load %arg9[%swap3A_1176] {strides = array<i32>} : memref<51200xf32, #tpu.memory_space<vmem>>, vector<16xf32>,
        tpu.vector_store %arg9[%swap3A_1176], %gather3A_1111 {strides = array<i32>} : memref<51200xf32, #tpu.memory_space<vmem>>, vector<16xf32>,
        %add3A_1178 = arith.constant 1920 : i32
        %add3A_1179 = arith.addi %mul3A_111, %add3A_1178 : i32
        %add3A_1180 = arith.constant 32 : i32
        %add3A_1181 = arith.addi %add3A_1179, %add3A_1180 : i32
        %swap3A_1182 = arith.index_cast %add3A_1181 : i32 to index
        %swap3A_1183 = tpu.vector_load %arg9[%swap3A_1182] {strides = array<i32>} : memref<51200xf32, #tpu.memory_space<vmem>>, vector<16xf32>,
        tpu.vector_store %arg9[%swap3A_1182], %gather3A_1119 {strides = array<i32>} : memref<51200xf32, #tpu.memory_space<vmem>>, vector<16xf32>,
        %add3A_1184 = arith.constant 1920 : i32
        %add3A_1185 = arith.addi %mul3A_111, %add3A_1184 : i32
        %add3A_1186 = arith.constant 48 : i32
        %add3A_1187 = arith.addi %add3A_1185, %add3A_1186 : i32
        %swap3A_1188 = arith.index_cast %add3A_1187 : i32 to index
        %swap3A_1189 = tpu.vector_load %arg9[%swap3A_1188] {strides = array<i32>} : memref<51200xf32, #tpu.memory_space<vmem>>, vector<16xf32>,
        tpu.vector_store %arg9[%swap3A_1188], %gather3A_1127 {strides = array<i32>} : memref<51200xf32, #tpu.memory_space<vmem>>, vector<16xf32>,
        %add3A_1190 = arith.constant 1920 : i32
        %add3A_1191 = arith.addi %mul3A_111, %add3A_1190 : i32
        %add3A_1192 = arith.constant 64 : i32
        %add3A_1193 = arith.addi %add3A_1191, %add3A_1192 : i32
        %swap3A_1194 = arith.index_cast %add3A_1193 : i32 to index
        %swap3A_1195 = tpu.vector_load %arg9[%swap3A_1194] {strides = array<i32>} : memref<51200xf32, #tpu.memory_space<vmem>>, vector<16xf32>,
        tpu.vector_store %arg9[%swap3A_1194], %gather3A_1135 {strides = array<i32>} : memref<51200xf32, #tpu.memory_space<vmem>>, vector<16xf32>,
        %add3A_1196 = arith.constant 1920 : i32
        %add3A_1197 = arith.addi %mul3A_111, %add3A_1196 : i32
        %add3A_1198 = arith.constant 80 : i32
        %add3A_1199 = arith.addi %add3A_1197, %add3A_1198 : i32
        %swap3A_1200 = arith.index_cast %add3A_1199 : i32 to index
        %swap3A_1201 = tpu.vector_load %arg9[%swap3A_1200] {strides = array<i32>} : memref<51200xf32, #tpu.memory_space<vmem>>, vector<16xf32>,
        tpu.vector_store %arg9[%swap3A_1200], %gather3A_1143 {strides = array<i32>} : memref<51200xf32, #tpu.memory_space<vmem>>, vector<16xf32>,
        %add3A_1202 = arith.constant 1920 : i32
        %add3A_1203 = arith.addi %mul3A_111, %add3A_1202 : i32
        %add3A_1204 = arith.constant 96 : i32
        %add3A_1205 = arith.addi %add3A_1203, %add3A_1204 : i32
        %swap3A_1206 = arith.index_cast %add3A_1205 : i32 to index
        %swap3A_1207 = tpu.vector_load %arg9[%swap3A_1206] {strides = array<i32>} : memref<51200xf32, #tpu.memory_space<vmem>>, vector<16xf32>,
        tpu.vector_store %arg9[%swap3A_1206], %gather3A_1151 {strides = array<i32>} : memref<51200xf32, #tpu.memory_space<vmem>>, vector<16xf32>,
        %add3A_1208 = arith.constant 1920 : i32
        %add3A_1209 = arith.addi %mul3A_111, %add3A_1208 : i32
        %add3A_1210 = arith.constant 112 : i32
        %add3A_1211 = arith.addi %add3A_1209, %add3A_1210 : i32
        %swap3A_1212 = arith.index_cast %add3A_1211 : i32 to index
        %swap3A_1213 = tpu.vector_load %arg9[%swap3A_1212] {strides = array<i32>} : memref<51200xf32, #tpu.memory_space<vmem>>, vector<16xf32>,
        tpu.vector_store %arg9[%swap3A_1212], %gather3A_1159 {strides = array<i32>} : memref<51200xf32, #tpu.memory_space<vmem>>, vector<16xf32>,
      }
      %scan3A_95 = arith.constant 25 : i32
      %mul3A_96 = arith.constant 51200 : i32
      %mul3A_97 = arith.muli %add3A_79, %mul3A_96 : i32
      %add3A_98 = arith.addi %mul3A_4, %mul3A_97 : i32
      %dma_start3A_99 = tpu.memref_slice %arg4[%add3A_98] : memref<419430400xf32, #tpu.memory_space<hbm>> -> memref<51200xf32, #tpu.memory_space<hbm>>
      %dma_start3A_100 = tpu.memref_slice %arg4[%add3A_98] : memref<419430400xf32, #tpu.memory_space<hbm>> -> memref<51200xf32, #tpu.memory_space<hbm>>
      tpu.enqueue_dma source(%arg9 : memref<51200xf32, #tpu.memory_space<vmem>>) target(%dma_start3A_100 : memref<51200xf32, #tpu.memory_space<hbm>>) target_semaphore(%arg14 : memref<!tpu.dma_semaphore, #tpu.memory_space<semaphore_mem>>)
      %lt3A_101 = arith.constant 254 : i32
      %lt3A_102 = arith.cmpi slt, %add3A_79, %lt3A_101 : i32
      %convert_element_type3A_103 = arith.extui %lt3A_102 : i1 to i32
      %cond3A_104 = arith.constant 0 : i32
      %cond3A_105 = arith.cmpi ne, %convert_element_type3A_103, %cond3A_104 : i32
      scf.if %cond3A_105 {
        %add3A_106 = arith.constant 2 : i32
        %add3A_107 = arith.addi %add3A_79, %add3A_106 : i32
        %mul3A_108 = arith.constant 400 : i32
        %mul3A_109 = arith.muli %add3A_107, %mul3A_108 : i32
        %add3A_110 = arith.addi %mul3A_2, %mul3A_109 : i32
        %dma_start3A_111 = tpu.memref_slice %arg3[%add3A_110] : memref<3276800xi32, #tpu.memory_space<hbm>> -> memref<400xi32, #tpu.memory_space<hbm>>
        %dma_start3A_112 = tpu.memref_slice %arg3[%add3A_110] : memref<3276800xi32, #tpu.memory_space<hbm>> -> memref<400xi32, #tpu.memory_space<hbm>>
        tpu.enqueue_dma source(%dma_start3A_112 : memref<400xi32, #tpu.memory_space<hbm>>) target(%arg7 : memref<400xi32, #tpu.memory_space<vmem>>) target_semaphore(%arg12 : memref<!tpu.dma_semaphore, #tpu.memory_space<semaphore_mem>>)
      } else {
      }
    }
    %scan3A_39 = arith.constant 128 : i32
    %dma_wait3A = arith.constant 0 : i32
    %dma_wait3A_40 = tpu.memref_slice %arg8[%dma_wait3A] : memref<51200xf32, #tpu.memory_space<vmem>> -> memref<51200xf32, #tpu.memory_space<vmem>>
    %dma_wait3A_41 = tpu.memref_slice %arg4[%mul3A_4] : memref<419430400xf32, #tpu.memory_space<hbm>> -> memref<51200xf32, #tpu.memory_space<hbm>>
    %dma_wait3A_42 = tpu.memref_slice %arg4[%mul3A_4] : memref<419430400xf32, #tpu.memory_space<hbm>> -> memref<51200xf32, #tpu.memory_space<hbm>>
    %dma_wait3A_43 = arith.constant 0 : i32
    %dma_wait3A_44 = tpu.memref_slice %arg8[%dma_wait3A_43] : memref<51200xf32, #tpu.memory_space<vmem>> -> memref<51200xf32, #tpu.memory_space<vmem>>
    tpu.wait_dma2 semaphore(%arg13 : memref<!tpu.dma_semaphore, #tpu.memory_space<semaphore_mem>>) src(%dma_wait3A_44 : memref<51200xf32, #tpu.memory_space<vmem>>) dst(%dma_wait3A_42 : memref<51200xf32, #tpu.memory_space<hbm>>)
    %dma_wait3A_45 = arith.constant 0 : i32
    %dma_wait3A_46 = tpu.memref_slice %arg9[%dma_wait3A_45] : memref<51200xf32, #tpu.memory_space<vmem>> -> memref<51200xf32, #tpu.memory_space<vmem>>
    %dma_wait3A_47 = tpu.memref_slice %arg4[%mul3A_4] : memref<419430400xf32, #tpu.memory_space<hbm>> -> memref<51200xf32, #tpu.memory_space<hbm>>
    %dma_wait3A_48 = tpu.memref_slice %arg4[%mul3A_4] : memref<419430400xf32, #tpu.memory_space<hbm>> -> memref<51200xf32, #tpu.memory_space<hbm>>
    %dma_wait3A_49 = arith.constant 0 : i32
    %dma_wait3A_50 = tpu.memref_slice %arg9[%dma_wait3A_49] : memref<51200xf32, #tpu.memory_space<vmem>> -> memref<51200xf32, #tpu.memory_space<vmem>>
    tpu.wait_dma2 semaphore(%arg14 : memref<!tpu.dma_semaphore, #tpu.memory_space<semaphore_mem>>) src(%dma_wait3A_50 : memref<51200xf32, #tpu.memory_space<vmem>>) dst(%dma_wait3A_48 : memref<51200xf32, #tpu.memory_space<hbm>>)
    return
  }
}

module attributes {stable_mosaic.version = 14 : i64} {
  func.func @_table_body(%arg0: memref<8x64xf32, #tpu.memory_space<vmem>>, %arg1: memref<64x128xf32, #tpu.memory_space<vmem>>, %arg2: memref<1x128xf32, #tpu.memory_space<vmem>>, %arg3: memref<8x128xf32, #tpu.memory_space<vmem>>) attributes {dimension_semantics = [], scalar_prefetch = 0 : i64, scratch_operands = 0 : i64, tpu.core_type = #tpu.core_type<tc>} {
    %get3A = arith.constant 0 : index
    %get3A_0 = arith.constant 0 : index
    %get3A_1 = vector.load %arg0[%get3A, %get3A_0] : memref<8x64xf32, #tpu.memory_space<vmem>>, vector<8x64xf32>
    %get3A_2 = arith.constant 0 : index
    %get3A_3 = arith.constant 0 : index
    %get3A_4 = vector.load %arg1[%get3A_2, %get3A_3] : memref<64x128xf32, #tpu.memory_space<vmem>>, vector<64x128xf32>
    %dot_general3A = arith.constant dense<0.000000e+00> : vector<8x128xf32>
    %dot_general3A_5 = tpu.matmul %get3A_1, %get3A_4, %dot_general3A {dimension_numbers = #tpu.dot_dimension_numbers<[1], [0], [0], [1], [0, 0, 1, 1], [], []>, transpose_lhs_hint = false} : vector<8x64xf32>, vector<64x128xf32>, vector<8x128xf32> -> vector<8x128xf32>
    %get3A_6 = arith.constant 0 : index
    %get3A_7 = arith.constant 0 : index
    %get3A_8 = vector.load %arg2[%get3A_6, %get3A_7] : memref<1x128xf32, #tpu.memory_space<vmem>>, vector<1x128xf32>
    %add3A = vector.broadcast %get3A_8 : vector<1x128xf32> to vector<8x128xf32>
    %add3A_9 = arith.addf %dot_general3A_5, %add3A : vector<8x128xf32>
    %swap3A = arith.constant 0 : index
    %swap3A_10 = arith.constant 0 : index
    %swap3A_11 = vector.load %arg3[%swap3A, %swap3A_10] : memref<8x128xf32, #tpu.memory_space<vmem>>, vector<8x128xf32>
    tpu.vector_store %arg3[%swap3A, %swap3A_10], %add3A_9 {strides = array<i32>} : memref<8x128xf32, #tpu.memory_space<vmem>>, vector<8x128xf32>,
    return
  }
}

</mosaic_0001>

<sc_bundles>
// kernel: kernel.4.cloned.1.call-start
scs
__scs_entry_jumppad:
0x0: {  	(pc) =	sbr.rel $0x88, $3  }
0x1: {  	(tag) =	ssettag $0x0;
	lr =	simm.s32 $0x1  }
0x2: {  	[smem:$0x3F9D] =	sst lr;
	_ =	strace $0xD0000000  }
0x3: {  	_ = 	snop  }
0x4: {  	_ = 	snop  }
0x5: {  	_ = 	snop  }
0x6: {  	_ = 	snop  }
0x7: {  	_ = 	snop  }
__scs_overlays_trampoline_lowered:
0x8: {  	[smem:$0x3FAC] =	sst s0  }
0x9: {  	[smem:$0x3FAD] =	sst s1  }
0xa: {  	[smem:$0x3FAE] =	sst s2  }
0xb: {  	[smem:$0x3FAF] =	sst s3  }
0xc: {  	[smem:$0x3FB0] =	sst s4  }
0xd: {  	[smem:$0x3FB1] =	sst s5  }
0xe: {  	[smem:$0x3FB2] =	sst s6  }
0xf: {  	[smem:$0x3FB3] =	sst s7  }
0x10: {  	[smem:$0x3FB4] =	sst s8  }
0x11: {  	[smem:$0x3FB5] =	sst s9;
	s0 =	simm.s32 @!p0 $0x0  }
0x12: {  	s1 =	sld [smem:$0x3F9B];
	s0 =	simm.s32 @p0 $0x1  }
0x13: {  	[smem:$0x3FB6] =	sst s0;
	s0 =	simm.s32 @!p1 $0x0  }
0x14: {  	s2 =	sld [smem:$0x3F9A];
	s0 =	simm.s32 @p1 $0x1  }
0x15: {  	[smem:$0x3FB7] =	sst s0;
	s0 =	simm.s32 @!p2 $0x0  }
0x16: {  	s3 =	sld [smem:$0x3FDB];
	s0 =	simm.s32 @p2 $0x1  }
0x17: {  	s4 =	simm.s32 $0x1BF5;
	[smem:$0x3FB9] =	sst s0  }
0x18: {  	s0 =	sld [smem:$0x3F9C];
	_ =	swait.ge [sflag:s4], $0x0  }
0x19: {  	s7 =	sld [smem:$0x3F9D]  }
0x1a: {  	s8 =	sadd.s32 $0xFFFFE003, lr  }
0x1b: {  	s9 =	sadd.s32 $0xFFFFFEF7, lr;
	s5 =	simm.s32 $0xFFFFFFFF;
	p2 =	slt.u32 s8, $0xFFFFF086  }
0x1c: {  	p1 =	slt.u32 s9, $0xF7A;
	s5 =	simm.s32 @!p2 $0x0  }
0x1d: {  	s5 =	simm.s32 @p1 $0x1;
	p0 =	seq.s32 s7, s2  }
0x1e: {  	s7 =	smul.u32 @!p0 $0xF7A, s2;
	p2 =	seq.s32 @!p0 s5, $0x0  }
0x1f: {  	s9 =	smul.u32 $0xF7A, s1;
	s8 =	simm.s32 @!p0 $0x1BF5;
	p2 =	por !p2, p0  }
0x20: {  	[sflag:s8] =	ssyncset.s32 @!p0 $0xFFFFF086;
	s6 =	sadd.s32 @!p0 s3, s7;
	s7 =	simm.s32 @!p0 $0x108  }
0x21: {  	s3 =	sadd.s32 s3, s9;
	s6 =	sadd.s32 @!p0 $0x88, s6;
	s7 =	simm.s32 @p2 $0x1082  }
0x22: {  	[simem:s7], [sflag:s8] =	dma.local @!p0 [hbm:s6], $0xF7A  }
0x23: {  	s9 =	sor.u32 $0xD0000000, s2;
	s6 =	simm.s32 $0x108;
	_ =	swait.ge @!p0 [sflag:s8], $0x0  }
0x24: {  	s3 =	sadd.s32 $0x88, s3;
	s6 =	simm.s32 @!p1 $0x1082;
	[sflag:s4] =	ssyncset.s32 $0xFFFFF086  }
0x25: {  	[simem:s6], [sflag:s4] =	dma.local [hbm:s3], $0xF7A  }
0x26: {  	[smem:$0x3F9D] =	sst s1;
	(tag) =	ssettag s2;
	_ =	strace s9  }
0x27: {  	s1 =	sld [smem:$0x3FAD]  }
0x28: {  	s2 =	sld [smem:$0x3FAE]  }
0x29: {  	s4 =	sld [smem:$0x3FB0]  }
0x2a: {  	p0 =	seq.s32 s5, $0x0;
	s5 =	sld [smem:$0x3FB1]  }
0x2b: {  	s6 =	sld [smem:$0x3FB2]  }
0x2c: {  	s7 =	sld [smem:$0x3FB3]  }
0x2d: {  	s3 =	simm.s32 $0x108;
	s8 =	sld [smem:$0x3FB4]  }
0x2e: {  	s3 =	simm.s32 @!p0 $0x1082;
	s9 =	sld [smem:$0x3FB5]  }
0x2f: {  	lr =	sadd.s32 s0, s3;
	s0 =	sld [smem:$0x3FAC]  }
0x30: {  	s3 =	sld [smem:$0x3FAF]  }
0x31: {  	[smem:$0x3FB8] =	sst s10  }
0x32: {  	s10 =	sld [smem:$0x3FB6];
	_ =	sdelay $0x3  }
0x33: {  	p0 =	seq.s32 s10, $0x1;
	s10 =	sld [smem:$0x3FB8];
	_ =	sdelay $0x3  }
0x34: {  	[smem:$0x3FB8] =	sst s10  }
0x35: {  	s10 =	sld [smem:$0x3FB7];
	_ =	sdelay $0x3  }
0x36: {  	p1 =	seq.s32 s10, $0x1;
	s10 =	sld [smem:$0x3FB8];
	_ =	sdelay $0x3  }
0x37: {  	[smem:$0x3FB8] =	sst s10  }
0x38: {  	s10 =	sld [smem:$0x3FB9]  }
0x39: {  	_ = 	snop;
	(pc) =	sbr.ind lr, $3  }
0x3a: {  	_ = 	snop  }
0x3b: {  	_ = 	snop  }
0x3c: {  	p2 =	seq.s32 s10, $0x1;
	s10 =	sld [smem:$0x3FB8]  }
0x3d: {  	_ =	shalt  }
0x3e: {  	_ =	shalt  }
0x3f: {  	_ =	shalt  }
0x40: {  	_ =	shalt  }
0x41: {  	_ =	shalt  }
0x42: {  	_ =	shalt  }
0x43: {  	_ =	shalt  }
0x44: {  	_ =	shalt  }
0x45: {  	_ =	shalt  }
0x46: {  	_ =	shalt  }
0x47: {  	_ =	shalt  }
0x48: {  	_ =	shalt  }
0x49: {  	_ =	shalt  }
0x4a: {  	_ =	shalt  }
0x4b: {  	_ =	shalt  }
0x4c: {  	_ =	shalt  }
0x4d: {  	_ =	shalt  }
0x4e: {  	_ =	shalt  }
0x4f: {  	_ =	shalt  }
0x50: {  	_ =	shalt  }
0x51: {  	_ =	shalt  }
0x52: {  	_ =	shalt  }
0x53: {  	_ =	shalt  }
0x54: {  	_ =	shalt  }
0x55: {  	_ =	shalt  }
0x56: {  	_ =	shalt  }
0x57: {  	_ =	shalt  }
0x58: {  	_ =	shalt  }
0x59: {  	_ =	shalt  }
0x5a: {  	_ =	shalt  }
0x5b: {  	_ =	shalt  }
0x5c: {  	_ =	shalt  }
0x5d: {  	_ =	shalt  }
0x5e: {  	_ =	shalt  }
0x5f: {  	_ =	shalt  }
0x60: {  	_ =	shalt  }
0x61: {  	_ =	shalt  }
0x62: {  	_ =	shalt  }
0x63: {  	_ =	shalt  }
0x64: {  	_ =	shalt  }
0x65: {  	_ =	shalt  }
0x66: {  	_ =	shalt  }
0x67: {  	_ =	shalt  }
0x68: {  	_ =	shalt  }
0x69: {  	_ =	shalt  }
0x6a: {  	_ =	shalt  }
0x6b: {  	_ =	shalt  }
0x6c: {  	_ =	shalt  }
0x6d: {  	_ =	shalt  }
0x6e: {  	_ =	shalt  }
0x6f: {  	_ =	shalt  }
0x70: {  	_ =	shalt  }
0x71: {  	_ =	shalt  }
0x72: {  	_ =	shalt  }
0x73: {  	_ =	shalt  }
0x74: {  	_ =	shalt  }
0x75: {  	_ =	shalt  }
0x76: {  	_ =	shalt  }
0x77: {  	_ =	shalt  }
0x78: {  	_ =	shalt  }
0x79: {  	_ =	shalt  }
0x7a: {  	_ =	shalt  }
0x7b: {  	_ =	shalt  }
0x7c: {  	_ =	shalt  }
0x7d: {  	_ =	shalt  }
0x7e: {  	_ =	shalt  }
0x7f: {  	_ =	shalt  }
0x80: {  	_ =	shalt  }
0x81: {  	_ =	shalt  }
0x82: {  	_ =	shalt  }
0x83: {  	_ =	shalt  }
0x84: {  	_ =	shalt  }
0x85: {  	_ =	shalt  }
0x86: {  	_ =	shalt  }
0x87: {  	_ =	shalt  }
.Lfunc_end0:
.L_simem_size_0:
called_computation_lowered:
.L_overlay_start_0:
0x88: {  	s2 =	sld [smem:$0x3FD9]  }
0x89: {  	s3 =	sld [smem:$0x3FFE];
	_ =	sdelay $0x1  }
0x8a: {  	s1 =	srdreg.scid  }
0x8b: {  	s0 =	sand.u32 $0x1, s1  }
0x8c: {  	s17 =	sshll.u32 s0, $0xA;
	s2 =	sadd.s32 s3, s2  }
0x8d: {  	s2 =	sadd.s32 s2, s17  }
0x8e: {  	[smem:$0x3FC4] =	sst s2  }
0x8f: {  	_ = 	snop  }
0x90: {  	s2 =	sld [smem:$0x3FD0];
	(tm) =	ssettm $0x1  }
0x91: {  	s18 =	sld [smem:$0x3FFB];
	_ =	sdelay $0x3  }
0x92: {  	_ =	strace s18  }
0x93: {  	s3 =	sld [smem:$0x3FFC];
	_ =	sdelay $0x3  }
0x94: {  	_ =	strace s3  }
0x95: {  	s3 =	sld [smem:$0x3FFD];
	_ =	sdelay $0x3  }
0x96: {  	_ =	strace s3  }
0x97: {  	_ =	strace $0x8FFFFFFF  }
0x98: {  	s19 =	sld [smem:$0x3FDB];
	_ =	sdelay $0x1  }
0x99: {  	s4 =	simm.s32 $_scs_section_size  }
0x9a: {  	s5 =	simm.s32 $_size__tile_overlayer_lowered;
	s6 =	simm.s32 $_tile_overlayer_lowered  }
0x9b: {  	s22 =	simm.s32 $0x1BFF;
	s21 =	sshll.u32 s6, $0x1;
	s3 =	sadd.s32 s4, s19  }
0x9c: {  	s7 =	simm.s32 $0x0;
	s20 =	sshll.u32 s5, $0x1;
	s5 =	sadd.s32 s21, s3  }
0x9d: {  	[timem:s7], [sflag:s22] =	dma.local [hbm:s5], s20  }
0x9e: {  	_ =	swait.ge [sflag:s22], s20  }
0x9f: {  	s4 =	ssub.s32 $0x0, s20;
	[sflag:s22] =	ssyncset.done $0x0  }
0xa0: {  	[sflag:s22] =	ssyncadd.s32 s4;
	_ =	sdelay $0x1  }
0xa1: {  	s23 =	simm.s32 $0x1B8B  }
0xa2: {  	_ =	swait.ge [sflag:s23], $0x1  }
0xa3: {  	[sflag:s23] =	ssyncset.done $0x0  }
0xa4: {  	s25 =	simm.s32 $0x1B8E;
	s24 =	sld [smem:$0x3FFE];
	[sflag:s23] =	ssyncadd.s32 $0xFFFFFFFF  }
0xa5: {  	s26 =	simm.s32 $execute0_lowered;
	[smem:$0x3FD2] =	sst s25  }
0xa6: {  	s5 =	sshll.u32 s26, $0x1;
	_ =	strace $0x80000046;
	[dreg:$0x1] =	wrdreg $0xFFFFFFFF  }
0xa7: {  	s28 =	simm.s32 $_size_execute0_lowered;
	s3 =	sadd.s32 s3, s5;
	[dreg:$0x0] =	wrdreg $0x0  }
0xa8: {  	s5 =	sshll.u32 s28, $0x1;
	[dreg:$0x2] =	wrdreg s3  }
0xa9: {  	[dreg:$0x3] =	wrdreg s5  }
0xaa: {  	[dreg:$0x4] =	wrdreg $0xC0  }
0xab: {  	_ =	task [dreg:s7], $0x5FFFF  }
0xac: {  	[dreg:$0x1] =	wrdreg $0xFFFFFFFF  }
0xad: {  	[dreg:$0x0] =	wrdreg $0x60  }
0xae: {  	[dreg:$0x2] =	wrdreg s24  }
0xaf: {  	[dreg:$0x3] =	wrdreg s2  }
0xb0: {  	[dreg:$0x4] =	wrdreg $0x9  }
0xb1: {  	_ =	task.clear_ibuf [dreg:s7], $0x5FFFF;
	_ =	strace $0x90000046  }
0xb2: {  	s29 =	simm.s32 $0x9;
	_ =	strace $0x80000048  }
0xb3: {  	_ =	swait.ge [sflag:s29], $0x1  }
0xb4: {  	[sflag:s29] =	ssyncadd.s32 $0xFFFFFFFF  }
0xb5: {  	_ =	strace $0x90000048  }
0xb6: {  	_ =	sfence  }
0xb7: {  	s30 =	sld [smem:$0x0];
	_ =	sdelay $0x2  }
0xb8: {  	s31 =	sshll.u32 s1, $0xD;
	s1 =	sshrl.u32 s1, $0x2  }
0xb9: {  	s3 =	sand.u32 $0x4000, s31;
	s1 =	sadd.s32 s1, s30  }
0xba: {  	s0 =	sor.u32 s3, s0;
	s1 =	sshll.u32 s1, $0x11  }
0xbb: {  	s0 =	sor.u32 s1, s0  }
0xbc: {  	s0 =	sadd.s32 $0x8F2B, s0  }
0xbd: {  	[sflag:s0] =	ssyncadd.remote.s32 $0x1  }
0xbe: {  	_ =	sfence.sel $0xFFFF  }
0xbf: {  	[dreg:$0x0] =	wrdreg $0xFFFFFFFF;
	(pc) =	sbr.abs _section_cstart, $3  }
0xc0: {  	[dreg:$0x1] =	wrdreg $0xFFFFFFFF  }
0xc1: {  	_ =	task.clear_ibuf [dreg:s7], $0x2FFFF;
	_ =	strace $0x9FFFFFFF  }
0xc2: {  	(tm) =	ssettm $0x7FFFFFFF  }
0xc3: {  	_ =	shalt  }
tec
execute0_lowered:
.L_overlay_start_1:
0x0: {  	(tag) =	ssettag $0x1  }
0x1: {  	s6 =	rddreg [dreg:$0x0]  }
0x2: {  	s1 =	srdreg.scid;
	s0 =	stileid.u32  }
0x3: {  	s2 =	rddreg [dreg:$0x1];
	s3 =	simm.s32 $0x0;
	s13 =	simm.s32 $0x1  }
0x4: {  	s14 =	simm.s32 $0x400;
	s15 =	simm.s32 $0x600;
	s16 =	simm.s32 $0x2  }
0x5: {  	s17 =	simm.s32 $0x800;
	s18 =	simm.s32 $0x3;
	s19 =	simm.s32 $0x5  }
0x6: {  	s20 =	simm.s32 $0xD000;
	s5 =	sand.u32 $0x1, s1;
	s4 =	sshll.u32 s0, $0x1  }
0x7: {  	s21 =	simm.s32 $0x4;
	s1 =	rddreg [dreg:$0x2];
	s7 =	sor.u32 s5, s4  }
0x8: {  	s22 =	simm.s32 $0x0;
	[smem:$0x7FF] =	sst s3;
	s11 =	smul.u32 $0x19000, s7  }
.Ltmp0:
0x9: {  	_ =	strace $0x80000047;
	s8 =	ssub.s32 $0x2, s5;
	(pc) =	sbr.rel .LBB2_1-.Ltmp0, $4  }
0xa: {  	v0 =	vlaneseq.u32;
	s4 =	sadd.s32 $0xC00, s6;
	s9 =	sshrl.u32 s8, $0x1;
	s5 =	smul.u32 $0xC80000, s7  }
0xb: {  	v1 =	vor.u32 $0x10, v0;
	s6 =	sadd.s32 $0x64C00, s6;
	s12 =	ssub.s32 s8, s9;
	s31 =	sshrl.u32 s11, $0x3  }
0xc: {  	v2 =	vor.u32 $0x20, v0;
	v3 =	vor.u32 $0x30, v0;
	v4 =	vor.u32 $0x40, v0;
	s9 =	sor.u32 $0x320, s11;
	s10 =	sor.u32 $0xC800, s5;
	s7 =	sadd.s32 s4, s31  }
0xd: {  	v5 =	vor.u32 $0x50, v0;
	v6 =	vor.u32 $0x60, v0;
	v7 =	vor.u32 $0x70, v0;
	s11 =	sor.u32 $0x4B0, s11;
	s12 =	smax.u32 s12, $0x1;
	s8 =	sadd.s32 $0x32, s7  }
.LBB2_12:
0xe: {  	s22 =	sadd.s32 $0x1, s22  }
0xf: {  	_ =	swait.ge [sflag:s21], $0xC800;
	p0 =	sne.s32 s22, s12  }
.Ltmp1:
0x10: {  	[sflag:s21] =	ssyncset.done $0x0;
	(pc) =	sbr.rel @!p0 .LBB2_13-.Ltmp1, $4  }
0x11: {  	[sflag:s21] =	ssyncadd.s32 $0xFFFF3800  }
0x12: {  	_ =	swait.ge [sflag:s19], $0xC800  }
0x13: {  	[sflag:s19] =	ssyncset.done $0x0  }
0x14: {  	[sflag:s19] =	ssyncadd.s32 $0xFFFF3800  }
.LBB2_1:
0x15: {  	[tilespmem:s3], [sflag:$0x1] =	stream.linear.gather [hbm4b:s6+s3], $0x400, $0x38;
	[tilespmem:$0x19800] =	vst v63  }
0x16: {  	_ =	swait.ge [sflag:s13], $0x400  }
0x17: {  	[sflag:s13] =	ssyncset.done $0x0  }
0x18: {  	[sflag:s13] =	ssyncadd.s32 $0xFFFFFC00  }
0x19: {  	[tilespmem:s14], [sflag:$0x2] =	stream.linear.gather [hbm4b:s7+s3], $0x190, $0x38;
	[tilespmem:$0x19800] =	vst v63  }
0x1a: {  	s23 =	simm.s32 $0x0  }
0x1b: {  	[tilespmem:s15], [sflag:$0x3] =	stream.linear.gather [hbm4b:s8+s3], $0x190, $0x38;
	[tilespmem:$0x19800] =	vst v63  }
.LBB2_2:
0x1c: {  	_ =	swait.ge [sflag:s16], $0x190  }
0x1d: {  	p0 =	seq.s32 s23, $0x0;
	[sflag:s16] =	ssyncset.done $0x0  }
0x1e: {  	s24 =	simm.s32 @!p0 $0x4;
	[sflag:s16] =	ssyncadd.s32 $0xFFFFFE70  }
0x1f: {  	_ =	swait.ge @!p0 [sflag:s24], $0xC800  }
0x20: {  	[sflag:s24] =	ssyncset.done @!p0 $0x0  }
0x21: {  	s25 =	simm.s32 $0xC00;
	[sflag:s24] =	ssyncadd.s32 @!p0 $0xFFFF3800;
	s24 =	simm.s32 $0x0  }
.LBB2_3:
0x22: {  	v8 =	vmov s24  }
0x23: {  	v9 =	vor.u32 $0x1, v8  }
0x24: {  	v10 =	vor.u32 $0x2, v8  }
0x25: {  	v11 =	vor.u32 $0x3, v8  }
0x26: {  	v12 =	vor.u32 $0x4, v8  }
0x27: {  	v13 =	vor.u32 $0x5, v8;
	v19 =	vld.idx.msk [tilespmem:v8+s14+$0x0], $0xffff  }
0x28: {  	v54 =	vor.u32 $0x6, v8;
	v20 =	vld.idx.msk [tilespmem:v9+s14+$0x0], $0xffff  }
0x29: {  	v55 =	vor.u32 $0x7, v8;
	v21 =	vld.idx.msk [tilespmem:v10+s14+$0x0], $0xffff  }
0x2a: {  	v56 =	vor.u32 $0x8, v8;
	v22 =	vld.idx.msk [tilespmem:v11+s14+$0x0], $0xffff  }
0x2b: {  	v57 =	vor.u32 $0x9, v8;
	v23 =	vld.idx.msk [tilespmem:v12+s14+$0x0], $0xffff  }
0x2c: {  	v58 =	vor.u32 $0xA, v8;
	v18 =	vld.idx.msk [tilespmem:v13+s14+$0x0], $0xffff  }
0x2d: {  	v59 =	vor.u32 $0xB, v8;
	v17 =	vld.idx.msk [tilespmem:v54+s14+$0x0], $0xffff  }
0x2e: {  	v60 =	vor.u32 $0xC, v8;
	v16 =	vld.idx.msk [tilespmem:v55+s14+$0x0], $0xffff  }
0x2f: {  	v24 =	vor.u32 $0xD, v8;
	v15 =	vld.idx.msk [tilespmem:v56+s14+$0x0], $0xffff  }
0x30: {  	v25 =	vor.u32 $0xE, v8;
	v14 =	vld.idx.msk [tilespmem:v57+s14+$0x0], $0xffff  }
0x31: {  	v8 =	vor.u32 $0xF, v8;
	v13 =	vld.idx.msk [tilespmem:v58+s14+$0x0], $0xffff;
	v19 =	vshll.u32 v19, $0x7  }
0x32: {  	v12 =	vld.idx.msk [tilespmem:v59+s14+$0x0], $0xffff;
	v26 =	vor.u32 v0, v19  }
0x33: {  	v11 =	vld.idx.msk [tilespmem:v60+s14+$0x0], $0xffff;
	v27 =	vor.u32 v1, v19  }
0x34: {  	v10 =	vld.idx.msk [tilespmem:v24+s14+$0x0], $0xffff;
	v61 =	vor.u32 v2, v19  }
0x35: {  	v9 =	vld.idx.msk [tilespmem:v25+s14+$0x0], $0xffff;
	v62 =	vor.u32 v3, v19  }
0x36: {  	v8 =	vld.idx.msk [tilespmem:v8+s14+$0x0], $0xffff;
	v28 =	vor.u32 v4, v19  }
0x37: {  	v29 =	vor.u32 v5, v19;
	v26 =	vld.idx.msk [tilespmem:v26+s3+$0x0], $0xffff  }
0x38: {  	v30 =	vor.u32 v6, v19;
	v27 =	vld.idx.msk [tilespmem:v27+s3+$0x0], $0xffff  }
0x39: {  	v19 =	vor.u32 v7, v19;
	v20 =	vshll.u32 v20, $0x7;
	v24 =	vld.idx.msk [tilespmem:v61+s3+$0x0], $0xffff  }
0x3a: {  	v31 =	vor.u32 v0, v20;
	v25 =	vld.idx.msk [tilespmem:v62+s3+$0x0], $0xffff  }
0x3b: {  	v32 =	vor.u32 v1, v20;
	v28 =	vld.idx.msk [tilespmem:v28+s3+$0x0], $0xffff  }
0x3c: {  	v33 =	vor.u32 v2, v20;
	v29 =	vld.idx.msk [tilespmem:v29+s3+$0x0], $0xffff  }
0x3d: {  	v63 =	vor.u32 v3, v20;
	v30 =	vld.idx.msk [tilespmem:v30+s3+$0x0], $0xffff  }
0x3e: {  	v36 =	vor.u32 v4, v20;
	v19 =	vld.idx.msk [tilespmem:v19+s3+$0x0], $0xffff  }
0x3f: {  	v37 =	vor.u32 v5, v20;
	v31 =	vld.idx.msk [tilespmem:v31+s3+$0x0], $0xffff;
	[tilespmem:s25+$0xFFFFFC00] =	vst v26  }
0x40: {  	v38 =	vor.u32 v6, v20;
	v32 =	vld.idx.msk [tilespmem:v32+s3+$0x0], $0xffff;
	[tilespmem:s25+$0xFFFFFC10] =	vst v27  }
0x41: {  	v21 =	vshll.u32 v21, $0x7;
	v20 =	vor.u32 v7, v20;
	v33 =	vld.idx.msk [tilespmem:v33+s3+$0x0], $0xffff;
	[tilespmem:s25+$0xFFFFFC20] =	vst v24  }
0x42: {  	v39 =	vor.u32 v0, v21;
	v26 =	vld.idx.msk [tilespmem:v63+s3+$0x0], $0xffff;
	[tilespmem:s25+$0xFFFFFC30] =	vst v25  }
0x43: {  	v40 =	vor.u32 v1, v21;
	v27 =	vld.idx.msk [tilespmem:v36+s3+$0x0], $0xffff;
	[tilespmem:s25+$0xFFFFFC40] =	vst v28  }
0x44: {  	v41 =	vor.u32 v2, v21;
	v24 =	vld.idx.msk [tilespmem:v37+s3+$0x0], $0xffff;
	[tilespmem:s25+$0xFFFFFC50] =	vst v29  }
0x45: {  	v42 =	vor.u32 v3, v21;
	v25 =	vld.idx.msk [tilespmem:v38+s3+$0x0], $0xffff;
	[tilespmem:s25+$0xFFFFFC60] =	vst v30  }
0x46: {  	v43 =	vor.u32 v4, v21;
	v20 =	vld.idx.msk [tilespmem:v20+s3+$0x0], $0xffff;
	[tilespmem:s25+$0xFFFFFC70] =	vst v19  }
0x47: {  	v44 =	vor.u32 v5, v21;
	v28 =	vld.idx.msk [tilespmem:v39+s3+$0x0], $0xffff;
	[tilespmem:s25+$0xFFFFFC80] =	vst v31  }
0x48: {  	v45 =	vor.u32 v6, v21;
	v29 =	vld.idx.msk [tilespmem:v40+s3+$0x0], $0xffff;
	[tilespmem:s25+$0xFFFFFC90] =	vst v32  }
0x49: {  	v22 =	vshll.u32 v22, $0x7;
	v21 =	vor.u32 v7, v21;
	v19 =	vld.idx.msk [tilespmem:v41+s3+$0x0], $0xffff;
	[tilespmem:s25+$0xFFFFFCA0] =	vst v33  }
0x4a: {  	v46 =	vor.u32 v0, v22;
	v30 =	vld.idx.msk [tilespmem:v42+s3+$0x0], $0xffff;
	[tilespmem:s25+$0xFFFFFCB0] =	vst v26  }
0x4b: {  	v47 =	vor.u32 v1, v22;
	v31 =	vld.idx.msk [tilespmem:v43+s3+$0x0], $0xffff;
	[tilespmem:s25+$0xFFFFFCC0] =	vst v27  }
0x4c: {  	v48 =	vor.u32 v2, v22;
	v27 =	vld.idx.msk [tilespmem:v44+s3+$0x0], $0xffff;
	[tilespmem:s25+$0xFFFFFCD0] =	vst v24  }
0x4d: {  	v49 =	vor.u32 v3, v22;
	v26 =	vld.idx.msk [tilespmem:v45+s3+$0x0], $0xffff;
	[tilespmem:s25+$0xFFFFFCE0] =	vst v25  }
0x4e: {  	v50 =	vor.u32 v4, v22;
	v21 =	vld.idx.msk [tilespmem:v21+s3+$0x0], $0xffff;
	[tilespmem:s25+$0xFFFFFCF0] =	vst v20  }
0x4f: {  	v51 =	vor.u32 v5, v22;
	v24 =	vld.idx.msk [tilespmem:v46+s3+$0x0], $0xffff;
	[tilespmem:s25+$0xFFFFFD00] =	vst v28  }
0x50: {  	v52 =	vor.u32 v6, v22;
	v25 =	vld.idx.msk [tilespmem:v47+s3+$0x0], $0xffff;
	[tilespmem:s25+$0xFFFFFD10] =	vst v29  }
0x51: {  	v23 =	vshll.u32 v23, $0x7;
	v22 =	vor.u32 v7, v22;
	v20 =	vld.idx.msk [tilespmem:v48+s3+$0x0], $0xffff;
	[tilespmem:s25+$0xFFFFFD20] =	vst v19  }
0x52: {  	v53 =	vor.u32 v0, v23;
	v28 =	vld.idx.msk [tilespmem:v49+s3+$0x0], $0xffff;
	[tilespmem:s25+$0xFFFFFD30] =	vst v30  }
0x53: {  	v54 =	vor.u32 v1, v23;
	v29 =	vld.idx.msk [tilespmem:v50+s3+$0x0], $0xffff;
	[tilespmem:s25+$0xFFFFFD40] =	vst v31  }
0x54: {  	v55 =	vor.u32 v2, v23;
	v19 =	vld.idx.msk [tilespmem:v51+s3+$0x0], $0xffff;
	[tilespmem:s25+$0xFFFFFD50] =	vst v27  }
0x55: {  	v56 =	vor.u32 v3, v23;
	v30 =	vld.idx.msk [tilespmem:v52+s3+$0x0], $0xffff;
	[tilespmem:s25+$0xFFFFFD60] =	vst v26  }
0x56: {  	v57 =	vor.u32 v4, v23;
	v22 =	vld.idx.msk [tilespmem:v22+s3+$0x0], $0xffff;
	[tilespmem:s25+$0xFFFFFD70] =	vst v21  }
0x57: {  	v58 =	vor.u32 v5, v23;
	v27 =	vld.idx.msk [tilespmem:v53+s3+$0x0], $0xffff;
	[tilespmem:s25+$0xFFFFFD80] =	vst v24  }
0x58: {  	v59 =	vor.u32 v6, v23;
	v26 =	vld.idx.msk [tilespmem:v54+s3+$0x0], $0xffff;
	[tilespmem:s25+$0xFFFFFD90] =	vst v25  }
0x59: {  	v18 =	vshll.u32 v18, $0x7;
	v23 =	vor.u32 v7, v23;
	v21 =	vld.idx.msk [tilespmem:v55+s3+$0x0], $0xffff;
	[tilespmem:s25+$0xFFFFFDA0] =	vst v20  }
0x5a: {  	v60 =	vor.u32 v0, v18;
	v24 =	vld.idx.msk [tilespmem:v56+s3+$0x0], $0xffff;
	[tilespmem:s25+$0xFFFFFDB0] =	vst v28  }
0x5b: {  	v61 =	vor.u32 v1, v18;
	v25 =	vld.idx.msk [tilespmem:v57+s3+$0x0], $0xffff;
	[tilespmem:s25+$0xFFFFFDC0] =	vst v29  }
0x5c: {  	v62 =	vor.u32 v2, v18;
	v20 =	vld.idx.msk [tilespmem:v58+s3+$0x0], $0xffff;
	[tilespmem:s25+$0xFFFFFDD0] =	vst v19  }
0x5d: {  	v63 =	vor.u32 v3, v18;
	v28 =	vld.idx.msk [tilespmem:v59+s3+$0x0], $0xffff;
	[tilespmem:s25+$0xFFFFFDE0] =	vst v30  }
0x5e: {  	v30 =	vor.u32 v4, v18;
	v23 =	vld.idx.msk [tilespmem:v23+s3+$0x0], $0xffff;
	[tilespmem:s25+$0xFFFFFDF0] =	vst v22  }
0x5f: {  	v31 =	vor.u32 v5, v18;
	v19 =	vld.idx.msk [tilespmem:v60+s3+$0x0], $0xffff;
	[tilespmem:s25+$0xFFFFFE00] =	vst v27  }
0x60: {  	v32 =	vor.u32 v6, v18;
	v29 =	vld.idx.msk [tilespmem:v61+s3+$0x0], $0xffff;
	[tilespmem:s25+$0xFFFFFE10] =	vst v26  }
0x61: {  	v17 =	vshll.u32 v17, $0x7;
	v18 =	vor.u32 v7, v18;
	v22 =	vld.idx.msk [tilespmem:v62+s3+$0x0], $0xffff;
	[tilespmem:s25+$0xFFFFFE20] =	vst v21  }
0x62: {  	v33 =	vor.u32 v0, v17;
	v27 =	vld.idx.msk [tilespmem:v63+s3+$0x0], $0xffff;
	[tilespmem:s25+$0xFFFFFE30] =	vst v24  }
0x63: {  	v34 =	vor.u32 v1, v17;
	v26 =	vld.idx.msk [tilespmem:v30+s3+$0x0], $0xffff;
	[tilespmem:s25+$0xFFFFFE40] =	vst v25  }
0x64: {  	v35 =	vor.u32 v2, v17;
	v21 =	vld.idx.msk [tilespmem:v31+s3+$0x0], $0xffff;
	[tilespmem:s25+$0xFFFFFE50] =	vst v20  }
0x65: {  	v36 =	vor.u32 v3, v17;
	v24 =	vld.idx.msk [tilespmem:v32+s3+$0x0], $0xffff;
	[tilespmem:s25+$0xFFFFFE60] =	vst v28  }
0x66: {  	v37 =	vor.u32 v4, v17;
	v18 =	vld.idx.msk [tilespmem:v18+s3+$0x0], $0xffff;
	[tilespmem:s25+$0xFFFFFE70] =	vst v23  }
0x67: {  	v38 =	vor.u32 v5, v17;
	v20 =	vld.idx.msk [tilespmem:v33+s3+$0x0], $0xffff;
	[tilespmem:s25+$0xFFFFFE80] =	vst v19  }
0x68: {  	v39 =	vor.u32 v6, v17;
	v25 =	vld.idx.msk [tilespmem:v34+s3+$0x0], $0xffff;
	[tilespmem:s25+$0xFFFFFE90] =	vst v29  }
0x69: {  	v16 =	vshll.u32 v16, $0x7;
	v17 =	vor.u32 v7, v17;
	v23 =	vld.idx.msk [tilespmem:v35+s3+$0x0], $0xffff;
	[tilespmem:s25+$0xFFFFFEA0] =	vst v22  }
0x6a: {  	v40 =	vor.u32 v0, v16;
	v19 =	vld.idx.msk [tilespmem:v36+s3+$0x0], $0xffff;
	[tilespmem:s25+$0xFFFFFEB0] =	vst v27  }
0x6b: {  	v41 =	vor.u32 v1, v16;
	v28 =	vld.idx.msk [tilespmem:v37+s3+$0x0], $0xffff;
	[tilespmem:s25+$0xFFFFFEC0] =	vst v26  }
0x6c: {  	v42 =	vor.u32 v2, v16;
	v22 =	vld.idx.msk [tilespmem:v38+s3+$0x0], $0xffff;
	[tilespmem:s25+$0xFFFFFED0] =	vst v21  }
0x6d: {  	v43 =	vor.u32 v3, v16;
	v26 =	vld.idx.msk [tilespmem:v39+s3+$0x0], $0xffff;
	[tilespmem:s25+$0xFFFFFEE0] =	vst v24  }
0x6e: {  	v44 =	vor.u32 v4, v16;
	v17 =	vld.idx.msk [tilespmem:v17+s3+$0x0], $0xffff;
	[tilespmem:s25+$0xFFFFFEF0] =	vst v18  }
0x6f: {  	v45 =	vor.u32 v5, v16;
	v21 =	vld.idx.msk [tilespmem:v40+s3+$0x0], $0xffff;
	[tilespmem:s25+$0xFFFFFF00] =	vst v20  }
0x70: {  	v46 =	vor.u32 v6, v16;
	v24 =	vld.idx.msk [tilespmem:v41+s3+$0x0], $0xffff;
	[tilespmem:s25+$0xFFFFFF10] =	vst v25  }
0x71: {  	v15 =	vshll.u32 v15, $0x7;
	v16 =	vor.u32 v7, v16;
	v18 =	vld.idx.msk [tilespmem:v42+s3+$0x0], $0xffff;
	[tilespmem:s25+$0xFFFFFF20] =	vst v23  }
0x72: {  	v47 =	vor.u32 v0, v15;
	v20 =	vld.idx.msk [tilespmem:v43+s3+$0x0], $0xffff;
	[tilespmem:s25+$0xFFFFFF30] =	vst v19  }
0x73: {  	v48 =	vor.u32 v1, v15;
	v25 =	vld.idx.msk [tilespmem:v44+s3+$0x0], $0xffff;
	[tilespmem:s25+$0xFFFFFF40] =	vst v28  }
0x74: {  	v49 =	vor.u32 v2, v15;
	v23 =	vld.idx.msk [tilespmem:v45+s3+$0x0], $0xffff;
	[tilespmem:s25+$0xFFFFFF50] =	vst v22  }
0x75: {  	v50 =	vor.u32 v3, v15;
	v19 =	vld.idx.msk [tilespmem:v46+s3+$0x0], $0xffff;
	[tilespmem:s25+$0xFFFFFF60] =	vst v26  }
0x76: {  	v51 =	vor.u32 v4, v15;
	v16 =	vld.idx.msk [tilespmem:v16+s3+$0x0], $0xffff;
	[tilespmem:s25+$0xFFFFFF70] =	vst v17  }
0x77: {  	v52 =	vor.u32 v5, v15;
	v22 =	vld.idx.msk [tilespmem:v47+s3+$0x0], $0xffff;
	[tilespmem:s25+$0xFFFFFF80] =	vst v21  }
0x78: {  	v53 =	vor.u32 v6, v15;
	v26 =	vld.idx.msk [tilespmem:v48+s3+$0x0], $0xffff;
	[tilespmem:s25+$0xFFFFFF90] =	vst v24  }
0x79: {  	v14 =	vshll.u32 v14, $0x7;
	v15 =	vor.u32 v7, v15;
	v17 =	vld.idx.msk [tilespmem:v49+s3+$0x0], $0xffff;
	[tilespmem:s25+$0xFFFFFFA0] =	vst v18  }
0x7a: {  	v54 =	vor.u32 v0, v14;
	v21 =	vld.idx.msk [tilespmem:v50+s3+$0x0], $0xffff;
	[tilespmem:s25+$0xFFFFFFB0] =	vst v20  }
0x7b: {  	v55 =	vor.u32 v1, v14;
	v24 =	vld.idx.msk [tilespmem:v51+s3+$0x0], $0xffff;
	[tilespmem:s25+$0xFFFFFFC0] =	vst v25  }
0x7c: {  	v56 =	vor.u32 v2, v14;
	v18 =	vld.idx.msk [tilespmem:v52+s3+$0x0], $0xffff;
	[tilespmem:s25+$0xFFFFFFD0] =	vst v23  }
0x7d: {  	v57 =	vor.u32 v3, v14;
	v20 =	vld.idx.msk [tilespmem:v53+s3+$0x0], $0xffff;
	[tilespmem:s25+$0xFFFFFFE0] =	vst v19  }
0x7e: {  	v58 =	vor.u32 v4, v14;
	v15 =	vld.idx.msk [tilespmem:v15+s3+$0x0], $0xffff;
	[tilespmem:s25+$0xFFFFFFF0] =	vst v16  }
0x7f: {  	v59 =	vor.u32 v5, v14;
	v23 =	vld.idx.msk [tilespmem:v54+s3+$0x0], $0xffff;
	[tilespmem:s25+$0x0] =	vst v22  }
0x80: {  	v60 =	vor.u32 v6, v14;
	v19 =	vld.idx.msk [tilespmem:v55+s3+$0x0], $0xffff;
	[tilespmem:s25+$0x10] =	vst v26  }
0x81: {  	v13 =	vshll.u32 v13, $0x7;
	v14 =	vor.u32 v7, v14;
	v16 =	vld.idx.msk [tilespmem:v56+s3+$0x0], $0xffff;
	[tilespmem:s25+$0x20] =	vst v17  }
0x82: {  	v61 =	vor.u32 v0, v13;
	v22 =	vld.idx.msk [tilespmem:v57+s3+$0x0], $0xffff;
	[tilespmem:s25+$0x30] =	vst v21  }
0x83: {  	v62 =	vor.u32 v1, v13;
	v25 =	vld.idx.msk [tilespmem:v58+s3+$0x0], $0xffff;
	[tilespmem:s25+$0x40] =	vst v24  }
0x84: {  	v63 =	vor.u32 v2, v13;
	v17 =	vld.idx.msk [tilespmem:v59+s3+$0x0], $0xffff;
	[tilespmem:s25+$0x50] =	vst v18  }
0x85: {  	v24 =	vor.u32 v3, v13;
	v21 =	vld.idx.msk [tilespmem:v60+s3+$0x0], $0xffff;
	[tilespmem:s25+$0x60] =	vst v20  }
0x86: {  	v26 =	vor.u32 v4, v13;
	v14 =	vld.idx.msk [tilespmem:v14+s3+$0x0], $0xffff;
	[tilespmem:s25+$0x70] =	vst v15  }
0x87: {  	v27 =	vor.u32 v5, v13;
	v18 =	vld.idx.msk [tilespmem:v61+s3+$0x0], $0xffff;
	[tilespmem:s25+$0x80] =	vst v23  }
0x88: {  	v28 =	vor.u32 v6, v13;
	v20 =	vld.idx.msk [tilespmem:v62+s3+$0x0], $0xffff;
	[tilespmem:s25+$0x90] =	vst v19  }
0x89: {  	v12 =	vshll.u32 v12, $0x7;
	v13 =	vor.u32 v7, v13;
	v15 =	vld.idx.msk [tilespmem:v63+s3+$0x0], $0xffff;
	[tilespmem:s25+$0xA0] =	vst v16  }
0x8a: {  	v29 =	vor.u32 v0, v12;
	v23 =	vld.idx.msk [tilespmem:v24+s3+$0x0], $0xffff;
	[tilespmem:s25+$0xB0] =	vst v22  }
0x8b: {  	v30 =	vor.u32 v1, v12;
	v19 =	vld.idx.msk [tilespmem:v26+s3+$0x0], $0xffff;
	[tilespmem:s25+$0xC0] =	vst v25  }
0x8c: {  	v31 =	vor.u32 v2, v12;
	v16 =	vld.idx.msk [tilespmem:v27+s3+$0x0], $0xffff;
	[tilespmem:s25+$0xD0] =	vst v17  }
0x8d: {  	v32 =	vor.u32 v3, v12;
	v22 =	vld.idx.msk [tilespmem:v28+s3+$0x0], $0xffff;
	[tilespmem:s25+$0xE0] =	vst v21  }
0x8e: {  	v33 =	vor.u32 v4, v12;
	v13 =	vld.idx.msk [tilespmem:v13+s3+$0x0], $0xffff;
	[tilespmem:s25+$0xF0] =	vst v14  }
0x8f: {  	v34 =	vor.u32 v5, v12;
	v17 =	vld.idx.msk [tilespmem:v29+s3+$0x0], $0xffff;
	[tilespmem:s25+$0x100] =	vst v18  }
0x90: {  	v35 =	vor.u32 v6, v12;
	v21 =	vld.idx.msk [tilespmem:v30+s3+$0x0], $0xffff;
	[tilespmem:s25+$0x110] =	vst v20  }
0x91: {  	v11 =	vshll.u32 v11, $0x7;
	v12 =	vor.u32 v7, v12;
	v14 =	vld.idx.msk [tilespmem:v31+s3+$0x0], $0xffff;
	[tilespmem:s25+$0x120] =	vst v15  }
0x92: {  	v36 =	vor.u32 v0, v11;
	v18 =	vld.idx.msk [tilespmem:v32+s3+$0x0], $0xffff;
	[tilespmem:s25+$0x130] =	vst v23  }
0x93: {  	v37 =	vor.u32 v1, v11;
	v20 =	vld.idx.msk [tilespmem:v33+s3+$0x0], $0xffff;
	[tilespmem:s25+$0x140] =	vst v19  }
0x94: {  	v38 =	vor.u32 v2, v11;
	v15 =	vld.idx.msk [tilespmem:v34+s3+$0x0], $0xffff;
	[tilespmem:s25+$0x150] =	vst v16  }
0x95: {  	v39 =	vor.u32 v3, v11;
	v19 =	vld.idx.msk [tilespmem:v35+s3+$0x0], $0xffff;
	[tilespmem:s25+$0x160] =	vst v22  }
0x96: {  	v40 =	vor.u32 v4, v11;
	v12 =	vld.idx.msk [tilespmem:v12+s3+$0x0], $0xffff;
	[tilespmem:s25+$0x170] =	vst v13  }
0x97: {  	v41 =	vor.u32 v5, v11;
	v16 =	vld.idx.msk [tilespmem:v36+s3+$0x0], $0xffff;
	[tilespmem:s25+$0x180] =	vst v17  }
0x98: {  	v42 =	vor.u32 v6, v11;
	v22 =	vld.idx.msk [tilespmem:v37+s3+$0x0], $0xffff;
	[tilespmem:s25+$0x190] =	vst v21  }
0x99: {  	v10 =	vshll.u32 v10, $0x7;
	v11 =	vor.u32 v7, v11;
	v13 =	vld.idx.msk [tilespmem:v38+s3+$0x0], $0xffff;
	[tilespmem:s25+$0x1A0] =	vst v14  }
0x9a: {  	v43 =	vor.u32 v0, v10;
	v17 =	vld.idx.msk [tilespmem:v39+s3+$0x0], $0xffff;
	[tilespmem:s25+$0x1B0] =	vst v18  }
0x9b: {  	v44 =	vor.u32 v1, v10;
	v21 =	vld.idx.msk [tilespmem:v40+s3+$0x0], $0xffff;
	[tilespmem:s25+$0x1C0] =	vst v20  }
0x9c: {  	v45 =	vor.u32 v2, v10;
	v14 =	vld.idx.msk [tilespmem:v41+s3+$0x0], $0xffff;
	[tilespmem:s25+$0x1D0] =	vst v15  }
0x9d: {  	v46 =	vor.u32 v3, v10;
	v18 =	vld.idx.msk [tilespmem:v42+s3+$0x0], $0xffff;
	[tilespmem:s25+$0x1E0] =	vst v19  }
0x9e: {  	v47 =	vor.u32 v4, v10;
	v11 =	vld.idx.msk [tilespmem:v11+s3+$0x0], $0xffff;
	[tilespmem:s25+$0x1F0] =	vst v12  }
0x9f: {  	v48 =	vor.u32 v5, v10;
	v15 =	vld.idx.msk [tilespmem:v43+s3+$0x0], $0xffff;
	[tilespmem:s25+$0x200] =	vst v16  }
0xa0: {  	v49 =	vor.u32 v6, v10;
	v19 =	vld.idx.msk [tilespmem:v44+s3+$0x0], $0xffff;
	[tilespmem:s25+$0x210] =	vst v22  }
0xa1: {  	v9 =	vshll.u32 v9, $0x7;
	v10 =	vor.u32 v7, v10;
	v12 =	vld.idx.msk [tilespmem:v45+s3+$0x0], $0xffff;
	[tilespmem:s25+$0x220] =	vst v13  }
0xa2: {  	v50 =	vor.u32 v0, v9;
	v16 =	vld.idx.msk [tilespmem:v46+s3+$0x0], $0xffff;
	[tilespmem:s25+$0x230] =	vst v17  }
0xa3: {  	v51 =	vor.u32 v1, v9;
	v20 =	vld.idx.msk [tilespmem:v47+s3+$0x0], $0xffff;
	[tilespmem:s25+$0x240] =	vst v21  }
0xa4: {  	v52 =	vor.u32 v2, v9;
	v13 =	vld.idx.msk [tilespmem:v48+s3+$0x0], $0xffff;
	[tilespmem:s25+$0x250] =	vst v14  }
0xa5: {  	v53 =	vor.u32 v3, v9;
	v17 =	vld.idx.msk [tilespmem:v49+s3+$0x0], $0xffff;
	[tilespmem:s25+$0x260] =	vst v18  }
0xa6: {  	v54 =	vor.u32 v4, v9;
	v10 =	vld.idx.msk [tilespmem:v10+s3+$0x0], $0xffff;
	[tilespmem:s25+$0x270] =	vst v11  }
0xa7: {  	v55 =	vor.u32 v5, v9;
	v14 =	vld.idx.msk [tilespmem:v50+s3+$0x0], $0xffff;
	[tilespmem:s25+$0x280] =	vst v15  }
0xa8: {  	v56 =	vor.u32 v6, v9;
	v18 =	vld.idx.msk [tilespmem:v51+s3+$0x0], $0xffff;
	[tilespmem:s25+$0x290] =	vst v19  }
0xa9: {  	v8 =	vshll.u32 v8, $0x7;
	v9 =	vor.u32 v7, v9;
	v11 =	vld.idx.msk [tilespmem:v52+s3+$0x0], $0xffff;
	[tilespmem:s25+$0x2A0] =	vst v12  }
0xaa: {  	v57 =	vor.u32 v0, v8;
	v15 =	vld.idx.msk [tilespmem:v53+s3+$0x0], $0xffff;
	[tilespmem:s25+$0x2B0] =	vst v16  }
0xab: {  	v58 =	vor.u32 v1, v8;
	v19 =	vld.idx.msk [tilespmem:v54+s3+$0x0], $0xffff;
	[tilespmem:s25+$0x2C0] =	vst v20  }
0xac: {  	v59 =	vor.u32 v2, v8;
	v12 =	vld.idx.msk [tilespmem:v55+s3+$0x0], $0xffff;
	[tilespmem:s25+$0x2D0] =	vst v13  }
0xad: {  	v60 =	vor.u32 v3, v8;
	v16 =	vld.idx.msk [tilespmem:v56+s3+$0x0], $0xffff;
	[tilespmem:s25+$0x2E0] =	vst v17  }
0xae: {  	v61 =	vor.u32 v4, v8;
	v9 =	vld.idx.msk [tilespmem:v9+s3+$0x0], $0xffff;
	[tilespmem:s25+$0x2F0] =	vst v10  }
0xaf: {  	v62 =	vor.u32 v5, v8;
	v13 =	vld.idx.msk [tilespmem:v57+s3+$0x0], $0xffff;
	[tilespmem:s25+$0x300] =	vst v14  }
0xb0: {  	v63 =	vor.u32 v6, v8;
	v17 =	vld.idx.msk [tilespmem:v58+s3+$0x0], $0xffff;
	[tilespmem:s25+$0x310] =	vst v18  }
0xb1: {  	v8 =	vor.u32 v7, v8;
	v10 =	vld.idx.msk [tilespmem:v59+s3+$0x0], $0xffff;
	[tilespmem:s25+$0x320] =	vst v11  }
0xb2: {  	v14 =	vld.idx.msk [tilespmem:v60+s3+$0x0], $0xffff;
	[tilespmem:s25+$0x330] =	vst v15  }
0xb3: {  	v18 =	vld.idx.msk [tilespmem:v61+s3+$0x0], $0xffff;
	[tilespmem:s25+$0x340] =	vst v19  }
0xb4: {  	v11 =	vld.idx.msk [tilespmem:v62+s3+$0x0], $0xffff;
	[tilespmem:s25+$0x350] =	vst v12  }
0xb5: {  	v12 =	vld.idx.msk [tilespmem:v63+s3+$0x0], $0xffff;
	[tilespmem:s25+$0x360] =	vst v16  }
0xb6: {  	v8 =	vld.idx.msk [tilespmem:v8+s3+$0x0], $0xffff;
	[tilespmem:s25+$0x370] =	vst v9  }
0xb7: {  	[tilespmem:s25+$0x380] =	vst v13  }
0xb8: {  	[tilespmem:s25+$0x390] =	vst v17  }
0xb9: {  	p1 =	sne.s32 s24, $0x180;
	[tilespmem:s25+$0x3A0] =	vst v10  }
.Ltmp2:
0xba: {  	[tilespmem:s25+$0x3B0] =	vst v14;
	(pc) =	sbr.rel @p1 .LBB2_3-.Ltmp2, $4  }
0xbb: {  	[tilespmem:s25+$0x3C0] =	vst v18  }
0xbc: {  	[tilespmem:s25+$0x3D0] =	vst v11  }
0xbd: {  	[tilespmem:s25+$0x3E0] =	vst v12  }
0xbe: {  	s24 =	sadd.s32 $0x10, s24;
	[tilespmem:s25+$0x3F0] =	vst v8;
	s25 =	sadd.s32 $0x800, s25  }
0xbf: {  	s24 =	smul.u32 $0x19000, s23;
	p1 =	sne.s32 s23, $0x7F  }
.Ltmp3:
0xc0: {  	_ = 	snop;
	(pc) =	sbr.rel @p1 .LBB2_6-.Ltmp3, $4  }
0xc1: {  	s25 =	sadd.s32 s5, s24  }
0xc2: {  	s25 =	sshrl.u32 s25, $0x3  }
0xc3: {  	s25 =	sadd.s32 s2, s25  }
0xc4: {  	[hbm4b:s25+s3] =	stream.linear.scatter [tilespmem:s17], [sflag:$0x4], $0xC800, $0x38;
	[tilespmem:$0x19800] =	vst v63  }
.Ltmp4:
0xc5: {  	(pc) =	sbr.rel .LBB2_7-.Ltmp4, $4  }
0xc6: {  	_ = 	snop  }
0xc7: {  	_ =	swait.ge [sflag:s18], $0x190  }
0xc8: {  	[sflag:s18] =	ssyncset.done $0x0  }
0xc9: {  	[sflag:s18] =	ssyncadd.s32 $0xFFFFFE70  }
.LBB2_6:
0xca: {  	s25 =	smul.u32 $0x320, s23;
	_ =	sdelay $0x1  }
0xcb: {  	s25 =	sadd.s32 s25, s9  }
0xcc: {  	s25 =	sshrl.u32 s25, $0x3  }
.Ltmp5:
0xcd: {  	s25 =	sadd.s32 s4, s25;
	(pc) =	sbr.rel @p0 .LBB2_8-.Ltmp5, $4  }
0xce: {  	[tilespmem:s14], [sflag:$0x2] =	stream.linear.gather [hbm4b:s25+s3], $0x190, $0x38;
	[tilespmem:$0x19800] =	vst v63  }
0xcf: {  	_ =	swait.ge [sflag:s18], $0x190  }
0xd0: {  	[sflag:s18] =	ssyncset.done $0x0  }
0xd1: {  	[sflag:s18] =	ssyncadd.s32 $0xFFFFFE70  }
.LBB2_7:
0xd2: {  	_ =	swait.ge [sflag:s19], $0xC800  }
0xd3: {  	[sflag:s19] =	ssyncset.done $0x0  }
0xd4: {  	[sflag:s19] =	ssyncadd.s32 $0xFFFF3800  }
.LBB2_8:
0xd5: {  	s25 =	simm.s32 $0x0;
	s26 =	simm.s32 $0xD400  }
.LBB2_9:
0xd6: {  	v8 =	vmov s25  }
0xd7: {  	v9 =	vor.u32 $0x1, v8  }
0xd8: {  	v10 =	vor.u32 $0x2, v8  }
0xd9: {  	v11 =	vor.u32 $0x3, v8  }
0xda: {  	v12 =	vor.u32 $0x4, v8  }
0xdb: {  	v13 =	vor.u32 $0x5, v8;
	v19 =	vld.idx.msk [tilespmem:v8+s15+$0x0], $0xffff  }
0xdc: {  	v54 =	vor.u32 $0x6, v8;
	v20 =	vld.idx.msk [tilespmem:v9+s15+$0x0], $0xffff  }
0xdd: {  	v55 =	vor.u32 $0x7, v8;
	v21 =	vld.idx.msk [tilespmem:v10+s15+$0x0], $0xffff  }
0xde: {  	v56 =	vor.u32 $0x8, v8;
	v22 =	vld.idx.msk [tilespmem:v11+s15+$0x0], $0xffff  }
0xdf: {  	v57 =	vor.u32 $0x9, v8;
	v23 =	vld.idx.msk [tilespmem:v12+s15+$0x0], $0xffff  }
0xe0: {  	v58 =	vor.u32 $0xA, v8;
	v18 =	vld.idx.msk [tilespmem:v13+s15+$0x0], $0xffff  }
0xe1: {  	v59 =	vor.u32 $0xB, v8;
	v17 =	vld.idx.msk [tilespmem:v54+s15+$0x0], $0xffff  }
0xe2: {  	v60 =	vor.u32 $0xC, v8;
	v16 =	vld.idx.msk [tilespmem:v55+s15+$0x0], $0xffff  }
0xe3: {  	v24 =	vor.u32 $0xD, v8;
	v15 =	vld.idx.msk [tilespmem:v56+s15+$0x0], $0xffff  }
0xe4: {  	v25 =	vor.u32 $0xE, v8;
	v14 =	vld.idx.msk [tilespmem:v57+s15+$0x0], $0xffff  }
0xe5: {  	v8 =	vor.u32 $0xF, v8;
	v13 =	vld.idx.msk [tilespmem:v58+s15+$0x0], $0xffff;
	v19 =	vshll.u32 v19, $0x7  }
0xe6: {  	v12 =	vld.idx.msk [tilespmem:v59+s15+$0x0], $0xffff;
	v26 =	vor.u32 v0, v19  }
0xe7: {  	v11 =	vld.idx.msk [tilespmem:v60+s15+$0x0], $0xffff;
	v27 =	vor.u32 v1, v19  }
0xe8: {  	v10 =	vld.idx.msk [tilespmem:v24+s15+$0x0], $0xffff;
	v61 =	vor.u32 v2, v19  }
0xe9: {  	v9 =	vld.idx.msk [tilespmem:v25+s15+$0x0], $0xffff;
	v62 =	vor.u32 v3, v19  }
0xea: {  	v8 =	vld.idx.msk [tilespmem:v8+s15+$0x0], $0xffff;
	v28 =	vor.u32 v4, v19  }
0xeb: {  	v29 =	vor.u32 v5, v19;
	v26 =	vld.idx.msk [tilespmem:v26+s3+$0x0], $0xffff  }
0xec: {  	v30 =	vor.u32 v6, v19;
	v27 =	vld.idx.msk [tilespmem:v27+s3+$0x0], $0xffff  }
0xed: {  	v19 =	vor.u32 v7, v19;
	v20 =	vshll.u32 v20, $0x7;
	v24 =	vld.idx.msk [tilespmem:v61+s3+$0x0], $0xffff  }
0xee: {  	v31 =	vor.u32 v0, v20;
	v25 =	vld.idx.msk [tilespmem:v62+s3+$0x0], $0xffff  }
0xef: {  	v32 =	vor.u32 v1, v20;
	v28 =	vld.idx.msk [tilespmem:v28+s3+$0x0], $0xffff  }
0xf0: {  	v33 =	vor.u32 v2, v20;
	v29 =	vld.idx.msk [tilespmem:v29+s3+$0x0], $0xffff  }
0xf1: {  	v63 =	vor.u32 v3, v20;
	v30 =	vld.idx.msk [tilespmem:v30+s3+$0x0], $0xffff  }
0xf2: {  	v36 =	vor.u32 v4, v20;
	v19 =	vld.idx.msk [tilespmem:v19+s3+$0x0], $0xffff  }
0xf3: {  	v37 =	vor.u32 v5, v20;
	v31 =	vld.idx.msk [tilespmem:v31+s3+$0x0], $0xffff;
	[tilespmem:s26+$0xFFFFFC00] =	vst v26  }
0xf4: {  	v38 =	vor.u32 v6, v20;
	v32 =	vld.idx.msk [tilespmem:v32+s3+$0x0], $0xffff;
	[tilespmem:s26+$0xFFFFFC10] =	vst v27  }
0xf5: {  	v21 =	vshll.u32 v21, $0x7;
	v20 =	vor.u32 v7, v20;
	v33 =	vld.idx.msk [tilespmem:v33+s3+$0x0], $0xffff;
	[tilespmem:s26+$0xFFFFFC20] =	vst v24  }
0xf6: {  	v39 =	vor.u32 v0, v21;
	v26 =	vld.idx.msk [tilespmem:v63+s3+$0x0], $0xffff;
	[tilespmem:s26+$0xFFFFFC30] =	vst v25  }
0xf7: {  	v40 =	vor.u32 v1, v21;
	v27 =	vld.idx.msk [tilespmem:v36+s3+$0x0], $0xffff;
	[tilespmem:s26+$0xFFFFFC40] =	vst v28  }
0xf8: {  	v41 =	vor.u32 v2, v21;
	v24 =	vld.idx.msk [tilespmem:v37+s3+$0x0], $0xffff;
	[tilespmem:s26+$0xFFFFFC50] =	vst v29  }
0xf9: {  	v42 =	vor.u32 v3, v21;
	v25 =	vld.idx.msk [tilespmem:v38+s3+$0x0], $0xffff;
	[tilespmem:s26+$0xFFFFFC60] =	vst v30  }
0xfa: {  	v43 =	vor.u32 v4, v21;
	v20 =	vld.idx.msk [tilespmem:v20+s3+$0x0], $0xffff;
	[tilespmem:s26+$0xFFFFFC70] =	vst v19  }
0xfb: {  	v44 =	vor.u32 v5, v21;
	v28 =	vld.idx.msk [tilespmem:v39+s3+$0x0], $0xffff;
	[tilespmem:s26+$0xFFFFFC80] =	vst v31  }
0xfc: {  	v45 =	vor.u32 v6, v21;
	v29 =	vld.idx.msk [tilespmem:v40+s3+$0x0], $0xffff;
	[tilespmem:s26+$0xFFFFFC90] =	vst v32  }
0xfd: {  	v22 =	vshll.u32 v22, $0x7;
	v21 =	vor.u32 v7, v21;
	v19 =	vld.idx.msk [tilespmem:v41+s3+$0x0], $0xffff;
	[tilespmem:s26+$0xFFFFFCA0] =	vst v33  }
0xfe: {  	v46 =	vor.u32 v0, v22;
	v30 =	vld.idx.msk [tilespmem:v42+s3+$0x0], $0xffff;
	[tilespmem:s26+$0xFFFFFCB0] =	vst v26  }
0xff: {  	v47 =	vor.u32 v1, v22;
	v31 =	vld.idx.msk [tilespmem:v43+s3+$0x0], $0xffff;
	[tilespmem:s26+$0xFFFFFCC0] =	vst v27  }
0x100: {  	v48 =	vor.u32 v2, v22;
	v27 =	vld.idx.msk [tilespmem:v44+s3+$0x0], $0xffff;
	[tilespmem:s26+$0xFFFFFCD0] =	vst v24  }
0x101: {  	v49 =	vor.u32 v3, v22;
	v26 =	vld.idx.msk [tilespmem:v45+s3+$0x0], $0xffff;
	[tilespmem:s26+$0xFFFFFCE0] =	vst v25  }
0x102: {  	v50 =	vor.u32 v4, v22;
	v21 =	vld.idx.msk [tilespmem:v21+s3+$0x0], $0xffff;
	[tilespmem:s26+$0xFFFFFCF0] =	vst v20  }
0x103: {  	v51 =	vor.u32 v5, v22;
	v24 =	vld.idx.msk [tilespmem:v46+s3+$0x0], $0xffff;
	[tilespmem:s26+$0xFFFFFD00] =	vst v28  }
0x104: {  	v52 =	vor.u32 v6, v22;
	v25 =	vld.idx.msk [tilespmem:v47+s3+$0x0], $0xffff;
	[tilespmem:s26+$0xFFFFFD10] =	vst v29  }
0x105: {  	v23 =	vshll.u32 v23, $0x7;
	v22 =	vor.u32 v7, v22;
	v20 =	vld.idx.msk [tilespmem:v48+s3+$0x0], $0xffff;
	[tilespmem:s26+$0xFFFFFD20] =	vst v19  }
0x106: {  	v53 =	vor.u32 v0, v23;
	v28 =	vld.idx.msk [tilespmem:v49+s3+$0x0], $0xffff;
	[tilespmem:s26+$0xFFFFFD30] =	vst v30  }
0x107: {  	v54 =	vor.u32 v1, v23;
	v29 =	vld.idx.msk [tilespmem:v50+s3+$0x0], $0xffff;
	[tilespmem:s26+$0xFFFFFD40] =	vst v31  }
0x108: {  	v55 =	vor.u32 v2, v23;
	v19 =	vld.idx.msk [tilespmem:v51+s3+$0x0], $0xffff;
	[tilespmem:s26+$0xFFFFFD50] =	vst v27  }
0x109: {  	v56 =	vor.u32 v3, v23;
	v30 =	vld.idx.msk [tilespmem:v52+s3+$0x0], $0xffff;
	[tilespmem:s26+$0xFFFFFD60] =	vst v26  }
0x10a: {  	v57 =	vor.u32 v4, v23;
	v22 =	vld.idx.msk [tilespmem:v22+s3+$0x0], $0xffff;
	[tilespmem:s26+$0xFFFFFD70] =	vst v21  }
0x10b: {  	v58 =	vor.u32 v5, v23;
	v27 =	vld.idx.msk [tilespmem:v53+s3+$0x0], $0xffff;
	[tilespmem:s26+$0xFFFFFD80] =	vst v24  }
0x10c: {  	v59 =	vor.u32 v6, v23;
	v26 =	vld.idx.msk [tilespmem:v54+s3+$0x0], $0xffff;
	[tilespmem:s26+$0xFFFFFD90] =	vst v25  }
0x10d: {  	v18 =	vshll.u32 v18, $0x7;
	v23 =	vor.u32 v7, v23;
	v21 =	vld.idx.msk [tilespmem:v55+s3+$0x0], $0xffff;
	[tilespmem:s26+$0xFFFFFDA0] =	vst v20  }
0x10e: {  	v60 =	vor.u32 v0, v18;
	v24 =	vld.idx.msk [tilespmem:v56+s3+$0x0], $0xffff;
	[tilespmem:s26+$0xFFFFFDB0] =	vst v28  }
0x10f: {  	v61 =	vor.u32 v1, v18;
	v25 =	vld.idx.msk [tilespmem:v57+s3+$0x0], $0xffff;
	[tilespmem:s26+$0xFFFFFDC0] =	vst v29  }
0x110: {  	v62 =	vor.u32 v2, v18;
	v20 =	vld.idx.msk [tilespmem:v58+s3+$0x0], $0xffff;
	[tilespmem:s26+$0xFFFFFDD0] =	vst v19  }
0x111: {  	v63 =	vor.u32 v3, v18;
	v28 =	vld.idx.msk [tilespmem:v59+s3+$0x0], $0xffff;
	[tilespmem:s26+$0xFFFFFDE0] =	vst v30  }
0x112: {  	v30 =	vor.u32 v4, v18;
	v23 =	vld.idx.msk [tilespmem:v23+s3+$0x0], $0xffff;
	[tilespmem:s26+$0xFFFFFDF0] =	vst v22  }
0x113: {  	v31 =	vor.u32 v5, v18;
	v19 =	vld.idx.msk [tilespmem:v60+s3+$0x0], $0xffff;
	[tilespmem:s26+$0xFFFFFE00] =	vst v27  }
0x114: {  	v32 =	vor.u32 v6, v18;
	v29 =	vld.idx.msk [tilespmem:v61+s3+$0x0], $0xffff;
	[tilespmem:s26+$0xFFFFFE10] =	vst v26  }
0x115: {  	v17 =	vshll.u32 v17, $0x7;
	v18 =	vor.u32 v7, v18;
	v22 =	vld.idx.msk [tilespmem:v62+s3+$0x0], $0xffff;
	[tilespmem:s26+$0xFFFFFE20] =	vst v21  }
0x116: {  	v33 =	vor.u32 v0, v17;
	v27 =	vld.idx.msk [tilespmem:v63+s3+$0x0], $0xffff;
	[tilespmem:s26+$0xFFFFFE30] =	vst v24  }
0x117: {  	v34 =	vor.u32 v1, v17;
	v26 =	vld.idx.msk [tilespmem:v30+s3+$0x0], $0xffff;
	[tilespmem:s26+$0xFFFFFE40] =	vst v25  }
0x118: {  	v35 =	vor.u32 v2, v17;
	v21 =	vld.idx.msk [tilespmem:v31+s3+$0x0], $0xffff;
	[tilespmem:s26+$0xFFFFFE50] =	vst v20  }
0x119: {  	v36 =	vor.u32 v3, v17;
	v24 =	vld.idx.msk [tilespmem:v32+s3+$0x0], $0xffff;
	[tilespmem:s26+$0xFFFFFE60] =	vst v28  }
0x11a: {  	v37 =	vor.u32 v4, v17;
	v18 =	vld.idx.msk [tilespmem:v18+s3+$0x0], $0xffff;
	[tilespmem:s26+$0xFFFFFE70] =	vst v23  }
0x11b: {  	v38 =	vor.u32 v5, v17;
	v20 =	vld.idx.msk [tilespmem:v33+s3+$0x0], $0xffff;
	[tilespmem:s26+$0xFFFFFE80] =	vst v19  }
0x11c: {  	v39 =	vor.u32 v6, v17;
	v25 =	vld.idx.msk [tilespmem:v34+s3+$0x0], $0xffff;
	[tilespmem:s26+$0xFFFFFE90] =	vst v29  }
0x11d: {  	v16 =	vshll.u32 v16, $0x7;
	v17 =	vor.u32 v7, v17;
	v23 =	vld.idx.msk [tilespmem:v35+s3+$0x0], $0xffff;
	[tilespmem:s26+$0xFFFFFEA0] =	vst v22  }
0x11e: {  	v40 =	vor.u32 v0, v16;
	v19 =	vld.idx.msk [tilespmem:v36+s3+$0x0], $0xffff;
	[tilespmem:s26+$0xFFFFFEB0] =	vst v27  }
0x11f: {  	v41 =	vor.u32 v1, v16;
	v28 =	vld.idx.msk [tilespmem:v37+s3+$0x0], $0xffff;
	[tilespmem:s26+$0xFFFFFEC0] =	vst v26  }
0x120: {  	v42 =	vor.u32 v2, v16;
	v22 =	vld.idx.msk [tilespmem:v38+s3+$0x0], $0xffff;
	[tilespmem:s26+$0xFFFFFED0] =	vst v21  }
0x121: {  	v43 =	vor.u32 v3, v16;
	v26 =	vld.idx.msk [tilespmem:v39+s3+$0x0], $0xffff;
	[tilespmem:s26+$0xFFFFFEE0] =	vst v24  }
0x122: {  	v44 =	vor.u32 v4, v16;
	v17 =	vld.idx.msk [tilespmem:v17+s3+$0x0], $0xffff;
	[tilespmem:s26+$0xFFFFFEF0] =	vst v18  }
0x123: {  	v45 =	vor.u32 v5, v16;
	v21 =	vld.idx.msk [tilespmem:v40+s3+$0x0], $0xffff;
	[tilespmem:s26+$0xFFFFFF00] =	vst v20  }
0x124: {  	v46 =	vor.u32 v6, v16;
	v24 =	vld.idx.msk [tilespmem:v41+s3+$0x0], $0xffff;
	[tilespmem:s26+$0xFFFFFF10] =	vst v25  }
0x125: {  	v15 =	vshll.u32 v15, $0x7;
	v16 =	vor.u32 v7, v16;
	v18 =	vld.idx.msk [tilespmem:v42+s3+$0x0], $0xffff;
	[tilespmem:s26+$0xFFFFFF20] =	vst v23  }
0x126: {  	v47 =	vor.u32 v0, v15;
	v20 =	vld.idx.msk [tilespmem:v43+s3+$0x0], $0xffff;
	[tilespmem:s26+$0xFFFFFF30] =	vst v19  }
0x127: {  	v48 =	vor.u32 v1, v15;
	v25 =	vld.idx.msk [tilespmem:v44+s3+$0x0], $0xffff;
	[tilespmem:s26+$0xFFFFFF40] =	vst v28  }
0x128: {  	v49 =	vor.u32 v2, v15;
	v23 =	vld.idx.msk [tilespmem:v45+s3+$0x0], $0xffff;
	[tilespmem:s26+$0xFFFFFF50] =	vst v22  }
0x129: {  	v50 =	vor.u32 v3, v15;
	v19 =	vld.idx.msk [tilespmem:v46+s3+$0x0], $0xffff;
	[tilespmem:s26+$0xFFFFFF60] =	vst v26  }
0x12a: {  	v51 =	vor.u32 v4, v15;
	v16 =	vld.idx.msk [tilespmem:v16+s3+$0x0], $0xffff;
	[tilespmem:s26+$0xFFFFFF70] =	vst v17  }
0x12b: {  	v52 =	vor.u32 v5, v15;
	v22 =	vld.idx.msk [tilespmem:v47+s3+$0x0], $0xffff;
	[tilespmem:s26+$0xFFFFFF80] =	vst v21  }
0x12c: {  	v53 =	vor.u32 v6, v15;
	v26 =	vld.idx.msk [tilespmem:v48+s3+$0x0], $0xffff;
	[tilespmem:s26+$0xFFFFFF90] =	vst v24  }
0x12d: {  	v14 =	vshll.u32 v14, $0x7;
	v15 =	vor.u32 v7, v15;
	v17 =	vld.idx.msk [tilespmem:v49+s3+$0x0], $0xffff;
	[tilespmem:s26+$0xFFFFFFA0] =	vst v18  }
0x12e: {  	v54 =	vor.u32 v0, v14;
	v21 =	vld.idx.msk [tilespmem:v50+s3+$0x0], $0xffff;
	[tilespmem:s26+$0xFFFFFFB0] =	vst v20  }
0x12f: {  	v55 =	vor.u32 v1, v14;
	v24 =	vld.idx.msk [tilespmem:v51+s3+$0x0], $0xffff;
	[tilespmem:s26+$0xFFFFFFC0] =	vst v25  }
0x130: {  	v56 =	vor.u32 v2, v14;
	v18 =	vld.idx.msk [tilespmem:v52+s3+$0x0], $0xffff;
	[tilespmem:s26+$0xFFFFFFD0] =	vst v23  }
0x131: {  	v57 =	vor.u32 v3, v14;
	v20 =	vld.idx.msk [tilespmem:v53+s3+$0x0], $0xffff;
	[tilespmem:s26+$0xFFFFFFE0] =	vst v19  }
0x132: {  	v58 =	vor.u32 v4, v14;
	v15 =	vld.idx.msk [tilespmem:v15+s3+$0x0], $0xffff;
	[tilespmem:s26+$0xFFFFFFF0] =	vst v16  }
0x133: {  	v59 =	vor.u32 v5, v14;
	v23 =	vld.idx.msk [tilespmem:v54+s3+$0x0], $0xffff;
	[tilespmem:s26+$0x0] =	vst v22  }
0x134: {  	v60 =	vor.u32 v6, v14;
	v19 =	vld.idx.msk [tilespmem:v55+s3+$0x0], $0xffff;
	[tilespmem:s26+$0x10] =	vst v26  }
0x135: {  	v13 =	vshll.u32 v13, $0x7;
	v14 =	vor.u32 v7, v14;
	v16 =	vld.idx.msk [tilespmem:v56+s3+$0x0], $0xffff;
	[tilespmem:s26+$0x20] =	vst v17  }
0x136: {  	v61 =	vor.u32 v0, v13;
	v22 =	vld.idx.msk [tilespmem:v57+s3+$0x0], $0xffff;
	[tilespmem:s26+$0x30] =	vst v21  }
0x137: {  	v62 =	vor.u32 v1, v13;
	v25 =	vld.idx.msk [tilespmem:v58+s3+$0x0], $0xffff;
	[tilespmem:s26+$0x40] =	vst v24  }
0x138: {  	v63 =	vor.u32 v2, v13;
	v17 =	vld.idx.msk [tilespmem:v59+s3+$0x0], $0xffff;
	[tilespmem:s26+$0x50] =	vst v18  }
0x139: {  	v24 =	vor.u32 v3, v13;
	v21 =	vld.idx.msk [tilespmem:v60+s3+$0x0], $0xffff;
	[tilespmem:s26+$0x60] =	vst v20  }
0x13a: {  	v26 =	vor.u32 v4, v13;
	v14 =	vld.idx.msk [tilespmem:v14+s3+$0x0], $0xffff;
	[tilespmem:s26+$0x70] =	vst v15  }
0x13b: {  	v27 =	vor.u32 v5, v13;
	v18 =	vld.idx.msk [tilespmem:v61+s3+$0x0], $0xffff;
	[tilespmem:s26+$0x80] =	vst v23  }
0x13c: {  	v28 =	vor.u32 v6, v13;
	v20 =	vld.idx.msk [tilespmem:v62+s3+$0x0], $0xffff;
	[tilespmem:s26+$0x90] =	vst v19  }
0x13d: {  	v12 =	vshll.u32 v12, $0x7;
	v13 =	vor.u32 v7, v13;
	v15 =	vld.idx.msk [tilespmem:v63+s3+$0x0], $0xffff;
	[tilespmem:s26+$0xA0] =	vst v16  }
0x13e: {  	v29 =	vor.u32 v0, v12;
	v23 =	vld.idx.msk [tilespmem:v24+s3+$0x0], $0xffff;
	[tilespmem:s26+$0xB0] =	vst v22  }
0x13f: {  	v30 =	vor.u32 v1, v12;
	v19 =	vld.idx.msk [tilespmem:v26+s3+$0x0], $0xffff;
	[tilespmem:s26+$0xC0] =	vst v25  }
0x140: {  	v31 =	vor.u32 v2, v12;
	v16 =	vld.idx.msk [tilespmem:v27+s3+$0x0], $0xffff;
	[tilespmem:s26+$0xD0] =	vst v17  }
0x141: {  	v32 =	vor.u32 v3, v12;
	v22 =	vld.idx.msk [tilespmem:v28+s3+$0x0], $0xffff;
	[tilespmem:s26+$0xE0] =	vst v21  }
0x142: {  	v33 =	vor.u32 v4, v12;
	v13 =	vld.idx.msk [tilespmem:v13+s3+$0x0], $0xffff;
	[tilespmem:s26+$0xF0] =	vst v14  }
0x143: {  	v34 =	vor.u32 v5, v12;
	v17 =	vld.idx.msk [tilespmem:v29+s3+$0x0], $0xffff;
	[tilespmem:s26+$0x100] =	vst v18  }
0x144: {  	v35 =	vor.u32 v6, v12;
	v21 =	vld.idx.msk [tilespmem:v30+s3+$0x0], $0xffff;
	[tilespmem:s26+$0x110] =	vst v20  }
0x145: {  	v11 =	vshll.u32 v11, $0x7;
	v12 =	vor.u32 v7, v12;
	v14 =	vld.idx.msk [tilespmem:v31+s3+$0x0], $0xffff;
	[tilespmem:s26+$0x120] =	vst v15  }
0x146: {  	v36 =	vor.u32 v0, v11;
	v18 =	vld.idx.msk [tilespmem:v32+s3+$0x0], $0xffff;
	[tilespmem:s26+$0x130] =	vst v23  }
0x147: {  	v37 =	vor.u32 v1, v11;
	v20 =	vld.idx.msk [tilespmem:v33+s3+$0x0], $0xffff;
	[tilespmem:s26+$0x140] =	vst v19  }
0x148: {  	v38 =	vor.u32 v2, v11;
	v15 =	vld.idx.msk [tilespmem:v34+s3+$0x0], $0xffff;
	[tilespmem:s26+$0x150] =	vst v16  }
0x149: {  	v39 =	vor.u32 v3, v11;
	v19 =	vld.idx.msk [tilespmem:v35+s3+$0x0], $0xffff;
	[tilespmem:s26+$0x160] =	vst v22  }
0x14a: {  	v40 =	vor.u32 v4, v11;
	v12 =	vld.idx.msk [tilespmem:v12+s3+$0x0], $0xffff;
	[tilespmem:s26+$0x170] =	vst v13  }
0x14b: {  	v41 =	vor.u32 v5, v11;
	v16 =	vld.idx.msk [tilespmem:v36+s3+$0x0], $0xffff;
	[tilespmem:s26+$0x180] =	vst v17  }
0x14c: {  	v42 =	vor.u32 v6, v11;
	v22 =	vld.idx.msk [tilespmem:v37+s3+$0x0], $0xffff;
	[tilespmem:s26+$0x190] =	vst v21  }
0x14d: {  	v10 =	vshll.u32 v10, $0x7;
	v11 =	vor.u32 v7, v11;
	v13 =	vld.idx.msk [tilespmem:v38+s3+$0x0], $0xffff;
	[tilespmem:s26+$0x1A0] =	vst v14  }
0x14e: {  	v43 =	vor.u32 v0, v10;
	v17 =	vld.idx.msk [tilespmem:v39+s3+$0x0], $0xffff;
	[tilespmem:s26+$0x1B0] =	vst v18  }
0x14f: {  	v44 =	vor.u32 v1, v10;
	v21 =	vld.idx.msk [tilespmem:v40+s3+$0x0], $0xffff;
	[tilespmem:s26+$0x1C0] =	vst v20  }
0x150: {  	v45 =	vor.u32 v2, v10;
	v14 =	vld.idx.msk [tilespmem:v41+s3+$0x0], $0xffff;
	[tilespmem:s26+$0x1D0] =	vst v15  }
0x151: {  	v46 =	vor.u32 v3, v10;
	v18 =	vld.idx.msk [tilespmem:v42+s3+$0x0], $0xffff;
	[tilespmem:s26+$0x1E0] =	vst v19  }
0x152: {  	v47 =	vor.u32 v4, v10;
	v11 =	vld.idx.msk [tilespmem:v11+s3+$0x0], $0xffff;
	[tilespmem:s26+$0x1F0] =	vst v12  }
0x153: {  	v48 =	vor.u32 v5, v10;
	v15 =	vld.idx.msk [tilespmem:v43+s3+$0x0], $0xffff;
	[tilespmem:s26+$0x200] =	vst v16  }
0x154: {  	v49 =	vor.u32 v6, v10;
	v19 =	vld.idx.msk [tilespmem:v44+s3+$0x0], $0xffff;
	[tilespmem:s26+$0x210] =	vst v22  }
0x155: {  	v9 =	vshll.u32 v9, $0x7;
	v10 =	vor.u32 v7, v10;
	v12 =	vld.idx.msk [tilespmem:v45+s3+$0x0], $0xffff;
	[tilespmem:s26+$0x220] =	vst v13  }
0x156: {  	v50 =	vor.u32 v0, v9;
	v16 =	vld.idx.msk [tilespmem:v46+s3+$0x0], $0xffff;
	[tilespmem:s26+$0x230] =	vst v17  }
0x157: {  	v51 =	vor.u32 v1, v9;
	v20 =	vld.idx.msk [tilespmem:v47+s3+$0x0], $0xffff;
	[tilespmem:s26+$0x240] =	vst v21  }
0x158: {  	v52 =	vor.u32 v2, v9;
	v13 =	vld.idx.msk [tilespmem:v48+s3+$0x0], $0xffff;
	[tilespmem:s26+$0x250] =	vst v14  }
0x159: {  	v53 =	vor.u32 v3, v9;
	v17 =	vld.idx.msk [tilespmem:v49+s3+$0x0], $0xffff;
	[tilespmem:s26+$0x260] =	vst v18  }
0x15a: {  	v54 =	vor.u32 v4, v9;
	v10 =	vld.idx.msk [tilespmem:v10+s3+$0x0], $0xffff;
	[tilespmem:s26+$0x270] =	vst v11  }
0x15b: {  	v55 =	vor.u32 v5, v9;
	v14 =	vld.idx.msk [tilespmem:v50+s3+$0x0], $0xffff;
	[tilespmem:s26+$0x280] =	vst v15  }
0x15c: {  	v56 =	vor.u32 v6, v9;
	v18 =	vld.idx.msk [tilespmem:v51+s3+$0x0], $0xffff;
	[tilespmem:s26+$0x290] =	vst v19  }
0x15d: {  	v8 =	vshll.u32 v8, $0x7;
	v9 =	vor.u32 v7, v9;
	v11 =	vld.idx.msk [tilespmem:v52+s3+$0x0], $0xffff;
	[tilespmem:s26+$0x2A0] =	vst v12  }
0x15e: {  	v57 =	vor.u32 v0, v8;
	v15 =	vld.idx.msk [tilespmem:v53+s3+$0x0], $0xffff;
	[tilespmem:s26+$0x2B0] =	vst v16  }
0x15f: {  	v58 =	vor.u32 v1, v8;
	v19 =	vld.idx.msk [tilespmem:v54+s3+$0x0], $0xffff;
	[tilespmem:s26+$0x2C0] =	vst v20  }
0x160: {  	v59 =	vor.u32 v2, v8;
	v12 =	vld.idx.msk [tilespmem:v55+s3+$0x0], $0xffff;
	[tilespmem:s26+$0x2D0] =	vst v13  }
0x161: {  	v60 =	vor.u32 v3, v8;
	v16 =	vld.idx.msk [tilespmem:v56+s3+$0x0], $0xffff;
	[tilespmem:s26+$0x2E0] =	vst v17  }
0x162: {  	v61 =	vor.u32 v4, v8;
	v9 =	vld.idx.msk [tilespmem:v9+s3+$0x0], $0xffff;
	[tilespmem:s26+$0x2F0] =	vst v10  }
0x163: {  	v62 =	vor.u32 v5, v8;
	v13 =	vld.idx.msk [tilespmem:v57+s3+$0x0], $0xffff;
	[tilespmem:s26+$0x300] =	vst v14  }
0x164: {  	v63 =	vor.u32 v6, v8;
	v17 =	vld.idx.msk [tilespmem:v58+s3+$0x0], $0xffff;
	[tilespmem:s26+$0x310] =	vst v18  }
0x165: {  	v8 =	vor.u32 v7, v8;
	v10 =	vld.idx.msk [tilespmem:v59+s3+$0x0], $0xffff;
	[tilespmem:s26+$0x320] =	vst v11  }
0x166: {  	v14 =	vld.idx.msk [tilespmem:v60+s3+$0x0], $0xffff;
	[tilespmem:s26+$0x330] =	vst v15  }
0x167: {  	v18 =	vld.idx.msk [tilespmem:v61+s3+$0x0], $0xffff;
	[tilespmem:s26+$0x340] =	vst v19  }
0x168: {  	v11 =	vld.idx.msk [tilespmem:v62+s3+$0x0], $0xffff;
	[tilespmem:s26+$0x350] =	vst v12  }
0x169: {  	v12 =	vld.idx.msk [tilespmem:v63+s3+$0x0], $0xffff;
	[tilespmem:s26+$0x360] =	vst v16  }
0x16a: {  	v8 =	vld.idx.msk [tilespmem:v8+s3+$0x0], $0xffff;
	[tilespmem:s26+$0x370] =	vst v9  }
0x16b: {  	[tilespmem:s26+$0x380] =	vst v13  }
0x16c: {  	[tilespmem:s26+$0x390] =	vst v17  }
0x16d: {  	p0 =	sne.s32 s25, $0x180;
	[tilespmem:s26+$0x3A0] =	vst v10  }
.Ltmp6:
0x16e: {  	[tilespmem:s26+$0x3B0] =	vst v14;
	(pc) =	sbr.rel @p0 .LBB2_9-.Ltmp6, $4  }
0x16f: {  	[tilespmem:s26+$0x3C0] =	vst v18  }
0x170: {  	[tilespmem:s26+$0x3D0] =	vst v11  }
0x171: {  	[tilespmem:s26+$0x3E0] =	vst v12  }
0x172: {  	s25 =	sadd.s32 $0x10, s25;
	[tilespmem:s26+$0x3F0] =	vst v8;
	s26 =	sadd.s32 $0x800, s26  }
0x173: {  	p0 =	seq.s32 s23, $0x7F  }
.Ltmp7:
0x174: {  	_ = 	snop;
	(pc) =	sbr.rel @p0 .LBB2_12-.Ltmp7, $4  }
0x175: {  	s24 =	sadd.s32 s24, s10  }
0x176: {  	s24 =	sshrl.u32 s24, $0x3  }
0x177: {  	s24 =	sadd.s32 s2, s24  }
0x178: {  	[hbm4b:s24+s3] =	stream.linear.scatter [tilespmem:s20], [sflag:$0x5], $0xC800, $0x38;
	[tilespmem:$0x19800] =	vst v63  }
0x179: {  	s24 =	smul.u32 $0x320, s23  }
.Ltmp8:
0x17a: {  	_ = 	snop;
	(pc) =	sbr.rel .LBB2_2-.Ltmp8, $4  }
0x17b: {  	s24 =	sadd.s32 s24, s11  }
0x17c: {  	s24 =	sshrl.u32 s24, $0x3  }
0x17d: {  	s23 =	sadd.s32 $0x1, s23;
	s24 =	sadd.s32 s4, s24  }
0x17e: {  	[tilespmem:s15], [sflag:$0x3] =	stream.linear.gather [hbm4b:s24+s3], $0x190, $0x38;
	[tilespmem:$0x19800] =	vst v63  }
.LBB2_13:
0x17f: {  	_ =	sfence.sel $0x180000  }
0x180: {  	[bflag:$0x0] =	sbarrier.arrive $0xFFFF  }
0x181: {  	p0 =	sne.s32 s0, $0x0;
	_ =	strace $0x90000047  }
0x182: {  	s0 =	sadd.s32 @!p0 $0x100000, s1;
	[bflag:$0x2] =	sbarrier.arrive $0xFFFF  }
0x183: {  	[sflag:s0] =	ssyncadd.tile.s32 @!p0 $0x1;
	_ =	shalt  }
.Lfunc_end2:
_tile_overlayer_lowered:
.L_overlay_start_2:
0x184: {  	(tag) =	ssettag $0x2  }
0x185: {  	s0 =	rddreg [dreg:$0x0];
	s2 =	stileid.u32  }
0x186: {  	s1 =	rddreg [dreg:$0x1];
	p0 =	sne.s32 s2, $0x0  }
0x187: {  	s3 =	rddreg [dreg:$0x2];
	[bflag:$0x3] =	sbarrier.arrive $0xFFFF;
	s2 =	simm.s32 @!p0 $0x1C06  }
0x188: {  	[timem:s3], [sflag:s2] =	dma.local @!p0 [hbm:s0], s1  }
0x189: {  	s0 =	simm.s32 @!p0 $0x6  }
0x18a: {  	_ =	swait.ge @!p0 [sflag:s0], s1  }
0x18b: {  	s1 =	ssub.s32 @!p0 $0x0, s1;
	[sflag:s0] =	ssyncset.done @!p0 $0x0  }
0x18c: {  	[sflag:s0] =	ssyncadd.s32 @!p0 s1  }
0x18d: {  	[bflag:$0x3] =	sbarrier.arrive $0xFFFF  }
0x18e: {  	_ =	shalt  }

</sc_bundles>
